<compile_context>
chip_gen: v7x
topology: tpu7x:2x2x1
jax: 0.10.2.dev20260603
libtpu: 0.0.44.dev20260713+nightly
codegen_flags: <defaults>
</compile_context>

<pallas_src>
import jax
import jax.numpy as jnp
from jax import lax
from jax.experimental import pallas as pl
from jax.experimental.pallas import tpu as pltpu
from jax.experimental.pallas import tpu_sc as plsc

N = 10000
E = 320000
G = 64
F1 = 128
FP = 16
NC, NS = 2, 16
NW = NC * NS
CHUNK = 128
NCHUNK = 80
EPW = NCHUNK * CHUNK
E_PAD = EPW * NW
FH = F1 // NC
NCHUNK_F = E_PAD // (NS * CHUNK)
NPAD = 10112
RPT = NPAD // NS


def _sc_mesh():
    return plsc.VectorSubcoreMesh(core_axis_name="c", subcore_axis_name="s")


def _deg_body(dst_hbm, ones_hbm, zeros_hbm, out_hbm, acc_sh, idx2_v, rows_v, sem):
    c = lax.axis_index("c")
    s = lax.axis_index("s")
    w = s * NC + c
    pltpu.sync_copy(zeros_hbm, acc_sh.at[pl.ds(s * RPT, RPT)])
    pltpu.sync_copy(ones_hbm, rows_v)
    pltpu.sync_copy(dst_hbm.at[w], idx2_v)
    plsc.subcore_barrier()

    @pl.loop(0, NCHUNK)
    def _fire(i):
        pltpu.async_copy(rows_v, acc_sh.at[idx2_v.at[i]], sem, add=True)

    @pl.loop(0, NCHUNK)
    def _drain(i):
        pltpu.make_async_copy(rows_v, acc_sh.at[idx2_v.at[i]], sem).wait()

    plsc.subcore_barrier()
    pltpu.sync_copy(acc_sh.at[pl.ds(s * RPT, RPT)],
                    out_hbm.at[c, pl.ds(s * RPT, RPT)])


def _sc_degree(dst3, ones_blk, zeros_blk):
    k = pl.kernel(
        _deg_body,
        out_type=jax.ShapeDtypeStruct((NC, NPAD, FP), jnp.bfloat16),
        mesh=_sc_mesh(),
        compiler_params=pltpu.CompilerParams(use_tc_tiling_on_sc=False),
        scratch_types=[
            pltpu.VMEM_SHARED((NPAD, FP), jnp.bfloat16),
            pltpu.VMEM((NCHUNK, CHUNK), jnp.int32),
            pltpu.VMEM((CHUNK, FP), jnp.bfloat16),
            pltpu.SemaphoreType.DMA,
        ],
    )
    return k(dst3, ones_blk, zeros_blk)


def _make_prop_body(featc, ring, ahead, nchunks, fsplit):
    def body(src_hbm, dst_hbm, table_hbm, zeros_hbm, out_hbm,
             acc_sh, src2_v, dst2_v, *rest):
        rows = rest[:ring]
        sg = rest[ring:2 * ring]
        ss = rest[2 * ring:3 * ring]
        c = lax.axis_index("c")
        s = lax.axis_index("s")
        slab = s if fsplit else s * NC + c
        table = table_hbm.at[c] if fsplit else table_hbm
        pltpu.sync_copy(zeros_hbm, acc_sh.at[pl.ds(s * RPT, RPT)])
        pltpu.sync_copy(src_hbm.at[slab], src2_v)
        pltpu.sync_copy(dst_hbm.at[slab], dst2_v)
        plsc.subcore_barrier()

        for g in range(ahead):
            pltpu.async_copy(table.at[src2_v.at[g]], rows[g], sg[g])

        @pl.loop(0, nchunks // ring)
        def _blk(j):
            for b in range(ring):
                g = j * ring + b
                pltpu.make_async_copy(table.at[src2_v.at[g]],
                                      rows[b], sg[b]).wait()
                pltpu.async_copy(rows[b], acc_sh.at[dst2_v.at[g]], ss[b],
                                 add=True)
                g2 = g + ahead
                b2 = (b + ahead) % ring

                @pl.when(g2 < nchunks)
                def _fire_next():
                    @pl.when(g2 >= ring)
                    def _free_buf():
                        pltpu.make_async_copy(
                            rows[b2], acc_sh.at[dst2_v.at[g2 - ring]],
                            ss[b2]).wait()

                    pltpu.async_copy(table.at[src2_v.at[g2]],
                                     rows[b2], sg[b2])

        for b in range(ring):
            g = nchunks - ring + b
            pltpu.make_async_copy(rows[b], acc_sh.at[dst2_v.at[g]],
                                  ss[b]).wait()

        plsc.subcore_barrier()
        pltpu.sync_copy(acc_sh.at[pl.ds(s * RPT, RPT)],
                        out_hbm.at[c, pl.ds(s * RPT, RPT)])

    return body


def _sc_propagate(src3, dst3, table, zeros_blk, featc, ring, ahead, nchunks,
                  fsplit, dtype):
    k = pl.kernel(
        _make_prop_body(featc, ring, ahead, nchunks, fsplit),
        out_type=jax.ShapeDtypeStruct((NC, NPAD, featc), dtype),
        mesh=_sc_mesh(),
        compiler_params=pltpu.CompilerParams(use_tc_tiling_on_sc=False),
        scratch_types=(
            [
                pltpu.VMEM_SHARED((NPAD, featc), dtype),
                pltpu.VMEM((nchunks, CHUNK), jnp.int32),
                pltpu.VMEM((nchunks, CHUNK), jnp.int32),
            ]
            + [pltpu.VMEM((CHUNK, featc), dtype) for _ in range(ring)]
            + [pltpu.SemaphoreType.DMA for _ in range(2 * ring)]
        ),
    )
    return k(src3, dst3, table, zeros_blk)



def _tc_a0_body(x_ref, w1_ref, xw_ref):
    xw_ref[...] = jnp.dot(x_ref[...], w1_ref[...],
                          preferred_element_type=jnp.float32)


def _tc_a0(x, w1):
    return pl.pallas_call(
        _tc_a0_body,
        out_shape=jax.ShapeDtypeStruct((N, F1), jnp.float32),
    )(x, w1)


def _tc_a_body(deg_ref, xw_ref, y_ref, dinv_ref):
    p0 = deg_ref[0, 0:N, 0:1].astype(jnp.float32)
    p1 = deg_ref[1, 0:N, 0:1].astype(jnp.float32)
    dinv = lax.rsqrt(1.0 + p0 + p1)
    xw = xw_ref[...] * dinv
    y_ref[0, 0:N, :] = xw[:, 0:FH].astype(jnp.bfloat16)
    y_ref[1, 0:N, :] = xw[:, FH:F1].astype(jnp.bfloat16)
    y_ref[0, N:NPAD, :] = jnp.zeros((NPAD - N, FH), jnp.bfloat16)
    y_ref[1, N:NPAD, :] = jnp.zeros((NPAD - N, FH), jnp.bfloat16)
    dinv_ref[...] = dinv


def _tc_a(deg_parts, xw):
    return pl.pallas_call(
        _tc_a_body,
        out_shape=[
            jax.ShapeDtypeStruct((NC, NPAD, FH), jnp.bfloat16),
            jax.ShapeDtypeStruct((N, 1), jnp.float32),
        ],
    )(deg_parts, xw)


def _tc_b_body(z_ref, y_ref, dinv_ref, b1_ref, w2_ref, u_ref):
    dinv = dinv_ref[...]
    zy = jnp.concatenate(
        [z_ref[0, 0:N, :].astype(jnp.float32) +
         y_ref[0, 0:N, :].astype(jnp.float32),
         z_ref[1, 0:N, :].astype(jnp.float32) +
         y_ref[1, 0:N, :].astype(jnp.float32)], axis=1)
    h = dinv * zy + b1_ref[...]
    h = jnp.where(h >= 0.0, h, 0.01 * h)
    u = jnp.dot(h, w2_ref[...], preferred_element_type=jnp.float32) * dinv
    u_ref[0:N, :] = u.astype(jnp.bfloat16)
    u_ref[N:NPAD, :] = jnp.zeros((NPAD - N, FP), jnp.bfloat16)


def _tc_b(z_parts, y_pad, dinv, b1, w2p):
    return pl.pallas_call(
        _tc_b_body,
        out_shape=jax.ShapeDtypeStruct((NPAD, FP), jnp.bfloat16),
    )(z_parts, y_pad, dinv, b1, w2p)


def _tc_c_body(z2_ref, u_ref, dinv_ref, b2_ref, batch_ref, out_ref):
    o = dinv_ref[...] * (z2_ref[0, 0:N, :].astype(jnp.float32) +
                         z2_ref[1, 0:N, :].astype(jnp.float32) +
                         u_ref[0:N, :].astype(jnp.float32)) + b2_ref[...]
    col = lax.broadcasted_iota(jnp.int32, (N, FP), 1)
    feat = jnp.where(col == 4, 1.0, o)
    onehot = (batch_ref[...] ==
              lax.broadcasted_iota(jnp.int32, (N, G), 1)).astype(jnp.float32)
    pooled = lax.dot_general(onehot, feat, (((0,), (0,)), ((), ())),
                             preferred_element_type=jnp.float32)
    cnt = jnp.maximum(pooled[:, 4:5], 1.0)
    mean = pooled[:, 0:4] / cnt
    m = jnp.max(mean, axis=1, keepdims=True)
    e = jnp.exp(mean - m)
    out_ref[...] = e / jnp.sum(e, axis=1, keepdims=True)


def _tc_c(z2_parts, u_pad, dinv, b2p, batch2d):
    return pl.pallas_call(
        _tc_c_body,
        out_shape=jax.ShapeDtypeStruct((G, 4), jnp.float32),
    )(z2_parts, u_pad, dinv, b2p, batch2d)


def kernel(x, edge_index, batch, W1, b1, W2, b2):
    ei = edge_index.astype(jnp.int32)
    pad = jnp.full((E_PAD - E,), N, dtype=jnp.int32)
    src_flat = jnp.concatenate([ei[0], pad])
    dst_flat = jnp.concatenate([ei[1], pad])
    src_pad = src_flat.reshape(NW, NCHUNK, CHUNK)
    dst_pad = dst_flat.reshape(NW, NCHUNK, CHUNK)
    src_f = src_flat.reshape(NS, NCHUNK_F, CHUNK)
    dst_f = dst_flat.reshape(NS, NCHUNK_F, CHUNK)
    batch2d = batch.astype(jnp.int32).reshape(N, 1)
    b1r = b1.reshape(1, F1)
    w2p = jnp.zeros((F1, FP), jnp.float32).at[:, 0:4].set(W2)
    b2p = jnp.zeros((1, FP), jnp.float32).at[0, 0:4].set(b2)
    ones_blk = jnp.ones((CHUNK, FP), jnp.bfloat16)
    zeros_fp = jnp.zeros((RPT, FP), jnp.bfloat16)
    zeros_fh = jnp.zeros((RPT, FH), jnp.bfloat16)

    xw = _tc_a0(x, W1)
    deg_parts = _sc_degree(dst_pad, ones_blk, zeros_fp)
    y2, dinv = _tc_a(deg_parts, xw)
    z_parts = _sc_propagate(src_f, dst_f, y2, zeros_fh, FH, 5, 3, NCHUNK_F,
                            True, jnp.bfloat16)
    u_pad = _tc_b(z_parts, y2, dinv, b1r, w2p)
    z2_parts = _sc_propagate(src_pad, dst_pad, u_pad, zeros_fp, FP, 10, 5,
                             NCHUNK, False, jnp.bfloat16)
    return _tc_c(z2_parts, u_pad, dinv, b2p, batch2d)

# --- scband reference (transcript-rebuilt; emitter-appended) ---
"""Pipeline reference for scband-graph-cnn-87187836109058 (READ-ONLY COPY).

The authoritative reference and input builder live on the scoring server;
editing this copy changes nothing except your own understanding.
"""

import jax, jax.numpy as jnp
import numpy as np

NUM_NODES = 10000
NUM_EDGES = 320000
NUM_GRAPHS = 64


def setup_inputs(seed: int = 0) -> dict:
    key = jax.random.key(seed)
    k_x, k_ei, k_b, k_w1, k_b1, k_w2, k_b2 = jax.random.split(key, 7)
    x = jax.random.normal(k_x, (NUM_NODES, 128), dtype=jnp.float32)
    edge_index = jax.random.randint(k_ei, (2, NUM_EDGES), 0, NUM_NODES, dtype=jnp.int64)
    batch = jnp.sort(jax.random.randint(k_b, (NUM_NODES,), 0, NUM_GRAPHS, dtype=jnp.int64))
    # GCNConv params (glorot-ish init)
    W1 = jax.random.normal(k_w1, (128, 128), dtype=jnp.float32) * (1.0 / np.sqrt(128.0))
    b1 = jnp.zeros((128,), dtype=jnp.float32)
    W2 = jax.random.normal(k_w2, (128, 4), dtype=jnp.float32) * (1.0 / np.sqrt(128.0))
    b2 = jnp.zeros((4,), dtype=jnp.float32)
    return {"x": x, "edge_index": edge_index, "batch": batch, "W1": W1, "b1": b1, "W2": W2, "b2": b2}


def _gcn_conv(x, edge_index, W, b, num_nodes):
    # PyG GCNConv: add self-loops, symmetric normalization D^-1/2 (A+I) D^-1/2 X W + b
    loop = jnp.arange(num_nodes, dtype=edge_index.dtype)
    src = jnp.concatenate([edge_index[0], loop])
    dst = jnp.concatenate([edge_index[1], loop])
    deg = jnp.zeros((num_nodes,), dtype=x.dtype).at[dst].add(1.0)
    dinv = jnp.where(deg > 0, 1.0 / jnp.sqrt(deg), 0.0)
    norm = dinv[src] * dinv[dst]
    xw = x @ W
    msgs = xw[src] * norm[:, None]
    out = jnp.zeros((num_nodes, W.shape[1]), dtype=x.dtype).at[dst].add(msgs)
    return out + b


def _global_mean_pool(x, batch, num_graphs):
    sums = jax.ops.segment_sum(x, batch, num_segments=num_graphs)
    counts = jax.ops.segment_sum(jnp.ones((x.shape[0],), dtype=x.dtype), batch, num_segments=num_graphs)
    return sums / jnp.clip(counts, 1.0)[:, None]


def reference(x, edge_index, batch, W1, b1, W2, b2):
    h = _gcn_conv(x, edge_index, W1, b1, NUM_NODES)
    h = jax.nn.leaky_relu(h, negative_slope=0.01)
    # F.dropout with training=False (eval mode) is identity
    h = _gcn_conv(h, edge_index, W2, b2, NUM_NODES)
    pooled = _global_mean_pool(h, batch, NUM_GRAPHS)
    out = jax.nn.softmax(pooled, axis=1)
    return out

if __name__ == "__main__":
    import jax
    _d = setup_inputs()
    print(jax.jit(kernel)(*tuple(_d.values())))

</pallas_src>

<mosaic_0001>
#map = affine_map<(d0, d1) -> (0, 0, 0)>
#map1 = affine_map<(d0, d1) -> (0, 0)>
module attributes {stable_mosaic.version = 14 : i64} {
  func.func @_deg_body(%arg0: i32, %arg1: i32, %arg2: memref<32x80x128xi32, #tpu.memory_space<hbm>>, %arg3: memref<128x16xbf16, #tpu.memory_space<hbm>>, %arg4: memref<632x16xbf16, #tpu.memory_space<hbm>>, %arg5: memref<2x10112x16xbf16, #tpu.memory_space<hbm>>, %arg6: memref<10112x16xbf16, #tpu.memory_space<vmem_shared>>, %arg7: memref<80x128xi32, #tpu.memory_space<vmem>>, %arg8: memref<128x16xbf16, #tpu.memory_space<vmem>>, %arg9: memref<!tpu.dma_semaphore, #tpu.memory_space<semaphore_mem>>) attributes {dimension_semantics = [#tpu.dimension_semantics<core_parallel>, #tpu.dimension_semantics<subcore_parallel>], iteration_bounds = array<i64: 2, 16>, scalar_prefetch = 0 : i64, scratch_operands = 4 : i64, tpu.core_type = #tpu.core_type<sc_vector_subcore>, window_params = [{transform_indices = #map}, {transform_indices = #map1}, {transform_indices = #map1}, {transform_indices = #map}]} {
    %mul3A = arith.constant 2 : i32
    %mul3A_0 = arith.muli %arg1, %mul3A : i32
    %add3A = arith.addi %mul3A_0, %arg0 : i32
    %mul3A_1 = arith.constant 632 : i32
    %mul3A_2 = arith.muli %arg1, %mul3A_1 : i32
    "tpu.region"() ({
      %run_scoped3A = tpu.sem_alloc : memref<!tpu.dma_semaphore, #tpu.memory_space<semaphore_mem>>
      %dma_start3A = arith.constant 0 : i32
      %dma_start3A_17 = tpu.memref_slice %arg6[%mul3A_2, %dma_start3A] : memref<10112x16xbf16, #tpu.memory_space<vmem_shared>> -> memref<632x16xbf16, #tpu.memory_space<vmem_shared>>
      tpu.enqueue_dma source(%arg4 : memref<632x16xbf16, #tpu.memory_space<hbm>>) target(%dma_start3A_17 : memref<632x16xbf16, #tpu.memory_space<vmem_shared>>) target_semaphore(%run_scoped3A : memref<!tpu.dma_semaphore, #tpu.memory_space<semaphore_mem>>)
      %dma_wait3A = arith.constant 0 : i32
      %dma_wait3A_18 = tpu.memref_slice %arg6[%mul3A_2, %dma_wait3A] : memref<10112x16xbf16, #tpu.memory_space<vmem_shared>> -> memref<632x16xbf16, #tpu.memory_space<vmem_shared>>
      tpu.wait_dma2 semaphore(%run_scoped3A : memref<!tpu.dma_semaphore, #tpu.memory_space<semaphore_mem>>) src(%arg4 : memref<632x16xbf16, #tpu.memory_space<hbm>>) dst(%dma_wait3A_18 : memref<632x16xbf16, #tpu.memory_space<vmem_shared>>)
      tpu.yield
    }) : () -> ()
    "tpu.region"() ({
      %run_scoped3A = tpu.sem_alloc : memref<!tpu.dma_semaphore, #tpu.memory_space<semaphore_mem>>
      tpu.enqueue_dma source(%arg3 : memref<128x16xbf16, #tpu.memory_space<hbm>>) target(%arg8 : memref<128x16xbf16, #tpu.memory_space<vmem>>) target_semaphore(%run_scoped3A : memref<!tpu.dma_semaphore, #tpu.memory_space<semaphore_mem>>)
      tpu.wait_dma2 semaphore(%run_scoped3A : memref<!tpu.dma_semaphore, #tpu.memory_space<semaphore_mem>>) src(%arg3 : memref<128x16xbf16, #tpu.memory_space<hbm>>) dst(%arg8 : memref<128x16xbf16, #tpu.memory_space<vmem>>)
      tpu.yield
    }) : () -> ()
    "tpu.region"() ({
      %run_scoped3A = tpu.sem_alloc : memref<!tpu.dma_semaphore, #tpu.memory_space<semaphore_mem>>
      %dma_start3A = arith.constant 0 : i32
      %dma_start3A_17 = arith.constant 0 : i32
      %dma_start3A_18 = tpu.memref_slice %arg2[%add3A, %dma_start3A, %dma_start3A_17] : memref<32x80x128xi32, #tpu.memory_space<hbm>> -> memref<1x80x128xi32, #tpu.memory_space<hbm>>
      %dma_start3A_19 = tpu.memref_squeeze %dma_start3A_18 : memref<1x80x128xi32, #tpu.memory_space<hbm>> -> memref<80x128xi32, #tpu.memory_space<hbm>>
      %dma_start3A_20 = arith.constant 0 : i32
      %dma_start3A_21 = arith.constant 0 : i32
      %dma_start3A_22 = tpu.memref_slice %arg2[%add3A, %dma_start3A_20, %dma_start3A_21] : memref<32x80x128xi32, #tpu.memory_space<hbm>> -> memref<1x80x128xi32, #tpu.memory_space<hbm>>
      %dma_start3A_23 = tpu.memref_squeeze %dma_start3A_22 : memref<1x80x128xi32, #tpu.memory_space<hbm>> -> memref<80x128xi32, #tpu.memory_space<hbm>>
      tpu.enqueue_dma source(%dma_start3A_23 : memref<80x128xi32, #tpu.memory_space<hbm>>) target(%arg7 : memref<80x128xi32, #tpu.memory_space<vmem>>) target_semaphore(%run_scoped3A : memref<!tpu.dma_semaphore, #tpu.memory_space<semaphore_mem>>)
      %dma_wait3A = arith.constant 0 : i32
      %dma_wait3A_24 = arith.constant 0 : i32
      %dma_wait3A_25 = tpu.memref_slice %arg2[%add3A, %dma_wait3A, %dma_wait3A_24] : memref<32x80x128xi32, #tpu.memory_space<hbm>> -> memref<1x80x128xi32, #tpu.memory_space<hbm>>
      %dma_wait3A_26 = tpu.memref_squeeze %dma_wait3A_25 : memref<1x80x128xi32, #tpu.memory_space<hbm>> -> memref<80x128xi32, #tpu.memory_space<hbm>>
      %dma_wait3A_27 = arith.constant 0 : i32
      %dma_wait3A_28 = arith.constant 0 : i32
      %dma_wait3A_29 = tpu.memref_slice %arg2[%add3A, %dma_wait3A_27, %dma_wait3A_28] : memref<32x80x128xi32, #tpu.memory_space<hbm>> -> memref<1x80x128xi32, #tpu.memory_space<hbm>>
      %dma_wait3A_30 = tpu.memref_squeeze %dma_wait3A_29 : memref<1x80x128xi32, #tpu.memory_space<hbm>> -> memref<80x128xi32, #tpu.memory_space<hbm>>
      tpu.wait_dma2 semaphore(%run_scoped3A : memref<!tpu.dma_semaphore, #tpu.memory_space<semaphore_mem>>) src(%dma_wait3A_30 : memref<80x128xi32, #tpu.memory_space<hbm>>) dst(%arg7 : memref<80x128xi32, #tpu.memory_space<vmem>>)
      tpu.yield
    }) : () -> ()
    %barrier3A = arith.constant 0 : index
    tpu.barrier barrier_id(%barrier3A)
    %scan3A = arith.constant 0 : i32
    %scan3A_3 = arith.constant 80 : i32
    %scan3A_4 = arith.addi %scan3A, %scan3A_3 : i32
    %scan3A_5 = arith.constant 1 : i32
    scf.for %scan3A_17 = %scan3A to %scan3A_4 step %scan3A_5  : i32 {
      %mul3A_18 = arith.constant 1 : i32
      %mul3A_19 = arith.muli %scan3A_17, %mul3A_18 : i32
      %add3A_20 = arith.constant 0 : i32
      %add3A_21 = arith.addi %add3A_20, %mul3A_19 : i32
      %dma_start3A = arith.constant 0 : i32
      %dma_start3A_22 = tpu.memref_slice %arg7[%add3A_21, %dma_start3A] : memref<80x128xi32, #tpu.memory_space<vmem>> -> memref<1x128xi32, #tpu.memory_space<vmem>>
      %dma_start3A_23 = tpu.memref_squeeze %dma_start3A_22 : memref<1x128xi32, #tpu.memory_space<vmem>> -> memref<128xi32, #tpu.memory_space<vmem>>
      %dma_start3A_24 = arith.constant 0 : i32
      %dma_start3A_25 = arith.constant 0 : i32
      %dma_start3A_26 = tpu.memref_slice %arg6[%dma_start3A_24, %dma_start3A_25] : memref<10112x16xbf16, #tpu.memory_space<vmem_shared>> -> memref<10112x16xbf16, #tpu.memory_space<vmem_shared>>
      tpu.enqueue_indirect_dma source(%arg8 : memref<128x16xbf16, #tpu.memory_space<vmem>>) target(%dma_start3A_26 : memref<10112x16xbf16, #tpu.memory_space<vmem_shared>>) offsets(%dma_start3A_23 : memref<128xi32, #tpu.memory_space<vmem>>) semaphore(%arg9 : memref<!tpu.dma_semaphore, #tpu.memory_space<semaphore_mem>>) {add = true}
    }
    %scan3A_6 = arith.constant 80 : i32
    %scan3A_7 = arith.constant 0 : i32
    %scan3A_8 = arith.constant 80 : i32
    %scan3A_9 = arith.addi %scan3A_7, %scan3A_8 : i32
    %scan3A_10 = arith.constant 1 : i32
    scf.for %scan3A_17 = %scan3A_7 to %scan3A_9 step %scan3A_10  : i32 {
      %mul3A_18 = arith.constant 1 : i32
      %mul3A_19 = arith.muli %scan3A_17, %mul3A_18 : i32
      %add3A_20 = arith.constant 0 : i32
      %add3A_21 = arith.addi %add3A_20, %mul3A_19 : i32
      %dma_wait3A = arith.constant 0 : i32
      %dma_wait3A_22 = tpu.memref_slice %arg7[%add3A_21, %dma_wait3A] : memref<80x128xi32, #tpu.memory_space<vmem>> -> memref<1x128xi32, #tpu.memory_space<vmem>>
      %dma_wait3A_23 = tpu.memref_squeeze %dma_wait3A_22 : memref<1x128xi32, #tpu.memory_space<vmem>> -> memref<128xi32, #tpu.memory_space<vmem>>
      %dma_wait3A_24 = arith.constant 0 : i32
      %dma_wait3A_25 = arith.constant 0 : i32
      %dma_wait3A_26 = tpu.memref_slice %arg6[%dma_wait3A_24, %dma_wait3A_25] : memref<10112x16xbf16, #tpu.memory_space<vmem_shared>> -> memref<10112x16xbf16, #tpu.memory_space<vmem_shared>>
      tpu.wait_indirect_dma semaphore(%arg9 : memref<!tpu.dma_semaphore, #tpu.memory_space<semaphore_mem>>) src(%arg8 : memref<128x16xbf16, #tpu.memory_space<vmem>>) dst(%dma_wait3A_26 : memref<10112x16xbf16, #tpu.memory_space<vmem_shared>>)
    }
    %scan3A_11 = arith.constant 80 : i32
    %barrier3A_12 = arith.constant 0 : index
    tpu.barrier barrier_id(%barrier3A_12)
    %mul3A_13 = arith.constant 632 : i32
    %mul3A_14 = arith.muli %arg1, %mul3A_13 : i32
    %mul3A_15 = arith.constant 632 : i32
    %mul3A_16 = arith.muli %arg1, %mul3A_15 : i32
    "tpu.region"() ({
      %run_scoped3A = tpu.sem_alloc : memref<!tpu.dma_semaphore, #tpu.memory_space<semaphore_mem>>
      %dma_start3A = arith.constant 0 : i32
      %dma_start3A_17 = tpu.memref_slice %arg5[%arg0, %mul3A_16, %dma_start3A] : memref<2x10112x16xbf16, #tpu.memory_space<hbm>> -> memref<1x632x16xbf16, #tpu.memory_space<hbm>>
      %dma_start3A_18 = tpu.memref_squeeze %dma_start3A_17 : memref<1x632x16xbf16, #tpu.memory_space<hbm>> -> memref<632x16xbf16, #tpu.memory_space<hbm>>
      %dma_start3A_19 = arith.constant 0 : i32
      %dma_start3A_20 = tpu.memref_slice %arg6[%mul3A_14, %dma_start3A_19] : memref<10112x16xbf16, #tpu.memory_space<vmem_shared>> -> memref<632x16xbf16, #tpu.memory_space<vmem_shared>>
      tpu.enqueue_dma source(%dma_start3A_20 : memref<632x16xbf16, #tpu.memory_space<vmem_shared>>) target(%dma_start3A_18 : memref<632x16xbf16, #tpu.memory_space<hbm>>) target_semaphore(%run_scoped3A : memref<!tpu.dma_semaphore, #tpu.memory_space<semaphore_mem>>)
      %dma_wait3A = arith.constant 0 : i32
      %dma_wait3A_21 = tpu.memref_slice %arg5[%arg0, %mul3A_16, %dma_wait3A] : memref<2x10112x16xbf16, #tpu.memory_space<hbm>> -> memref<1x632x16xbf16, #tpu.memory_space<hbm>>
      %dma_wait3A_22 = tpu.memref_squeeze %dma_wait3A_21 : memref<1x632x16xbf16, #tpu.memory_space<hbm>> -> memref<632x16xbf16, #tpu.memory_space<hbm>>
      %dma_wait3A_23 = arith.constant 0 : i32
      %dma_wait3A_24 = tpu.memref_slice %arg6[%mul3A_14, %dma_wait3A_23] : memref<10112x16xbf16, #tpu.memory_space<vmem_shared>> -> memref<632x16xbf16, #tpu.memory_space<vmem_shared>>
      tpu.wait_dma2 semaphore(%run_scoped3A : memref<!tpu.dma_semaphore, #tpu.memory_space<semaphore_mem>>) src(%dma_wait3A_24 : memref<632x16xbf16, #tpu.memory_space<vmem_shared>>) dst(%dma_wait3A_22 : memref<632x16xbf16, #tpu.memory_space<hbm>>)
      tpu.yield
    }) : () -> ()
    return
  }
}

#map = affine_map<(d0, d1) -> (0, 0, 0)>
#map1 = affine_map<(d0, d1) -> (0, 0)>
module attributes {stable_mosaic.version = 14 : i64} {
  func.func @body(%arg0: i32, %arg1: i32, %arg2: memref<16x160x128xi32, #tpu.memory_space<hbm>>, %arg3: memref<16x160x128xi32, #tpu.memory_space<hbm>>, %arg4: memref<2x10112x64xbf16, #tpu.memory_space<hbm>>, %arg5: memref<632x64xbf16, #tpu.memory_space<hbm>>, %arg6: memref<2x10112x64xbf16, #tpu.memory_space<hbm>>, %arg7: memref<10112x64xbf16, #tpu.memory_space<vmem_shared>>, %arg8: memref<160x128xi32, #tpu.memory_space<vmem>>, %arg9: memref<160x128xi32, #tpu.memory_space<vmem>>, %arg10: memref<128x64xbf16, #tpu.memory_space<vmem>>, %arg11: memref<128x64xbf16, #tpu.memory_space<vmem>>, %arg12: memref<128x64xbf16, #tpu.memory_space<vmem>>, %arg13: memref<128x64xbf16, #tpu.memory_space<vmem>>, %arg14: memref<128x64xbf16, #tpu.memory_space<vmem>>, %arg15: memref<!tpu.dma_semaphore, #tpu.memory_space<semaphore_mem>>, %arg16: memref<!tpu.dma_semaphore, #tpu.memory_space<semaphore_mem>>, %arg17: memref<!tpu.dma_semaphore, #tpu.memory_space<semaphore_mem>>, %arg18: memref<!tpu.dma_semaphore, #tpu.memory_space<semaphore_mem>>, %arg19: memref<!tpu.dma_semaphore, #tpu.memory_space<semaphore_mem>>, %arg20: memref<!tpu.dma_semaphore, #tpu.memory_space<semaphore_mem>>, %arg21: memref<!tpu.dma_semaphore, #tpu.memory_space<semaphore_mem>>, %arg22: memref<!tpu.dma_semaphore, #tpu.memory_space<semaphore_mem>>, %arg23: memref<!tpu.dma_semaphore, #tpu.memory_space<semaphore_mem>>, %arg24: memref<!tpu.dma_semaphore, #tpu.memory_space<semaphore_mem>>) attributes {dimension_semantics = [#tpu.dimension_semantics<core_parallel>, #tpu.dimension_semantics<subcore_parallel>], iteration_bounds = array<i64: 2, 16>, scalar_prefetch = 0 : i64, scratch_operands = 18 : i64, tpu.core_type = #tpu.core_type<sc_vector_subcore>, window_params = [{transform_indices = #map}, {transform_indices = #map}, {transform_indices = #map}, {transform_indices = #map1}, {transform_indices = #map}]} {
    %mul3A = arith.constant 632 : i32
    %mul3A_0 = arith.muli %arg1, %mul3A : i32
    "tpu.region"() ({
      %run_scoped3A = tpu.sem_alloc : memref<!tpu.dma_semaphore, #tpu.memory_space<semaphore_mem>>
      %dma_start3A_76 = arith.constant 0 : i32
      %dma_start3A_77 = tpu.memref_slice %arg7[%mul3A_0, %dma_start3A_76] : memref<10112x64xbf16, #tpu.memory_space<vmem_shared>> -> memref<632x64xbf16, #tpu.memory_space<vmem_shared>>
      tpu.enqueue_dma source(%arg5 : memref<632x64xbf16, #tpu.memory_space<hbm>>) target(%dma_start3A_77 : memref<632x64xbf16, #tpu.memory_space<vmem_shared>>) target_semaphore(%run_scoped3A : memref<!tpu.dma_semaphore, #tpu.memory_space<semaphore_mem>>)
      %dma_wait3A_78 = arith.constant 0 : i32
      %dma_wait3A_79 = tpu.memref_slice %arg7[%mul3A_0, %dma_wait3A_78] : memref<10112x64xbf16, #tpu.memory_space<vmem_shared>> -> memref<632x64xbf16, #tpu.memory_space<vmem_shared>>
      tpu.wait_dma2 semaphore(%run_scoped3A : memref<!tpu.dma_semaphore, #tpu.memory_space<semaphore_mem>>) src(%arg5 : memref<632x64xbf16, #tpu.memory_space<hbm>>) dst(%dma_wait3A_79 : memref<632x64xbf16, #tpu.memory_space<vmem_shared>>)
      tpu.yield
    }) : () -> ()
    "tpu.region"() ({
      %run_scoped3A = tpu.sem_alloc : memref<!tpu.dma_semaphore, #tpu.memory_space<semaphore_mem>>
      %dma_start3A_76 = arith.constant 0 : i32
      %dma_start3A_77 = arith.constant 0 : i32
      %dma_start3A_78 = tpu.memref_slice %arg2[%arg1, %dma_start3A_76, %dma_start3A_77] : memref<16x160x128xi32, #tpu.memory_space<hbm>> -> memref<1x160x128xi32, #tpu.memory_space<hbm>>
      %dma_start3A_79 = tpu.memref_squeeze %dma_start3A_78 : memref<1x160x128xi32, #tpu.memory_space<hbm>> -> memref<160x128xi32, #tpu.memory_space<hbm>>
      %dma_start3A_80 = arith.constant 0 : i32
      %dma_start3A_81 = arith.constant 0 : i32
      %dma_start3A_82 = tpu.memref_slice %arg2[%arg1, %dma_start3A_80, %dma_start3A_81] : memref<16x160x128xi32, #tpu.memory_space<hbm>> -> memref<1x160x128xi32, #tpu.memory_space<hbm>>
      %dma_start3A_83 = tpu.memref_squeeze %dma_start3A_82 : memref<1x160x128xi32, #tpu.memory_space<hbm>> -> memref<160x128xi32, #tpu.memory_space<hbm>>
      tpu.enqueue_dma source(%dma_start3A_83 : memref<160x128xi32, #tpu.memory_space<hbm>>) target(%arg8 : memref<160x128xi32, #tpu.memory_space<vmem>>) target_semaphore(%run_scoped3A : memref<!tpu.dma_semaphore, #tpu.memory_space<semaphore_mem>>)
      %dma_wait3A_84 = arith.constant 0 : i32
      %dma_wait3A_85 = arith.constant 0 : i32
      %dma_wait3A_86 = tpu.memref_slice %arg2[%arg1, %dma_wait3A_84, %dma_wait3A_85] : memref<16x160x128xi32, #tpu.memory_space<hbm>> -> memref<1x160x128xi32, #tpu.memory_space<hbm>>
      %dma_wait3A_87 = tpu.memref_squeeze %dma_wait3A_86 : memref<1x160x128xi32, #tpu.memory_space<hbm>> -> memref<160x128xi32, #tpu.memory_space<hbm>>
      %dma_wait3A_88 = arith.constant 0 : i32
      %dma_wait3A_89 = arith.constant 0 : i32
      %dma_wait3A_90 = tpu.memref_slice %arg2[%arg1, %dma_wait3A_88, %dma_wait3A_89] : memref<16x160x128xi32, #tpu.memory_space<hbm>> -> memref<1x160x128xi32, #tpu.memory_space<hbm>>
      %dma_wait3A_91 = tpu.memref_squeeze %dma_wait3A_90 : memref<1x160x128xi32, #tpu.memory_space<hbm>> -> memref<160x128xi32, #tpu.memory_space<hbm>>
      tpu.wait_dma2 semaphore(%run_scoped3A : memref<!tpu.dma_semaphore, #tpu.memory_space<semaphore_mem>>) src(%dma_wait3A_91 : memref<160x128xi32, #tpu.memory_space<hbm>>) dst(%arg8 : memref<160x128xi32, #tpu.memory_space<vmem>>)
      tpu.yield
    }) : () -> ()
    "tpu.region"() ({
      %run_scoped3A = tpu.sem_alloc : memref<!tpu.dma_semaphore, #tpu.memory_space<semaphore_mem>>
      %dma_start3A_76 = arith.constant 0 : i32
      %dma_start3A_77 = arith.constant 0 : i32
      %dma_start3A_78 = tpu.memref_slice %arg3[%arg1, %dma_start3A_76, %dma_start3A_77] : memref<16x160x128xi32, #tpu.memory_space<hbm>> -> memref<1x160x128xi32, #tpu.memory_space<hbm>>
      %dma_start3A_79 = tpu.memref_squeeze %dma_start3A_78 : memref<1x160x128xi32, #tpu.memory_space<hbm>> -> memref<160x128xi32, #tpu.memory_space<hbm>>
      %dma_start3A_80 = arith.constant 0 : i32
      %dma_start3A_81 = arith.constant 0 : i32
      %dma_start3A_82 = tpu.memref_slice %arg3[%arg1, %dma_start3A_80, %dma_start3A_81] : memref<16x160x128xi32, #tpu.memory_space<hbm>> -> memref<1x160x128xi32, #tpu.memory_space<hbm>>
      %dma_start3A_83 = tpu.memref_squeeze %dma_start3A_82 : memref<1x160x128xi32, #tpu.memory_space<hbm>> -> memref<160x128xi32, #tpu.memory_space<hbm>>
      tpu.enqueue_dma source(%dma_start3A_83 : memref<160x128xi32, #tpu.memory_space<hbm>>) target(%arg9 : memref<160x128xi32, #tpu.memory_space<vmem>>) target_semaphore(%run_scoped3A : memref<!tpu.dma_semaphore, #tpu.memory_space<semaphore_mem>>)
      %dma_wait3A_84 = arith.constant 0 : i32
      %dma_wait3A_85 = arith.constant 0 : i32
      %dma_wait3A_86 = tpu.memref_slice %arg3[%arg1, %dma_wait3A_84, %dma_wait3A_85] : memref<16x160x128xi32, #tpu.memory_space<hbm>> -> memref<1x160x128xi32, #tpu.memory_space<hbm>>
      %dma_wait3A_87 = tpu.memref_squeeze %dma_wait3A_86 : memref<1x160x128xi32, #tpu.memory_space<hbm>> -> memref<160x128xi32, #tpu.memory_space<hbm>>
      %dma_wait3A_88 = arith.constant 0 : i32
      %dma_wait3A_89 = arith.constant 0 : i32
      %dma_wait3A_90 = tpu.memref_slice %arg3[%arg1, %dma_wait3A_88, %dma_wait3A_89] : memref<16x160x128xi32, #tpu.memory_space<hbm>> -> memref<1x160x128xi32, #tpu.memory_space<hbm>>
      %dma_wait3A_91 = tpu.memref_squeeze %dma_wait3A_90 : memref<1x160x128xi32, #tpu.memory_space<hbm>> -> memref<160x128xi32, #tpu.memory_space<hbm>>
      tpu.wait_dma2 semaphore(%run_scoped3A : memref<!tpu.dma_semaphore, #tpu.memory_space<semaphore_mem>>) src(%dma_wait3A_91 : memref<160x128xi32, #tpu.memory_space<hbm>>) dst(%arg9 : memref<160x128xi32, #tpu.memory_space<vmem>>)
      tpu.yield
    }) : () -> ()
    %barrier3A = arith.constant 0 : index
    tpu.barrier barrier_id(%barrier3A)
    %dma_start3A = arith.constant 0 : i32
    %dma_start3A_1 = arith.constant 0 : i32
    %dma_start3A_2 = tpu.memref_slice %arg8[%dma_start3A, %dma_start3A_1] : memref<160x128xi32, #tpu.memory_space<vmem>> -> memref<1x128xi32, #tpu.memory_space<vmem>>
    %dma_start3A_3 = tpu.memref_squeeze %dma_start3A_2 : memref<1x128xi32, #tpu.memory_space<vmem>> -> memref<128xi32, #tpu.memory_space<vmem>>
    %dma_start3A_4 = arith.constant 0 : i32
    %dma_start3A_5 = arith.constant 0 : i32
    %dma_start3A_6 = tpu.memref_slice %arg4[%arg0, %dma_start3A_4, %dma_start3A_5] : memref<2x10112x64xbf16, #tpu.memory_space<hbm>> -> memref<1x10112x64xbf16, #tpu.memory_space<hbm>>
    %dma_start3A_7 = tpu.memref_squeeze %dma_start3A_6 : memref<1x10112x64xbf16, #tpu.memory_space<hbm>> -> memref<10112x64xbf16, #tpu.memory_space<hbm>>
    %dma_start3A_8 = arith.constant 0 : i32
    %dma_start3A_9 = arith.constant 0 : i32
    %dma_start3A_10 = tpu.memref_slice %dma_start3A_7[%dma_start3A_8, %dma_start3A_9] : memref<10112x64xbf16, #tpu.memory_space<hbm>> -> memref<10112x64xbf16, #tpu.memory_space<hbm>>
    tpu.enqueue_indirect_dma source(%dma_start3A_10 : memref<10112x64xbf16, #tpu.memory_space<hbm>>) target(%arg10 : memref<128x64xbf16, #tpu.memory_space<vmem>>) offsets(%dma_start3A_3 : memref<128xi32, #tpu.memory_space<vmem>>) semaphore(%arg15 : memref<!tpu.dma_semaphore, #tpu.memory_space<semaphore_mem>>)
    %dma_start3A_11 = arith.constant 1 : i32
    %dma_start3A_12 = arith.constant 0 : i32
    %dma_start3A_13 = tpu.memref_slice %arg8[%dma_start3A_11, %dma_start3A_12] : memref<160x128xi32, #tpu.memory_space<vmem>> -> memref<1x128xi32, #tpu.memory_space<vmem>>
    %dma_start3A_14 = tpu.memref_squeeze %dma_start3A_13 : memref<1x128xi32, #tpu.memory_space<vmem>> -> memref<128xi32, #tpu.memory_space<vmem>>
    %dma_start3A_15 = arith.constant 0 : i32
    %dma_start3A_16 = arith.constant 0 : i32
    %dma_start3A_17 = tpu.memref_slice %arg4[%arg0, %dma_start3A_15, %dma_start3A_16] : memref<2x10112x64xbf16, #tpu.memory_space<hbm>> -> memref<1x10112x64xbf16, #tpu.memory_space<hbm>>
    %dma_start3A_18 = tpu.memref_squeeze %dma_start3A_17 : memref<1x10112x64xbf16, #tpu.memory_space<hbm>> -> memref<10112x64xbf16, #tpu.memory_space<hbm>>
    %dma_start3A_19 = arith.constant 0 : i32
    %dma_start3A_20 = arith.constant 0 : i32
    %dma_start3A_21 = tpu.memref_slice %dma_start3A_18[%dma_start3A_19, %dma_start3A_20] : memref<10112x64xbf16, #tpu.memory_space<hbm>> -> memref<10112x64xbf16, #tpu.memory_space<hbm>>
    tpu.enqueue_indirect_dma source(%dma_start3A_21 : memref<10112x64xbf16, #tpu.memory_space<hbm>>) target(%arg11 : memref<128x64xbf16, #tpu.memory_space<vmem>>) offsets(%dma_start3A_14 : memref<128xi32, #tpu.memory_space<vmem>>) semaphore(%arg16 : memref<!tpu.dma_semaphore, #tpu.memory_space<semaphore_mem>>)
    %dma_start3A_22 = arith.constant 2 : i32
    %dma_start3A_23 = arith.constant 0 : i32
    %dma_start3A_24 = tpu.memref_slice %arg8[%dma_start3A_22, %dma_start3A_23] : memref<160x128xi32, #tpu.memory_space<vmem>> -> memref<1x128xi32, #tpu.memory_space<vmem>>
    %dma_start3A_25 = tpu.memref_squeeze %dma_start3A_24 : memref<1x128xi32, #tpu.memory_space<vmem>> -> memref<128xi32, #tpu.memory_space<vmem>>
    %dma_start3A_26 = arith.constant 0 : i32
    %dma_start3A_27 = arith.constant 0 : i32
    %dma_start3A_28 = tpu.memref_slice %arg4[%arg0, %dma_start3A_26, %dma_start3A_27] : memref<2x10112x64xbf16, #tpu.memory_space<hbm>> -> memref<1x10112x64xbf16, #tpu.memory_space<hbm>>
    %dma_start3A_29 = tpu.memref_squeeze %dma_start3A_28 : memref<1x10112x64xbf16, #tpu.memory_space<hbm>> -> memref<10112x64xbf16, #tpu.memory_space<hbm>>
    %dma_start3A_30 = arith.constant 0 : i32
    %dma_start3A_31 = arith.constant 0 : i32
    %dma_start3A_32 = tpu.memref_slice %dma_start3A_29[%dma_start3A_30, %dma_start3A_31] : memref<10112x64xbf16, #tpu.memory_space<hbm>> -> memref<10112x64xbf16, #tpu.memory_space<hbm>>
    tpu.enqueue_indirect_dma source(%dma_start3A_32 : memref<10112x64xbf16, #tpu.memory_space<hbm>>) target(%arg12 : memref<128x64xbf16, #tpu.memory_space<vmem>>) offsets(%dma_start3A_25 : memref<128xi32, #tpu.memory_space<vmem>>) semaphore(%arg17 : memref<!tpu.dma_semaphore, #tpu.memory_space<semaphore_mem>>)
    %scan3A = arith.constant 0 : i32
    %scan3A_33 = arith.constant 32 : i32
    %scan3A_34 = arith.addi %scan3A, %scan3A_33 : i32
    %scan3A_35 = arith.constant 1 : i32
    scf.for %scan3A_76 = %scan3A to %scan3A_34 step %scan3A_35  : i32 {
      %mul3A_77 = arith.constant 1 : i32
      %mul3A_78 = arith.muli %scan3A_76, %mul3A_77 : i32
      %add3A = arith.constant 0 : i32
      %add3A_79 = arith.addi %add3A, %mul3A_78 : i32
      %mul3A_80 = arith.constant 5 : i32
      %mul3A_81 = arith.muli %add3A_79, %mul3A_80 : i32
      %add3A_82 = arith.constant 0 : i32
      %add3A_83 = arith.addi %mul3A_81, %add3A_82 : i32
      %dma_wait3A_84 = arith.constant 0 : i32
      %dma_wait3A_85 = tpu.memref_slice %arg8[%add3A_83, %dma_wait3A_84] : memref<160x128xi32, #tpu.memory_space<vmem>> -> memref<1x128xi32, #tpu.memory_space<vmem>>
      %dma_wait3A_86 = tpu.memref_squeeze %dma_wait3A_85 : memref<1x128xi32, #tpu.memory_space<vmem>> -> memref<128xi32, #tpu.memory_space<vmem>>
      %dma_wait3A_87 = arith.constant 0 : i32
      %dma_wait3A_88 = arith.constant 0 : i32
      %dma_wait3A_89 = tpu.memref_slice %arg4[%arg0, %dma_wait3A_87, %dma_wait3A_88] : memref<2x10112x64xbf16, #tpu.memory_space<hbm>> -> memref<1x10112x64xbf16, #tpu.memory_space<hbm>>
      %dma_wait3A_90 = tpu.memref_squeeze %dma_wait3A_89 : memref<1x10112x64xbf16, #tpu.memory_space<hbm>> -> memref<10112x64xbf16, #tpu.memory_space<hbm>>
      %dma_wait3A_91 = arith.constant 0 : i32
      %dma_wait3A_92 = arith.constant 0 : i32
      %dma_wait3A_93 = tpu.memref_slice %dma_wait3A_90[%dma_wait3A_91, %dma_wait3A_92] : memref<10112x64xbf16, #tpu.memory_space<hbm>> -> memref<10112x64xbf16, #tpu.memory_space<hbm>>
      tpu.wait_indirect_dma semaphore(%arg15 : memref<!tpu.dma_semaphore, #tpu.memory_space<semaphore_mem>>) src(%dma_wait3A_93 : memref<10112x64xbf16, #tpu.memory_space<hbm>>) dst(%arg10 : memref<128x64xbf16, #tpu.memory_space<vmem>>)
      %dma_start3A_94 = arith.constant 0 : i32
      %dma_start3A_95 = tpu.memref_slice %arg9[%add3A_83, %dma_start3A_94] : memref<160x128xi32, #tpu.memory_space<vmem>> -> memref<1x128xi32, #tpu.memory_space<vmem>>
      %dma_start3A_96 = tpu.memref_squeeze %dma_start3A_95 : memref<1x128xi32, #tpu.memory_space<vmem>> -> memref<128xi32, #tpu.memory_space<vmem>>
      %dma_start3A_97 = arith.constant 0 : i32
      %dma_start3A_98 = arith.constant 0 : i32
      %dma_start3A_99 = tpu.memref_slice %arg7[%dma_start3A_97, %dma_start3A_98] : memref<10112x64xbf16, #tpu.memory_space<vmem_shared>> -> memref<10112x64xbf16, #tpu.memory_space<vmem_shared>>
      tpu.enqueue_indirect_dma source(%arg10 : memref<128x64xbf16, #tpu.memory_space<vmem>>) target(%dma_start3A_99 : memref<10112x64xbf16, #tpu.memory_space<vmem_shared>>) offsets(%dma_start3A_96 : memref<128xi32, #tpu.memory_space<vmem>>) semaphore(%arg20 : memref<!tpu.dma_semaphore, #tpu.memory_space<semaphore_mem>>) {add = true}
      %add3A_100 = arith.constant 3 : i32
      %add3A_101 = arith.addi %add3A_83, %add3A_100 : i32
      %lt3A = arith.constant 160 : i32
      %lt3A_102 = arith.cmpi slt, %add3A_101, %lt3A : i32
      %convert_element_type3A = arith.extui %lt3A_102 : i1 to i32
      %cond3A = arith.constant 0 : i32
      %cond3A_103 = arith.cmpi ne, %convert_element_type3A, %cond3A : i32
      scf.if %cond3A_103 {
        %ge3A = arith.constant 5 : i32
        %ge3A_212 = arith.cmpi sge, %add3A_101, %ge3A : i32
        %convert_element_type3A_213 = arith.extui %ge3A_212 : i1 to i32
        %cond3A_214 = arith.constant 0 : i32
        %cond3A_215 = arith.cmpi ne, %convert_element_type3A_213, %cond3A_214 : i32
        scf.if %cond3A_215 {
          %sub3A = arith.constant 5 : i32
          %sub3A_226 = arith.subi %add3A_101, %sub3A : i32
          %dma_wait3A_227 = arith.constant 0 : i32
          %dma_wait3A_228 = tpu.memref_slice %arg9[%sub3A_226, %dma_wait3A_227] : memref<160x128xi32, #tpu.memory_space<vmem>> -> memref<1x128xi32, #tpu.memory_space<vmem>>
          %dma_wait3A_229 = tpu.memref_squeeze %dma_wait3A_228 : memref<1x128xi32, #tpu.memory_space<vmem>> -> memref<128xi32, #tpu.memory_space<vmem>>
          %dma_wait3A_230 = arith.constant 0 : i32
          %dma_wait3A_231 = arith.constant 0 : i32
          %dma_wait3A_232 = tpu.memref_slice %arg7[%dma_wait3A_230, %dma_wait3A_231] : memref<10112x64xbf16, #tpu.memory_space<vmem_shared>> -> memref<10112x64xbf16, #tpu.memory_space<vmem_shared>>
          tpu.wait_indirect_dma semaphore(%arg23 : memref<!tpu.dma_semaphore, #tpu.memory_space<semaphore_mem>>) src(%arg13 : memref<128x64xbf16, #tpu.memory_space<vmem>>) dst(%dma_wait3A_232 : memref<10112x64xbf16, #tpu.memory_space<vmem_shared>>)
        } else {
        }
        %dma_start3A_216 = arith.constant 0 : i32
        %dma_start3A_217 = tpu.memref_slice %arg8[%add3A_101, %dma_start3A_216] : memref<160x128xi32, #tpu.memory_space<vmem>> -> memref<1x128xi32, #tpu.memory_space<vmem>>
        %dma_start3A_218 = tpu.memref_squeeze %dma_start3A_217 : memref<1x128xi32, #tpu.memory_space<vmem>> -> memref<128xi32, #tpu.memory_space<vmem>>
        %dma_start3A_219 = arith.constant 0 : i32
        %dma_start3A_220 = arith.constant 0 : i32
        %dma_start3A_221 = tpu.memref_slice %arg4[%arg0, %dma_start3A_219, %dma_start3A_220] : memref<2x10112x64xbf16, #tpu.memory_space<hbm>> -> memref<1x10112x64xbf16, #tpu.memory_space<hbm>>
        %dma_start3A_222 = tpu.memref_squeeze %dma_start3A_221 : memref<1x10112x64xbf16, #tpu.memory_space<hbm>> -> memref<10112x64xbf16, #tpu.memory_space<hbm>>
        %dma_start3A_223 = arith.constant 0 : i32
        %dma_start3A_224 = arith.constant 0 : i32
        %dma_start3A_225 = tpu.memref_slice %dma_start3A_222[%dma_start3A_223, %dma_start3A_224] : memref<10112x64xbf16, #tpu.memory_space<hbm>> -> memref<10112x64xbf16, #tpu.memory_space<hbm>>
        tpu.enqueue_indirect_dma source(%dma_start3A_225 : memref<10112x64xbf16, #tpu.memory_space<hbm>>) target(%arg13 : memref<128x64xbf16, #tpu.memory_space<vmem>>) offsets(%dma_start3A_218 : memref<128xi32, #tpu.memory_space<vmem>>) semaphore(%arg18 : memref<!tpu.dma_semaphore, #tpu.memory_space<semaphore_mem>>)
      } else {
      }
      %mul3A_104 = arith.constant 5 : i32
      %mul3A_105 = arith.muli %add3A_79, %mul3A_104 : i32
      %add3A_106 = arith.constant 1 : i32
      %add3A_107 = arith.addi %mul3A_105, %add3A_106 : i32
      %dma_wait3A_108 = arith.constant 0 : i32
      %dma_wait3A_109 = tpu.memref_slice %arg8[%add3A_107, %dma_wait3A_108] : memref<160x128xi32, #tpu.memory_space<vmem>> -> memref<1x128xi32, #tpu.memory_space<vmem>>
      %dma_wait3A_110 = tpu.memref_squeeze %dma_wait3A_109 : memref<1x128xi32, #tpu.memory_space<vmem>> -> memref<128xi32, #tpu.memory_space<vmem>>
      %dma_wait3A_111 = arith.constant 0 : i32
      %dma_wait3A_112 = arith.constant 0 : i32
      %dma_wait3A_113 = tpu.memref_slice %arg4[%arg0, %dma_wait3A_111, %dma_wait3A_112] : memref<2x10112x64xbf16, #tpu.memory_space<hbm>> -> memref<1x10112x64xbf16, #tpu.memory_space<hbm>>
      %dma_wait3A_114 = tpu.memref_squeeze %dma_wait3A_113 : memref<1x10112x64xbf16, #tpu.memory_space<hbm>> -> memref<10112x64xbf16, #tpu.memory_space<hbm>>
      %dma_wait3A_115 = arith.constant 0 : i32
      %dma_wait3A_116 = arith.constant 0 : i32
      %dma_wait3A_117 = tpu.memref_slice %dma_wait3A_114[%dma_wait3A_115, %dma_wait3A_116] : memref<10112x64xbf16, #tpu.memory_space<hbm>> -> memref<10112x64xbf16, #tpu.memory_space<hbm>>
      tpu.wait_indirect_dma semaphore(%arg16 : memref<!tpu.dma_semaphore, #tpu.memory_space<semaphore_mem>>) src(%dma_wait3A_117 : memref<10112x64xbf16, #tpu.memory_space<hbm>>) dst(%arg11 : memref<128x64xbf16, #tpu.memory_space<vmem>>)
      %dma_start3A_118 = arith.constant 0 : i32
      %dma_start3A_119 = tpu.memref_slice %arg9[%add3A_107, %dma_start3A_118] : memref<160x128xi32, #tpu.memory_space<vmem>> -> memref<1x128xi32, #tpu.memory_space<vmem>>
      %dma_start3A_120 = tpu.memref_squeeze %dma_start3A_119 : memref<1x128xi32, #tpu.memory_space<vmem>> -> memref<128xi32, #tpu.memory_space<vmem>>
      %dma_start3A_121 = arith.constant 0 : i32
      %dma_start3A_122 = arith.constant 0 : i32
      %dma_start3A_123 = tpu.memref_slice %arg7[%dma_start3A_121, %dma_start3A_122] : memref<10112x64xbf16, #tpu.memory_space<vmem_shared>> -> memref<10112x64xbf16, #tpu.memory_space<vmem_shared>>
      tpu.enqueue_indirect_dma source(%arg11 : memref<128x64xbf16, #tpu.memory_space<vmem>>) target(%dma_start3A_123 : memref<10112x64xbf16, #tpu.memory_space<vmem_shared>>) offsets(%dma_start3A_120 : memref<128xi32, #tpu.memory_space<vmem>>) semaphore(%arg21 : memref<!tpu.dma_semaphore, #tpu.memory_space<semaphore_mem>>) {add = true}
      %add3A_124 = arith.constant 3 : i32
      %add3A_125 = arith.addi %add3A_107, %add3A_124 : i32
      %lt3A_126 = arith.constant 160 : i32
      %lt3A_127 = arith.cmpi slt, %add3A_125, %lt3A_126 : i32
      %convert_element_type3A_128 = arith.extui %lt3A_127 : i1 to i32
      %cond3A_129 = arith.constant 0 : i32
      %cond3A_130 = arith.cmpi ne, %convert_element_type3A_128, %cond3A_129 : i32
      scf.if %cond3A_130 {
        %ge3A = arith.constant 5 : i32
        %ge3A_212 = arith.cmpi sge, %add3A_125, %ge3A : i32
        %convert_element_type3A_213 = arith.extui %ge3A_212 : i1 to i32
        %cond3A_214 = arith.constant 0 : i32
        %cond3A_215 = arith.cmpi ne, %convert_element_type3A_213, %cond3A_214 : i32
        scf.if %cond3A_215 {
          %sub3A = arith.constant 5 : i32
          %sub3A_226 = arith.subi %add3A_125, %sub3A : i32
          %dma_wait3A_227 = arith.constant 0 : i32
          %dma_wait3A_228 = tpu.memref_slice %arg9[%sub3A_226, %dma_wait3A_227] : memref<160x128xi32, #tpu.memory_space<vmem>> -> memref<1x128xi32, #tpu.memory_space<vmem>>
          %dma_wait3A_229 = tpu.memref_squeeze %dma_wait3A_228 : memref<1x128xi32, #tpu.memory_space<vmem>> -> memref<128xi32, #tpu.memory_space<vmem>>
          %dma_wait3A_230 = arith.constant 0 : i32
          %dma_wait3A_231 = arith.constant 0 : i32
          %dma_wait3A_232 = tpu.memref_slice %arg7[%dma_wait3A_230, %dma_wait3A_231] : memref<10112x64xbf16, #tpu.memory_space<vmem_shared>> -> memref<10112x64xbf16, #tpu.memory_space<vmem_shared>>
          tpu.wait_indirect_dma semaphore(%arg24 : memref<!tpu.dma_semaphore, #tpu.memory_space<semaphore_mem>>) src(%arg14 : memref<128x64xbf16, #tpu.memory_space<vmem>>) dst(%dma_wait3A_232 : memref<10112x64xbf16, #tpu.memory_space<vmem_shared>>)
        } else {
        }
        %dma_start3A_216 = arith.constant 0 : i32
        %dma_start3A_217 = tpu.memref_slice %arg8[%add3A_125, %dma_start3A_216] : memref<160x128xi32, #tpu.memory_space<vmem>> -> memref<1x128xi32, #tpu.memory_space<vmem>>
        %dma_start3A_218 = tpu.memref_squeeze %dma_start3A_217 : memref<1x128xi32, #tpu.memory_space<vmem>> -> memref<128xi32, #tpu.memory_space<vmem>>
        %dma_start3A_219 = arith.constant 0 : i32
        %dma_start3A_220 = arith.constant 0 : i32
        %dma_start3A_221 = tpu.memref_slice %arg4[%arg0, %dma_start3A_219, %dma_start3A_220] : memref<2x10112x64xbf16, #tpu.memory_space<hbm>> -> memref<1x10112x64xbf16, #tpu.memory_space<hbm>>
        %dma_start3A_222 = tpu.memref_squeeze %dma_start3A_221 : memref<1x10112x64xbf16, #tpu.memory_space<hbm>> -> memref<10112x64xbf16, #tpu.memory_space<hbm>>
        %dma_start3A_223 = arith.constant 0 : i32
        %dma_start3A_224 = arith.constant 0 : i32
        %dma_start3A_225 = tpu.memref_slice %dma_start3A_222[%dma_start3A_223, %dma_start3A_224] : memref<10112x64xbf16, #tpu.memory_space<hbm>> -> memref<10112x64xbf16, #tpu.memory_space<hbm>>
        tpu.enqueue_indirect_dma source(%dma_start3A_225 : memref<10112x64xbf16, #tpu.memory_space<hbm>>) target(%arg14 : memref<128x64xbf16, #tpu.memory_space<vmem>>) offsets(%dma_start3A_218 : memref<128xi32, #tpu.memory_space<vmem>>) semaphore(%arg19 : memref<!tpu.dma_semaphore, #tpu.memory_space<semaphore_mem>>)
      } else {
      }
      %mul3A_131 = arith.constant 5 : i32
      %mul3A_132 = arith.muli %add3A_79, %mul3A_131 : i32
      %add3A_133 = arith.constant 2 : i32
      %add3A_134 = arith.addi %mul3A_132, %add3A_133 : i32
      %dma_wait3A_135 = arith.constant 0 : i32
      %dma_wait3A_136 = tpu.memref_slice %arg8[%add3A_134, %dma_wait3A_135] : memref<160x128xi32, #tpu.memory_space<vmem>> -> memref<1x128xi32, #tpu.memory_space<vmem>>
      %dma_wait3A_137 = tpu.memref_squeeze %dma_wait3A_136 : memref<1x128xi32, #tpu.memory_space<vmem>> -> memref<128xi32, #tpu.memory_space<vmem>>
      %dma_wait3A_138 = arith.constant 0 : i32
      %dma_wait3A_139 = arith.constant 0 : i32
      %dma_wait3A_140 = tpu.memref_slice %arg4[%arg0, %dma_wait3A_138, %dma_wait3A_139] : memref<2x10112x64xbf16, #tpu.memory_space<hbm>> -> memref<1x10112x64xbf16, #tpu.memory_space<hbm>>
      %dma_wait3A_141 = tpu.memref_squeeze %dma_wait3A_140 : memref<1x10112x64xbf16, #tpu.memory_space<hbm>> -> memref<10112x64xbf16, #tpu.memory_space<hbm>>
      %dma_wait3A_142 = arith.constant 0 : i32
      %dma_wait3A_143 = arith.constant 0 : i32
      %dma_wait3A_144 = tpu.memref_slice %dma_wait3A_141[%dma_wait3A_142, %dma_wait3A_143] : memref<10112x64xbf16, #tpu.memory_space<hbm>> -> memref<10112x64xbf16, #tpu.memory_space<hbm>>
      tpu.wait_indirect_dma semaphore(%arg17 : memref<!tpu.dma_semaphore, #tpu.memory_space<semaphore_mem>>) src(%dma_wait3A_144 : memref<10112x64xbf16, #tpu.memory_space<hbm>>) dst(%arg12 : memref<128x64xbf16, #tpu.memory_space<vmem>>)
      %dma_start3A_145 = arith.constant 0 : i32
      %dma_start3A_146 = tpu.memref_slice %arg9[%add3A_134, %dma_start3A_145] : memref<160x128xi32, #tpu.memory_space<vmem>> -> memref<1x128xi32, #tpu.memory_space<vmem>>
      %dma_start3A_147 = tpu.memref_squeeze %dma_start3A_146 : memref<1x128xi32, #tpu.memory_space<vmem>> -> memref<128xi32, #tpu.memory_space<vmem>>
      %dma_start3A_148 = arith.constant 0 : i32
      %dma_start3A_149 = arith.constant 0 : i32
      %dma_start3A_150 = tpu.memref_slice %arg7[%dma_start3A_148, %dma_start3A_149] : memref<10112x64xbf16, #tpu.memory_space<vmem_shared>> -> memref<10112x64xbf16, #tpu.memory_space<vmem_shared>>
      tpu.enqueue_indirect_dma source(%arg12 : memref<128x64xbf16, #tpu.memory_space<vmem>>) target(%dma_start3A_150 : memref<10112x64xbf16, #tpu.memory_space<vmem_shared>>) offsets(%dma_start3A_147 : memref<128xi32, #tpu.memory_space<vmem>>) semaphore(%arg22 : memref<!tpu.dma_semaphore, #tpu.memory_space<semaphore_mem>>) {add = true}
      %add3A_151 = arith.constant 3 : i32
      %add3A_152 = arith.addi %add3A_134, %add3A_151 : i32
      %lt3A_153 = arith.constant 160 : i32
      %lt3A_154 = arith.cmpi slt, %add3A_152, %lt3A_153 : i32
      %convert_element_type3A_155 = arith.extui %lt3A_154 : i1 to i32
      %cond3A_156 = arith.constant 0 : i32
      %cond3A_157 = arith.cmpi ne, %convert_element_type3A_155, %cond3A_156 : i32
      scf.if %cond3A_157 {
        %ge3A = arith.constant 5 : i32
        %ge3A_212 = arith.cmpi sge, %add3A_152, %ge3A : i32
        %convert_element_type3A_213 = arith.extui %ge3A_212 : i1 to i32
        %cond3A_214 = arith.constant 0 : i32
        %cond3A_215 = arith.cmpi ne, %convert_element_type3A_213, %cond3A_214 : i32
        scf.if %cond3A_215 {
          %sub3A = arith.constant 5 : i32
          %sub3A_226 = arith.subi %add3A_152, %sub3A : i32
          %dma_wait3A_227 = arith.constant 0 : i32
          %dma_wait3A_228 = tpu.memref_slice %arg9[%sub3A_226, %dma_wait3A_227] : memref<160x128xi32, #tpu.memory_space<vmem>> -> memref<1x128xi32, #tpu.memory_space<vmem>>
          %dma_wait3A_229 = tpu.memref_squeeze %dma_wait3A_228 : memref<1x128xi32, #tpu.memory_space<vmem>> -> memref<128xi32, #tpu.memory_space<vmem>>
          %dma_wait3A_230 = arith.constant 0 : i32
          %dma_wait3A_231 = arith.constant 0 : i32
          %dma_wait3A_232 = tpu.memref_slice %arg7[%dma_wait3A_230, %dma_wait3A_231] : memref<10112x64xbf16, #tpu.memory_space<vmem_shared>> -> memref<10112x64xbf16, #tpu.memory_space<vmem_shared>>
          tpu.wait_indirect_dma semaphore(%arg20 : memref<!tpu.dma_semaphore, #tpu.memory_space<semaphore_mem>>) src(%arg10 : memref<128x64xbf16, #tpu.memory_space<vmem>>) dst(%dma_wait3A_232 : memref<10112x64xbf16, #tpu.memory_space<vmem_shared>>)
        } else {
        }
        %dma_start3A_216 = arith.constant 0 : i32
        %dma_start3A_217 = tpu.memref_slice %arg8[%add3A_152, %dma_start3A_216] : memref<160x128xi32, #tpu.memory_space<vmem>> -> memref<1x128xi32, #tpu.memory_space<vmem>>
        %dma_start3A_218 = tpu.memref_squeeze %dma_start3A_217 : memref<1x128xi32, #tpu.memory_space<vmem>> -> memref<128xi32, #tpu.memory_space<vmem>>
        %dma_start3A_219 = arith.constant 0 : i32
        %dma_start3A_220 = arith.constant 0 : i32
        %dma_start3A_221 = tpu.memref_slice %arg4[%arg0, %dma_start3A_219, %dma_start3A_220] : memref<2x10112x64xbf16, #tpu.memory_space<hbm>> -> memref<1x10112x64xbf16, #tpu.memory_space<hbm>>
        %dma_start3A_222 = tpu.memref_squeeze %dma_start3A_221 : memref<1x10112x64xbf16, #tpu.memory_space<hbm>> -> memref<10112x64xbf16, #tpu.memory_space<hbm>>
        %dma_start3A_223 = arith.constant 0 : i32
        %dma_start3A_224 = arith.constant 0 : i32
        %dma_start3A_225 = tpu.memref_slice %dma_start3A_222[%dma_start3A_223, %dma_start3A_224] : memref<10112x64xbf16, #tpu.memory_space<hbm>> -> memref<10112x64xbf16, #tpu.memory_space<hbm>>
        tpu.enqueue_indirect_dma source(%dma_start3A_225 : memref<10112x64xbf16, #tpu.memory_space<hbm>>) target(%arg10 : memref<128x64xbf16, #tpu.memory_space<vmem>>) offsets(%dma_start3A_218 : memref<128xi32, #tpu.memory_space<vmem>>) semaphore(%arg15 : memref<!tpu.dma_semaphore, #tpu.memory_space<semaphore_mem>>)
      } else {
      }
      %mul3A_158 = arith.constant 5 : i32
      %mul3A_159 = arith.muli %add3A_79, %mul3A_158 : i32
      %add3A_160 = arith.constant 3 : i32
      %add3A_161 = arith.addi %mul3A_159, %add3A_160 : i32
      %dma_wait3A_162 = arith.constant 0 : i32
      %dma_wait3A_163 = tpu.memref_slice %arg8[%add3A_161, %dma_wait3A_162] : memref<160x128xi32, #tpu.memory_space<vmem>> -> memref<1x128xi32, #tpu.memory_space<vmem>>
      %dma_wait3A_164 = tpu.memref_squeeze %dma_wait3A_163 : memref<1x128xi32, #tpu.memory_space<vmem>> -> memref<128xi32, #tpu.memory_space<vmem>>
      %dma_wait3A_165 = arith.constant 0 : i32
      %dma_wait3A_166 = arith.constant 0 : i32
      %dma_wait3A_167 = tpu.memref_slice %arg4[%arg0, %dma_wait3A_165, %dma_wait3A_166] : memref<2x10112x64xbf16, #tpu.memory_space<hbm>> -> memref<1x10112x64xbf16, #tpu.memory_space<hbm>>
      %dma_wait3A_168 = tpu.memref_squeeze %dma_wait3A_167 : memref<1x10112x64xbf16, #tpu.memory_space<hbm>> -> memref<10112x64xbf16, #tpu.memory_space<hbm>>
      %dma_wait3A_169 = arith.constant 0 : i32
      %dma_wait3A_170 = arith.constant 0 : i32
      %dma_wait3A_171 = tpu.memref_slice %dma_wait3A_168[%dma_wait3A_169, %dma_wait3A_170] : memref<10112x64xbf16, #tpu.memory_space<hbm>> -> memref<10112x64xbf16, #tpu.memory_space<hbm>>
      tpu.wait_indirect_dma semaphore(%arg18 : memref<!tpu.dma_semaphore, #tpu.memory_space<semaphore_mem>>) src(%dma_wait3A_171 : memref<10112x64xbf16, #tpu.memory_space<hbm>>) dst(%arg13 : memref<128x64xbf16, #tpu.memory_space<vmem>>)
      %dma_start3A_172 = arith.constant 0 : i32
      %dma_start3A_173 = tpu.memref_slice %arg9[%add3A_161, %dma_start3A_172] : memref<160x128xi32, #tpu.memory_space<vmem>> -> memref<1x128xi32, #tpu.memory_space<vmem>>
      %dma_start3A_174 = tpu.memref_squeeze %dma_start3A_173 : memref<1x128xi32, #tpu.memory_space<vmem>> -> memref<128xi32, #tpu.memory_space<vmem>>
      %dma_start3A_175 = arith.constant 0 : i32
      %dma_start3A_176 = arith.constant 0 : i32
      %dma_start3A_177 = tpu.memref_slice %arg7[%dma_start3A_175, %dma_start3A_176] : memref<10112x64xbf16, #tpu.memory_space<vmem_shared>> -> memref<10112x64xbf16, #tpu.memory_space<vmem_shared>>
      tpu.enqueue_indirect_dma source(%arg13 : memref<128x64xbf16, #tpu.memory_space<vmem>>) target(%dma_start3A_177 : memref<10112x64xbf16, #tpu.memory_space<vmem_shared>>) offsets(%dma_start3A_174 : memref<128xi32, #tpu.memory_space<vmem>>) semaphore(%arg23 : memref<!tpu.dma_semaphore, #tpu.memory_space<semaphore_mem>>) {add = true}
      %add3A_178 = arith.constant 3 : i32
      %add3A_179 = arith.addi %add3A_161, %add3A_178 : i32
      %lt3A_180 = arith.constant 160 : i32
      %lt3A_181 = arith.cmpi slt, %add3A_179, %lt3A_180 : i32
      %convert_element_type3A_182 = arith.extui %lt3A_181 : i1 to i32
      %cond3A_183 = arith.constant 0 : i32
      %cond3A_184 = arith.cmpi ne, %convert_element_type3A_182, %cond3A_183 : i32
      scf.if %cond3A_184 {
        %ge3A = arith.constant 5 : i32
        %ge3A_212 = arith.cmpi sge, %add3A_179, %ge3A : i32
        %convert_element_type3A_213 = arith.extui %ge3A_212 : i1 to i32
        %cond3A_214 = arith.constant 0 : i32
        %cond3A_215 = arith.cmpi ne, %convert_element_type3A_213, %cond3A_214 : i32
        scf.if %cond3A_215 {
          %sub3A = arith.constant 5 : i32
          %sub3A_226 = arith.subi %add3A_179, %sub3A : i32
          %dma_wait3A_227 = arith.constant 0 : i32
          %dma_wait3A_228 = tpu.memref_slice %arg9[%sub3A_226, %dma_wait3A_227] : memref<160x128xi32, #tpu.memory_space<vmem>> -> memref<1x128xi32, #tpu.memory_space<vmem>>
          %dma_wait3A_229 = tpu.memref_squeeze %dma_wait3A_228 : memref<1x128xi32, #tpu.memory_space<vmem>> -> memref<128xi32, #tpu.memory_space<vmem>>
          %dma_wait3A_230 = arith.constant 0 : i32
          %dma_wait3A_231 = arith.constant 0 : i32
          %dma_wait3A_232 = tpu.memref_slice %arg7[%dma_wait3A_230, %dma_wait3A_231] : memref<10112x64xbf16, #tpu.memory_space<vmem_shared>> -> memref<10112x64xbf16, #tpu.memory_space<vmem_shared>>
          tpu.wait_indirect_dma semaphore(%arg21 : memref<!tpu.dma_semaphore, #tpu.memory_space<semaphore_mem>>) src(%arg11 : memref<128x64xbf16, #tpu.memory_space<vmem>>) dst(%dma_wait3A_232 : memref<10112x64xbf16, #tpu.memory_space<vmem_shared>>)
        } else {
        }
        %dma_start3A_216 = arith.constant 0 : i32
        %dma_start3A_217 = tpu.memref_slice %arg8[%add3A_179, %dma_start3A_216] : memref<160x128xi32, #tpu.memory_space<vmem>> -> memref<1x128xi32, #tpu.memory_space<vmem>>
        %dma_start3A_218 = tpu.memref_squeeze %dma_start3A_217 : memref<1x128xi32, #tpu.memory_space<vmem>> -> memref<128xi32, #tpu.memory_space<vmem>>
        %dma_start3A_219 = arith.constant 0 : i32
        %dma_start3A_220 = arith.constant 0 : i32
        %dma_start3A_221 = tpu.memref_slice %arg4[%arg0, %dma_start3A_219, %dma_start3A_220] : memref<2x10112x64xbf16, #tpu.memory_space<hbm>> -> memref<1x10112x64xbf16, #tpu.memory_space<hbm>>
        %dma_start3A_222 = tpu.memref_squeeze %dma_start3A_221 : memref<1x10112x64xbf16, #tpu.memory_space<hbm>> -> memref<10112x64xbf16, #tpu.memory_space<hbm>>
        %dma_start3A_223 = arith.constant 0 : i32
        %dma_start3A_224 = arith.constant 0 : i32
        %dma_start3A_225 = tpu.memref_slice %dma_start3A_222[%dma_start3A_223, %dma_start3A_224] : memref<10112x64xbf16, #tpu.memory_space<hbm>> -> memref<10112x64xbf16, #tpu.memory_space<hbm>>
        tpu.enqueue_indirect_dma source(%dma_start3A_225 : memref<10112x64xbf16, #tpu.memory_space<hbm>>) target(%arg11 : memref<128x64xbf16, #tpu.memory_space<vmem>>) offsets(%dma_start3A_218 : memref<128xi32, #tpu.memory_space<vmem>>) semaphore(%arg16 : memref<!tpu.dma_semaphore, #tpu.memory_space<semaphore_mem>>)
      } else {
      }
      %mul3A_185 = arith.constant 5 : i32
      %mul3A_186 = arith.muli %add3A_79, %mul3A_185 : i32
      %add3A_187 = arith.constant 4 : i32
      %add3A_188 = arith.addi %mul3A_186, %add3A_187 : i32
      %dma_wait3A_189 = arith.constant 0 : i32
      %dma_wait3A_190 = tpu.memref_slice %arg8[%add3A_188, %dma_wait3A_189] : memref<160x128xi32, #tpu.memory_space<vmem>> -> memref<1x128xi32, #tpu.memory_space<vmem>>
      %dma_wait3A_191 = tpu.memref_squeeze %dma_wait3A_190 : memref<1x128xi32, #tpu.memory_space<vmem>> -> memref<128xi32, #tpu.memory_space<vmem>>
      %dma_wait3A_192 = arith.constant 0 : i32
      %dma_wait3A_193 = arith.constant 0 : i32
      %dma_wait3A_194 = tpu.memref_slice %arg4[%arg0, %dma_wait3A_192, %dma_wait3A_193] : memref<2x10112x64xbf16, #tpu.memory_space<hbm>> -> memref<1x10112x64xbf16, #tpu.memory_space<hbm>>
      %dma_wait3A_195 = tpu.memref_squeeze %dma_wait3A_194 : memref<1x10112x64xbf16, #tpu.memory_space<hbm>> -> memref<10112x64xbf16, #tpu.memory_space<hbm>>
      %dma_wait3A_196 = arith.constant 0 : i32
      %dma_wait3A_197 = arith.constant 0 : i32
      %dma_wait3A_198 = tpu.memref_slice %dma_wait3A_195[%dma_wait3A_196, %dma_wait3A_197] : memref<10112x64xbf16, #tpu.memory_space<hbm>> -> memref<10112x64xbf16, #tpu.memory_space<hbm>>
      tpu.wait_indirect_dma semaphore(%arg19 : memref<!tpu.dma_semaphore, #tpu.memory_space<semaphore_mem>>) src(%dma_wait3A_198 : memref<10112x64xbf16, #tpu.memory_space<hbm>>) dst(%arg14 : memref<128x64xbf16, #tpu.memory_space<vmem>>)
      %dma_start3A_199 = arith.constant 0 : i32
      %dma_start3A_200 = tpu.memref_slice %arg9[%add3A_188, %dma_start3A_199] : memref<160x128xi32, #tpu.memory_space<vmem>> -> memref<1x128xi32, #tpu.memory_space<vmem>>
      %dma_start3A_201 = tpu.memref_squeeze %dma_start3A_200 : memref<1x128xi32, #tpu.memory_space<vmem>> -> memref<128xi32, #tpu.memory_space<vmem>>
      %dma_start3A_202 = arith.constant 0 : i32
      %dma_start3A_203 = arith.constant 0 : i32
      %dma_start3A_204 = tpu.memref_slice %arg7[%dma_start3A_202, %dma_start3A_203] : memref<10112x64xbf16, #tpu.memory_space<vmem_shared>> -> memref<10112x64xbf16, #tpu.memory_space<vmem_shared>>
      tpu.enqueue_indirect_dma source(%arg14 : memref<128x64xbf16, #tpu.memory_space<vmem>>) target(%dma_start3A_204 : memref<10112x64xbf16, #tpu.memory_space<vmem_shared>>) offsets(%dma_start3A_201 : memref<128xi32, #tpu.memory_space<vmem>>) semaphore(%arg24 : memref<!tpu.dma_semaphore, #tpu.memory_space<semaphore_mem>>) {add = true}
      %add3A_205 = arith.constant 3 : i32
      %add3A_206 = arith.addi %add3A_188, %add3A_205 : i32
      %lt3A_207 = arith.constant 160 : i32
      %lt3A_208 = arith.cmpi slt, %add3A_206, %lt3A_207 : i32
      %convert_element_type3A_209 = arith.extui %lt3A_208 : i1 to i32
      %cond3A_210 = arith.constant 0 : i32
      %cond3A_211 = arith.cmpi ne, %convert_element_type3A_209, %cond3A_210 : i32
      scf.if %cond3A_211 {
        %ge3A = arith.constant 5 : i32
        %ge3A_212 = arith.cmpi sge, %add3A_206, %ge3A : i32
        %convert_element_type3A_213 = arith.extui %ge3A_212 : i1 to i32
        %cond3A_214 = arith.constant 0 : i32
        %cond3A_215 = arith.cmpi ne, %convert_element_type3A_213, %cond3A_214 : i32
        scf.if %cond3A_215 {
          %sub3A = arith.constant 5 : i32
          %sub3A_226 = arith.subi %add3A_206, %sub3A : i32
          %dma_wait3A_227 = arith.constant 0 : i32
          %dma_wait3A_228 = tpu.memref_slice %arg9[%sub3A_226, %dma_wait3A_227] : memref<160x128xi32, #tpu.memory_space<vmem>> -> memref<1x128xi32, #tpu.memory_space<vmem>>
          %dma_wait3A_229 = tpu.memref_squeeze %dma_wait3A_228 : memref<1x128xi32, #tpu.memory_space<vmem>> -> memref<128xi32, #tpu.memory_space<vmem>>
          %dma_wait3A_230 = arith.constant 0 : i32
          %dma_wait3A_231 = arith.constant 0 : i32
          %dma_wait3A_232 = tpu.memref_slice %arg7[%dma_wait3A_230, %dma_wait3A_231] : memref<10112x64xbf16, #tpu.memory_space<vmem_shared>> -> memref<10112x64xbf16, #tpu.memory_space<vmem_shared>>
          tpu.wait_indirect_dma semaphore(%arg22 : memref<!tpu.dma_semaphore, #tpu.memory_space<semaphore_mem>>) src(%arg12 : memref<128x64xbf16, #tpu.memory_space<vmem>>) dst(%dma_wait3A_232 : memref<10112x64xbf16, #tpu.memory_space<vmem_shared>>)
        } else {
        }
        %dma_start3A_216 = arith.constant 0 : i32
        %dma_start3A_217 = tpu.memref_slice %arg8[%add3A_206, %dma_start3A_216] : memref<160x128xi32, #tpu.memory_space<vmem>> -> memref<1x128xi32, #tpu.memory_space<vmem>>
        %dma_start3A_218 = tpu.memref_squeeze %dma_start3A_217 : memref<1x128xi32, #tpu.memory_space<vmem>> -> memref<128xi32, #tpu.memory_space<vmem>>
        %dma_start3A_219 = arith.constant 0 : i32
        %dma_start3A_220 = arith.constant 0 : i32
        %dma_start3A_221 = tpu.memref_slice %arg4[%arg0, %dma_start3A_219, %dma_start3A_220] : memref<2x10112x64xbf16, #tpu.memory_space<hbm>> -> memref<1x10112x64xbf16, #tpu.memory_space<hbm>>
        %dma_start3A_222 = tpu.memref_squeeze %dma_start3A_221 : memref<1x10112x64xbf16, #tpu.memory_space<hbm>> -> memref<10112x64xbf16, #tpu.memory_space<hbm>>
        %dma_start3A_223 = arith.constant 0 : i32
        %dma_start3A_224 = arith.constant 0 : i32
        %dma_start3A_225 = tpu.memref_slice %dma_start3A_222[%dma_start3A_223, %dma_start3A_224] : memref<10112x64xbf16, #tpu.memory_space<hbm>> -> memref<10112x64xbf16, #tpu.memory_space<hbm>>
        tpu.enqueue_indirect_dma source(%dma_start3A_225 : memref<10112x64xbf16, #tpu.memory_space<hbm>>) target(%arg12 : memref<128x64xbf16, #tpu.memory_space<vmem>>) offsets(%dma_start3A_218 : memref<128xi32, #tpu.memory_space<vmem>>) semaphore(%arg17 : memref<!tpu.dma_semaphore, #tpu.memory_space<semaphore_mem>>)
      } else {
      }
    }
    %scan3A_36 = arith.constant 32 : i32
    %dma_wait3A = arith.constant 155 : i32
    %dma_wait3A_37 = arith.constant 0 : i32
    %dma_wait3A_38 = tpu.memref_slice %arg9[%dma_wait3A, %dma_wait3A_37] : memref<160x128xi32, #tpu.memory_space<vmem>> -> memref<1x128xi32, #tpu.memory_space<vmem>>
    %dma_wait3A_39 = tpu.memref_squeeze %dma_wait3A_38 : memref<1x128xi32, #tpu.memory_space<vmem>> -> memref<128xi32, #tpu.memory_space<vmem>>
    %dma_wait3A_40 = arith.constant 0 : i32
    %dma_wait3A_41 = arith.constant 0 : i32
    %dma_wait3A_42 = tpu.memref_slice %arg7[%dma_wait3A_40, %dma_wait3A_41] : memref<10112x64xbf16, #tpu.memory_space<vmem_shared>> -> memref<10112x64xbf16, #tpu.memory_space<vmem_shared>>
    tpu.wait_indirect_dma semaphore(%arg20 : memref<!tpu.dma_semaphore, #tpu.memory_space<semaphore_mem>>) src(%arg10 : memref<128x64xbf16, #tpu.memory_space<vmem>>) dst(%dma_wait3A_42 : memref<10112x64xbf16, #tpu.memory_space<vmem_shared>>)
    %dma_wait3A_43 = arith.constant 156 : i32
    %dma_wait3A_44 = arith.constant 0 : i32
    %dma_wait3A_45 = tpu.memref_slice %arg9[%dma_wait3A_43, %dma_wait3A_44] : memref<160x128xi32, #tpu.memory_space<vmem>> -> memref<1x128xi32, #tpu.memory_space<vmem>>
    %dma_wait3A_46 = tpu.memref_squeeze %dma_wait3A_45 : memref<1x128xi32, #tpu.memory_space<vmem>> -> memref<128xi32, #tpu.memory_space<vmem>>
    %dma_wait3A_47 = arith.constant 0 : i32
    %dma_wait3A_48 = arith.constant 0 : i32
    %dma_wait3A_49 = tpu.memref_slice %arg7[%dma_wait3A_47, %dma_wait3A_48] : memref<10112x64xbf16, #tpu.memory_space<vmem_shared>> -> memref<10112x64xbf16, #tpu.memory_space<vmem_shared>>
    tpu.wait_indirect_dma semaphore(%arg21 : memref<!tpu.dma_semaphore, #tpu.memory_space<semaphore_mem>>) src(%arg11 : memref<128x64xbf16, #tpu.memory_space<vmem>>) dst(%dma_wait3A_49 : memref<10112x64xbf16, #tpu.memory_space<vmem_shared>>)
    %dma_wait3A_50 = arith.constant 157 : i32
    %dma_wait3A_51 = arith.constant 0 : i32
    %dma_wait3A_52 = tpu.memref_slice %arg9[%dma_wait3A_50, %dma_wait3A_51] : memref<160x128xi32, #tpu.memory_space<vmem>> -> memref<1x128xi32, #tpu.memory_space<vmem>>
    %dma_wait3A_53 = tpu.memref_squeeze %dma_wait3A_52 : memref<1x128xi32, #tpu.memory_space<vmem>> -> memref<128xi32, #tpu.memory_space<vmem>>
    %dma_wait3A_54 = arith.constant 0 : i32
    %dma_wait3A_55 = arith.constant 0 : i32
    %dma_wait3A_56 = tpu.memref_slice %arg7[%dma_wait3A_54, %dma_wait3A_55] : memref<10112x64xbf16, #tpu.memory_space<vmem_shared>> -> memref<10112x64xbf16, #tpu.memory_space<vmem_shared>>
    tpu.wait_indirect_dma semaphore(%arg22 : memref<!tpu.dma_semaphore, #tpu.memory_space<semaphore_mem>>) src(%arg12 : memref<128x64xbf16, #tpu.memory_space<vmem>>) dst(%dma_wait3A_56 : memref<10112x64xbf16, #tpu.memory_space<vmem_shared>>)
    %dma_wait3A_57 = arith.constant 158 : i32
    %dma_wait3A_58 = arith.constant 0 : i32
    %dma_wait3A_59 = tpu.memref_slice %arg9[%dma_wait3A_57, %dma_wait3A_58] : memref<160x128xi32, #tpu.memory_space<vmem>> -> memref<1x128xi32, #tpu.memory_space<vmem>>
    %dma_wait3A_60 = tpu.memref_squeeze %dma_wait3A_59 : memref<1x128xi32, #tpu.memory_space<vmem>> -> memref<128xi32, #tpu.memory_space<vmem>>
    %dma_wait3A_61 = arith.constant 0 : i32
    %dma_wait3A_62 = arith.constant 0 : i32
    %dma_wait3A_63 = tpu.memref_slice %arg7[%dma_wait3A_61, %dma_wait3A_62] : memref<10112x64xbf16, #tpu.memory_space<vmem_shared>> -> memref<10112x64xbf16, #tpu.memory_space<vmem_shared>>
    tpu.wait_indirect_dma semaphore(%arg23 : memref<!tpu.dma_semaphore, #tpu.memory_space<semaphore_mem>>) src(%arg13 : memref<128x64xbf16, #tpu.memory_space<vmem>>) dst(%dma_wait3A_63 : memref<10112x64xbf16, #tpu.memory_space<vmem_shared>>)
    %dma_wait3A_64 = arith.constant 159 : i32
    %dma_wait3A_65 = arith.constant 0 : i32
    %dma_wait3A_66 = tpu.memref_slice %arg9[%dma_wait3A_64, %dma_wait3A_65] : memref<160x128xi32, #tpu.memory_space<vmem>> -> memref<1x128xi32, #tpu.memory_space<vmem>>
    %dma_wait3A_67 = tpu.memref_squeeze %dma_wait3A_66 : memref<1x128xi32, #tpu.memory_space<vmem>> -> memref<128xi32, #tpu.memory_space<vmem>>
    %dma_wait3A_68 = arith.constant 0 : i32
    %dma_wait3A_69 = arith.constant 0 : i32
    %dma_wait3A_70 = tpu.memref_slice %arg7[%dma_wait3A_68, %dma_wait3A_69] : memref<10112x64xbf16, #tpu.memory_space<vmem_shared>> -> memref<10112x64xbf16, #tpu.memory_space<vmem_shared>>
    tpu.wait_indirect_dma semaphore(%arg24 : memref<!tpu.dma_semaphore, #tpu.memory_space<semaphore_mem>>) src(%arg14 : memref<128x64xbf16, #tpu.memory_space<vmem>>) dst(%dma_wait3A_70 : memref<10112x64xbf16, #tpu.memory_space<vmem_shared>>)
    %barrier3A_71 = arith.constant 0 : index
    tpu.barrier barrier_id(%barrier3A_71)
    %mul3A_72 = arith.constant 632 : i32
    %mul3A_73 = arith.muli %arg1, %mul3A_72 : i32
    %mul3A_74 = arith.constant 632 : i32
    %mul3A_75 = arith.muli %arg1, %mul3A_74 : i32
    "tpu.region"() ({
      %run_scoped3A = tpu.sem_alloc : memref<!tpu.dma_semaphore, #tpu.memory_space<semaphore_mem>>
      %dma_start3A_76 = arith.constant 0 : i32
      %dma_start3A_77 = tpu.memref_slice %arg6[%arg0, %mul3A_75, %dma_start3A_76] : memref<2x10112x64xbf16, #tpu.memory_space<hbm>> -> memref<1x632x64xbf16, #tpu.memory_space<hbm>>
      %dma_start3A_78 = tpu.memref_squeeze %dma_start3A_77 : memref<1x632x64xbf16, #tpu.memory_space<hbm>> -> memref<632x64xbf16, #tpu.memory_space<hbm>>
      %dma_start3A_79 = arith.constant 0 : i32
      %dma_start3A_80 = tpu.memref_slice %arg7[%mul3A_73, %dma_start3A_79] : memref<10112x64xbf16, #tpu.memory_space<vmem_shared>> -> memref<632x64xbf16, #tpu.memory_space<vmem_shared>>
      tpu.enqueue_dma source(%dma_start3A_80 : memref<632x64xbf16, #tpu.memory_space<vmem_shared>>) target(%dma_start3A_78 : memref<632x64xbf16, #tpu.memory_space<hbm>>) target_semaphore(%run_scoped3A : memref<!tpu.dma_semaphore, #tpu.memory_space<semaphore_mem>>)
      %dma_wait3A_81 = arith.constant 0 : i32
      %dma_wait3A_82 = tpu.memref_slice %arg6[%arg0, %mul3A_75, %dma_wait3A_81] : memref<2x10112x64xbf16, #tpu.memory_space<hbm>> -> memref<1x632x64xbf16, #tpu.memory_space<hbm>>
      %dma_wait3A_83 = tpu.memref_squeeze %dma_wait3A_82 : memref<1x632x64xbf16, #tpu.memory_space<hbm>> -> memref<632x64xbf16, #tpu.memory_space<hbm>>
      %dma_wait3A_84 = arith.constant 0 : i32
      %dma_wait3A_85 = tpu.memref_slice %arg7[%mul3A_73, %dma_wait3A_84] : memref<10112x64xbf16, #tpu.memory_space<vmem_shared>> -> memref<632x64xbf16, #tpu.memory_space<vmem_shared>>
      tpu.wait_dma2 semaphore(%run_scoped3A : memref<!tpu.dma_semaphore, #tpu.memory_space<semaphore_mem>>) src(%dma_wait3A_85 : memref<632x64xbf16, #tpu.memory_space<vmem_shared>>) dst(%dma_wait3A_83 : memref<632x64xbf16, #tpu.memory_space<hbm>>)
      tpu.yield
    }) : () -> ()
    return
  }
}

#map = affine_map<(d0, d1) -> (0, 0, 0)>
#map1 = affine_map<(d0, d1) -> (0, 0)>
module attributes {stable_mosaic.version = 14 : i64} {
  func.func @body(%arg0: i32, %arg1: i32, %arg2: memref<32x80x128xi32, #tpu.memory_space<hbm>>, %arg3: memref<32x80x128xi32, #tpu.memory_space<hbm>>, %arg4: memref<10112x16xbf16, #tpu.memory_space<hbm>>, %arg5: memref<632x16xbf16, #tpu.memory_space<hbm>>, %arg6: memref<2x10112x16xbf16, #tpu.memory_space<hbm>>, %arg7: memref<10112x16xbf16, #tpu.memory_space<vmem_shared>>, %arg8: memref<80x128xi32, #tpu.memory_space<vmem>>, %arg9: memref<80x128xi32, #tpu.memory_space<vmem>>, %arg10: memref<128x16xbf16, #tpu.memory_space<vmem>>, %arg11: memref<128x16xbf16, #tpu.memory_space<vmem>>, %arg12: memref<128x16xbf16, #tpu.memory_space<vmem>>, %arg13: memref<128x16xbf16, #tpu.memory_space<vmem>>, %arg14: memref<128x16xbf16, #tpu.memory_space<vmem>>, %arg15: memref<128x16xbf16, #tpu.memory_space<vmem>>, %arg16: memref<128x16xbf16, #tpu.memory_space<vmem>>, %arg17: memref<128x16xbf16, #tpu.memory_space<vmem>>, %arg18: memref<128x16xbf16, #tpu.memory_space<vmem>>, %arg19: memref<128x16xbf16, #tpu.memory_space<vmem>>, %arg20: memref<!tpu.dma_semaphore, #tpu.memory_space<semaphore_mem>>, %arg21: memref<!tpu.dma_semaphore, #tpu.memory_space<semaphore_mem>>, %arg22: memref<!tpu.dma_semaphore, #tpu.memory_space<semaphore_mem>>, %arg23: memref<!tpu.dma_semaphore, #tpu.memory_space<semaphore_mem>>, %arg24: memref<!tpu.dma_semaphore, #tpu.memory_space<semaphore_mem>>, %arg25: memref<!tpu.dma_semaphore, #tpu.memory_space<semaphore_mem>>, %arg26: memref<!tpu.dma_semaphore, #tpu.memory_space<semaphore_mem>>, %arg27: memref<!tpu.dma_semaphore, #tpu.memory_space<semaphore_mem>>, %arg28: memref<!tpu.dma_semaphore, #tpu.memory_space<semaphore_mem>>, %arg29: memref<!tpu.dma_semaphore, #tpu.memory_space<semaphore_mem>>, %arg30: memref<!tpu.dma_semaphore, #tpu.memory_space<semaphore_mem>>, %arg31: memref<!tpu.dma_semaphore, #tpu.memory_space<semaphore_mem>>, %arg32: memref<!tpu.dma_semaphore, #tpu.memory_space<semaphore_mem>>, %arg33: memref<!tpu.dma_semaphore, #tpu.memory_space<semaphore_mem>>, %arg34: memref<!tpu.dma_semaphore, #tpu.memory_space<semaphore_mem>>, %arg35: memref<!tpu.dma_semaphore, #tpu.memory_space<semaphore_mem>>, %arg36: memref<!tpu.dma_semaphore, #tpu.memory_space<semaphore_mem>>, %arg37: memref<!tpu.dma_semaphore, #tpu.memory_space<semaphore_mem>>, %arg38: memref<!tpu.dma_semaphore, #tpu.memory_space<semaphore_mem>>, %arg39: memref<!tpu.dma_semaphore, #tpu.memory_space<semaphore_mem>>) attributes {dimension_semantics = [#tpu.dimension_semantics<core_parallel>, #tpu.dimension_semantics<subcore_parallel>], iteration_bounds = array<i64: 2, 16>, scalar_prefetch = 0 : i64, scratch_operands = 33 : i64, tpu.core_type = #tpu.core_type<sc_vector_subcore>, window_params = [{transform_indices = #map}, {transform_indices = #map}, {transform_indices = #map1}, {transform_indices = #map1}, {transform_indices = #map}]} {
    %mul3A = arith.constant 2 : i32
    %mul3A_0 = arith.muli %arg1, %mul3A : i32
    %add3A = arith.addi %mul3A_0, %arg0 : i32
    %mul3A_1 = arith.constant 632 : i32
    %mul3A_2 = arith.muli %arg1, %mul3A_1 : i32
    "tpu.region"() ({
      %run_scoped3A = tpu.sem_alloc : memref<!tpu.dma_semaphore, #tpu.memory_space<semaphore_mem>>
      %dma_start3A_115 = arith.constant 0 : i32
      %dma_start3A_116 = tpu.memref_slice %arg7[%mul3A_2, %dma_start3A_115] : memref<10112x16xbf16, #tpu.memory_space<vmem_shared>> -> memref<632x16xbf16, #tpu.memory_space<vmem_shared>>
      tpu.enqueue_dma source(%arg5 : memref<632x16xbf16, #tpu.memory_space<hbm>>) target(%dma_start3A_116 : memref<632x16xbf16, #tpu.memory_space<vmem_shared>>) target_semaphore(%run_scoped3A : memref<!tpu.dma_semaphore, #tpu.memory_space<semaphore_mem>>)
      %dma_wait3A_117 = arith.constant 0 : i32
      %dma_wait3A_118 = tpu.memref_slice %arg7[%mul3A_2, %dma_wait3A_117] : memref<10112x16xbf16, #tpu.memory_space<vmem_shared>> -> memref<632x16xbf16, #tpu.memory_space<vmem_shared>>
      tpu.wait_dma2 semaphore(%run_scoped3A : memref<!tpu.dma_semaphore, #tpu.memory_space<semaphore_mem>>) src(%arg5 : memref<632x16xbf16, #tpu.memory_space<hbm>>) dst(%dma_wait3A_118 : memref<632x16xbf16, #tpu.memory_space<vmem_shared>>)
      tpu.yield
    }) : () -> ()
    "tpu.region"() ({
      %run_scoped3A = tpu.sem_alloc : memref<!tpu.dma_semaphore, #tpu.memory_space<semaphore_mem>>
      %dma_start3A_115 = arith.constant 0 : i32
      %dma_start3A_116 = arith.constant 0 : i32
      %dma_start3A_117 = tpu.memref_slice %arg2[%add3A, %dma_start3A_115, %dma_start3A_116] : memref<32x80x128xi32, #tpu.memory_space<hbm>> -> memref<1x80x128xi32, #tpu.memory_space<hbm>>
      %dma_start3A_118 = tpu.memref_squeeze %dma_start3A_117 : memref<1x80x128xi32, #tpu.memory_space<hbm>> -> memref<80x128xi32, #tpu.memory_space<hbm>>
      %dma_start3A_119 = arith.constant 0 : i32
      %dma_start3A_120 = arith.constant 0 : i32
      %dma_start3A_121 = tpu.memref_slice %arg2[%add3A, %dma_start3A_119, %dma_start3A_120] : memref<32x80x128xi32, #tpu.memory_space<hbm>> -> memref<1x80x128xi32, #tpu.memory_space<hbm>>
      %dma_start3A_122 = tpu.memref_squeeze %dma_start3A_121 : memref<1x80x128xi32, #tpu.memory_space<hbm>> -> memref<80x128xi32, #tpu.memory_space<hbm>>
      tpu.enqueue_dma source(%dma_start3A_122 : memref<80x128xi32, #tpu.memory_space<hbm>>) target(%arg8 : memref<80x128xi32, #tpu.memory_space<vmem>>) target_semaphore(%run_scoped3A : memref<!tpu.dma_semaphore, #tpu.memory_space<semaphore_mem>>)
      %dma_wait3A_123 = arith.constant 0 : i32
      %dma_wait3A_124 = arith.constant 0 : i32
      %dma_wait3A_125 = tpu.memref_slice %arg2[%add3A, %dma_wait3A_123, %dma_wait3A_124] : memref<32x80x128xi32, #tpu.memory_space<hbm>> -> memref<1x80x128xi32, #tpu.memory_space<hbm>>
      %dma_wait3A_126 = tpu.memref_squeeze %dma_wait3A_125 : memref<1x80x128xi32, #tpu.memory_space<hbm>> -> memref<80x128xi32, #tpu.memory_space<hbm>>
      %dma_wait3A_127 = arith.constant 0 : i32
      %dma_wait3A_128 = arith.constant 0 : i32
      %dma_wait3A_129 = tpu.memref_slice %arg2[%add3A, %dma_wait3A_127, %dma_wait3A_128] : memref<32x80x128xi32, #tpu.memory_space<hbm>> -> memref<1x80x128xi32, #tpu.memory_space<hbm>>
      %dma_wait3A_130 = tpu.memref_squeeze %dma_wait3A_129 : memref<1x80x128xi32, #tpu.memory_space<hbm>> -> memref<80x128xi32, #tpu.memory_space<hbm>>
      tpu.wait_dma2 semaphore(%run_scoped3A : memref<!tpu.dma_semaphore, #tpu.memory_space<semaphore_mem>>) src(%dma_wait3A_130 : memref<80x128xi32, #tpu.memory_space<hbm>>) dst(%arg8 : memref<80x128xi32, #tpu.memory_space<vmem>>)
      tpu.yield
    }) : () -> ()
    "tpu.region"() ({
      %run_scoped3A = tpu.sem_alloc : memref<!tpu.dma_semaphore, #tpu.memory_space<semaphore_mem>>
      %dma_start3A_115 = arith.constant 0 : i32
      %dma_start3A_116 = arith.constant 0 : i32
      %dma_start3A_117 = tpu.memref_slice %arg3[%add3A, %dma_start3A_115, %dma_start3A_116] : memref<32x80x128xi32, #tpu.memory_space<hbm>> -> memref<1x80x128xi32, #tpu.memory_space<hbm>>
      %dma_start3A_118 = tpu.memref_squeeze %dma_start3A_117 : memref<1x80x128xi32, #tpu.memory_space<hbm>> -> memref<80x128xi32, #tpu.memory_space<hbm>>
      %dma_start3A_119 = arith.constant 0 : i32
      %dma_start3A_120 = arith.constant 0 : i32
      %dma_start3A_121 = tpu.memref_slice %arg3[%add3A, %dma_start3A_119, %dma_start3A_120] : memref<32x80x128xi32, #tpu.memory_space<hbm>> -> memref<1x80x128xi32, #tpu.memory_space<hbm>>
      %dma_start3A_122 = tpu.memref_squeeze %dma_start3A_121 : memref<1x80x128xi32, #tpu.memory_space<hbm>> -> memref<80x128xi32, #tpu.memory_space<hbm>>
      tpu.enqueue_dma source(%dma_start3A_122 : memref<80x128xi32, #tpu.memory_space<hbm>>) target(%arg9 : memref<80x128xi32, #tpu.memory_space<vmem>>) target_semaphore(%run_scoped3A : memref<!tpu.dma_semaphore, #tpu.memory_space<semaphore_mem>>)
      %dma_wait3A_123 = arith.constant 0 : i32
      %dma_wait3A_124 = arith.constant 0 : i32
      %dma_wait3A_125 = tpu.memref_slice %arg3[%add3A, %dma_wait3A_123, %dma_wait3A_124] : memref<32x80x128xi32, #tpu.memory_space<hbm>> -> memref<1x80x128xi32, #tpu.memory_space<hbm>>
      %dma_wait3A_126 = tpu.memref_squeeze %dma_wait3A_125 : memref<1x80x128xi32, #tpu.memory_space<hbm>> -> memref<80x128xi32, #tpu.memory_space<hbm>>
      %dma_wait3A_127 = arith.constant 0 : i32
      %dma_wait3A_128 = arith.constant 0 : i32
      %dma_wait3A_129 = tpu.memref_slice %arg3[%add3A, %dma_wait3A_127, %dma_wait3A_128] : memref<32x80x128xi32, #tpu.memory_space<hbm>> -> memref<1x80x128xi32, #tpu.memory_space<hbm>>
      %dma_wait3A_130 = tpu.memref_squeeze %dma_wait3A_129 : memref<1x80x128xi32, #tpu.memory_space<hbm>> -> memref<80x128xi32, #tpu.memory_space<hbm>>
      tpu.wait_dma2 semaphore(%run_scoped3A : memref<!tpu.dma_semaphore, #tpu.memory_space<semaphore_mem>>) src(%dma_wait3A_130 : memref<80x128xi32, #tpu.memory_space<hbm>>) dst(%arg9 : memref<80x128xi32, #tpu.memory_space<vmem>>)
      tpu.yield
    }) : () -> ()
    %barrier3A = arith.constant 0 : index
    tpu.barrier barrier_id(%barrier3A)
    %dma_start3A = arith.constant 0 : i32
    %dma_start3A_3 = arith.constant 0 : i32
    %dma_start3A_4 = tpu.memref_slice %arg8[%dma_start3A, %dma_start3A_3] : memref<80x128xi32, #tpu.memory_space<vmem>> -> memref<1x128xi32, #tpu.memory_space<vmem>>
    %dma_start3A_5 = tpu.memref_squeeze %dma_start3A_4 : memref<1x128xi32, #tpu.memory_space<vmem>> -> memref<128xi32, #tpu.memory_space<vmem>>
    %dma_start3A_6 = arith.constant 0 : i32
    %dma_start3A_7 = arith.constant 0 : i32
    %dma_start3A_8 = tpu.memref_slice %arg4[%dma_start3A_6, %dma_start3A_7] : memref<10112x16xbf16, #tpu.memory_space<hbm>> -> memref<10112x16xbf16, #tpu.memory_space<hbm>>
    tpu.enqueue_indirect_dma source(%dma_start3A_8 : memref<10112x16xbf16, #tpu.memory_space<hbm>>) target(%arg10 : memref<128x16xbf16, #tpu.memory_space<vmem>>) offsets(%dma_start3A_5 : memref<128xi32, #tpu.memory_space<vmem>>) semaphore(%arg20 : memref<!tpu.dma_semaphore, #tpu.memory_space<semaphore_mem>>)
    %dma_start3A_9 = arith.constant 1 : i32
    %dma_start3A_10 = arith.constant 0 : i32
    %dma_start3A_11 = tpu.memref_slice %arg8[%dma_start3A_9, %dma_start3A_10] : memref<80x128xi32, #tpu.memory_space<vmem>> -> memref<1x128xi32, #tpu.memory_space<vmem>>
    %dma_start3A_12 = tpu.memref_squeeze %dma_start3A_11 : memref<1x128xi32, #tpu.memory_space<vmem>> -> memref<128xi32, #tpu.memory_space<vmem>>
    %dma_start3A_13 = arith.constant 0 : i32
    %dma_start3A_14 = arith.constant 0 : i32
    %dma_start3A_15 = tpu.memref_slice %arg4[%dma_start3A_13, %dma_start3A_14] : memref<10112x16xbf16, #tpu.memory_space<hbm>> -> memref<10112x16xbf16, #tpu.memory_space<hbm>>
    tpu.enqueue_indirect_dma source(%dma_start3A_15 : memref<10112x16xbf16, #tpu.memory_space<hbm>>) target(%arg11 : memref<128x16xbf16, #tpu.memory_space<vmem>>) offsets(%dma_start3A_12 : memref<128xi32, #tpu.memory_space<vmem>>) semaphore(%arg21 : memref<!tpu.dma_semaphore, #tpu.memory_space<semaphore_mem>>)
    %dma_start3A_16 = arith.constant 2 : i32
    %dma_start3A_17 = arith.constant 0 : i32
    %dma_start3A_18 = tpu.memref_slice %arg8[%dma_start3A_16, %dma_start3A_17] : memref<80x128xi32, #tpu.memory_space<vmem>> -> memref<1x128xi32, #tpu.memory_space<vmem>>
    %dma_start3A_19 = tpu.memref_squeeze %dma_start3A_18 : memref<1x128xi32, #tpu.memory_space<vmem>> -> memref<128xi32, #tpu.memory_space<vmem>>
    %dma_start3A_20 = arith.constant 0 : i32
    %dma_start3A_21 = arith.constant 0 : i32
    %dma_start3A_22 = tpu.memref_slice %arg4[%dma_start3A_20, %dma_start3A_21] : memref<10112x16xbf16, #tpu.memory_space<hbm>> -> memref<10112x16xbf16, #tpu.memory_space<hbm>>
    tpu.enqueue_indirect_dma source(%dma_start3A_22 : memref<10112x16xbf16, #tpu.memory_space<hbm>>) target(%arg12 : memref<128x16xbf16, #tpu.memory_space<vmem>>) offsets(%dma_start3A_19 : memref<128xi32, #tpu.memory_space<vmem>>) semaphore(%arg22 : memref<!tpu.dma_semaphore, #tpu.memory_space<semaphore_mem>>)
    %dma_start3A_23 = arith.constant 3 : i32
    %dma_start3A_24 = arith.constant 0 : i32
    %dma_start3A_25 = tpu.memref_slice %arg8[%dma_start3A_23, %dma_start3A_24] : memref<80x128xi32, #tpu.memory_space<vmem>> -> memref<1x128xi32, #tpu.memory_space<vmem>>
    %dma_start3A_26 = tpu.memref_squeeze %dma_start3A_25 : memref<1x128xi32, #tpu.memory_space<vmem>> -> memref<128xi32, #tpu.memory_space<vmem>>
    %dma_start3A_27 = arith.constant 0 : i32
    %dma_start3A_28 = arith.constant 0 : i32
    %dma_start3A_29 = tpu.memref_slice %arg4[%dma_start3A_27, %dma_start3A_28] : memref<10112x16xbf16, #tpu.memory_space<hbm>> -> memref<10112x16xbf16, #tpu.memory_space<hbm>>
    tpu.enqueue_indirect_dma source(%dma_start3A_29 : memref<10112x16xbf16, #tpu.memory_space<hbm>>) target(%arg13 : memref<128x16xbf16, #tpu.memory_space<vmem>>) offsets(%dma_start3A_26 : memref<128xi32, #tpu.memory_space<vmem>>) semaphore(%arg23 : memref<!tpu.dma_semaphore, #tpu.memory_space<semaphore_mem>>)
    %dma_start3A_30 = arith.constant 4 : i32
    %dma_start3A_31 = arith.constant 0 : i32
    %dma_start3A_32 = tpu.memref_slice %arg8[%dma_start3A_30, %dma_start3A_31] : memref<80x128xi32, #tpu.memory_space<vmem>> -> memref<1x128xi32, #tpu.memory_space<vmem>>
    %dma_start3A_33 = tpu.memref_squeeze %dma_start3A_32 : memref<1x128xi32, #tpu.memory_space<vmem>> -> memref<128xi32, #tpu.memory_space<vmem>>
    %dma_start3A_34 = arith.constant 0 : i32
    %dma_start3A_35 = arith.constant 0 : i32
    %dma_start3A_36 = tpu.memref_slice %arg4[%dma_start3A_34, %dma_start3A_35] : memref<10112x16xbf16, #tpu.memory_space<hbm>> -> memref<10112x16xbf16, #tpu.memory_space<hbm>>
    tpu.enqueue_indirect_dma source(%dma_start3A_36 : memref<10112x16xbf16, #tpu.memory_space<hbm>>) target(%arg14 : memref<128x16xbf16, #tpu.memory_space<vmem>>) offsets(%dma_start3A_33 : memref<128xi32, #tpu.memory_space<vmem>>) semaphore(%arg24 : memref<!tpu.dma_semaphore, #tpu.memory_space<semaphore_mem>>)
    %scan3A = arith.constant 0 : i32
    %scan3A_37 = arith.constant 8 : i32
    %scan3A_38 = arith.addi %scan3A, %scan3A_37 : i32
    %scan3A_39 = arith.constant 1 : i32
    scf.for %scan3A_115 = %scan3A to %scan3A_38 step %scan3A_39  : i32 {
      %mul3A_116 = arith.constant 1 : i32
      %mul3A_117 = arith.muli %scan3A_115, %mul3A_116 : i32
      %add3A_118 = arith.constant 0 : i32
      %add3A_119 = arith.addi %add3A_118, %mul3A_117 : i32
      %mul3A_120 = arith.constant 10 : i32
      %mul3A_121 = arith.muli %add3A_119, %mul3A_120 : i32
      %add3A_122 = arith.constant 0 : i32
      %add3A_123 = arith.addi %mul3A_121, %add3A_122 : i32
      %dma_wait3A_124 = arith.constant 0 : i32
      %dma_wait3A_125 = tpu.memref_slice %arg8[%add3A_123, %dma_wait3A_124] : memref<80x128xi32, #tpu.memory_space<vmem>> -> memref<1x128xi32, #tpu.memory_space<vmem>>
      %dma_wait3A_126 = tpu.memref_squeeze %dma_wait3A_125 : memref<1x128xi32, #tpu.memory_space<vmem>> -> memref<128xi32, #tpu.memory_space<vmem>>
      %dma_wait3A_127 = arith.constant 0 : i32
      %dma_wait3A_128 = arith.constant 0 : i32
      %dma_wait3A_129 = tpu.memref_slice %arg4[%dma_wait3A_127, %dma_wait3A_128] : memref<10112x16xbf16, #tpu.memory_space<hbm>> -> memref<10112x16xbf16, #tpu.memory_space<hbm>>
      tpu.wait_indirect_dma semaphore(%arg20 : memref<!tpu.dma_semaphore, #tpu.memory_space<semaphore_mem>>) src(%dma_wait3A_129 : memref<10112x16xbf16, #tpu.memory_space<hbm>>) dst(%arg10 : memref<128x16xbf16, #tpu.memory_space<vmem>>)
      %dma_start3A_130 = arith.constant 0 : i32
      %dma_start3A_131 = tpu.memref_slice %arg9[%add3A_123, %dma_start3A_130] : memref<80x128xi32, #tpu.memory_space<vmem>> -> memref<1x128xi32, #tpu.memory_space<vmem>>
      %dma_start3A_132 = tpu.memref_squeeze %dma_start3A_131 : memref<1x128xi32, #tpu.memory_space<vmem>> -> memref<128xi32, #tpu.memory_space<vmem>>
      %dma_start3A_133 = arith.constant 0 : i32
      %dma_start3A_134 = arith.constant 0 : i32
      %dma_start3A_135 = tpu.memref_slice %arg7[%dma_start3A_133, %dma_start3A_134] : memref<10112x16xbf16, #tpu.memory_space<vmem_shared>> -> memref<10112x16xbf16, #tpu.memory_space<vmem_shared>>
      tpu.enqueue_indirect_dma source(%arg10 : memref<128x16xbf16, #tpu.memory_space<vmem>>) target(%dma_start3A_135 : memref<10112x16xbf16, #tpu.memory_space<vmem_shared>>) offsets(%dma_start3A_132 : memref<128xi32, #tpu.memory_space<vmem>>) semaphore(%arg30 : memref<!tpu.dma_semaphore, #tpu.memory_space<semaphore_mem>>) {add = true}
      %add3A_136 = arith.constant 5 : i32
      %add3A_137 = arith.addi %add3A_123, %add3A_136 : i32
      %lt3A = arith.constant 80 : i32
      %lt3A_138 = arith.cmpi slt, %add3A_137, %lt3A : i32
      %convert_element_type3A = arith.extui %lt3A_138 : i1 to i32
      %cond3A = arith.constant 0 : i32
      %cond3A_139 = arith.cmpi ne, %convert_element_type3A, %cond3A : i32
      scf.if %cond3A_139 {
        %ge3A = arith.constant 10 : i32
        %ge3A_347 = arith.cmpi sge, %add3A_137, %ge3A : i32
        %convert_element_type3A_348 = arith.extui %ge3A_347 : i1 to i32
        %cond3A_349 = arith.constant 0 : i32
        %cond3A_350 = arith.cmpi ne, %convert_element_type3A_348, %cond3A_349 : i32
        scf.if %cond3A_350 {
          %sub3A = arith.constant 10 : i32
          %sub3A_357 = arith.subi %add3A_137, %sub3A : i32
          %dma_wait3A_358 = arith.constant 0 : i32
          %dma_wait3A_359 = tpu.memref_slice %arg9[%sub3A_357, %dma_wait3A_358] : memref<80x128xi32, #tpu.memory_space<vmem>> -> memref<1x128xi32, #tpu.memory_space<vmem>>
          %dma_wait3A_360 = tpu.memref_squeeze %dma_wait3A_359 : memref<1x128xi32, #tpu.memory_space<vmem>> -> memref<128xi32, #tpu.memory_space<vmem>>
          %dma_wait3A_361 = arith.constant 0 : i32
          %dma_wait3A_362 = arith.constant 0 : i32
          %dma_wait3A_363 = tpu.memref_slice %arg7[%dma_wait3A_361, %dma_wait3A_362] : memref<10112x16xbf16, #tpu.memory_space<vmem_shared>> -> memref<10112x16xbf16, #tpu.memory_space<vmem_shared>>
          tpu.wait_indirect_dma semaphore(%arg35 : memref<!tpu.dma_semaphore, #tpu.memory_space<semaphore_mem>>) src(%arg15 : memref<128x16xbf16, #tpu.memory_space<vmem>>) dst(%dma_wait3A_363 : memref<10112x16xbf16, #tpu.memory_space<vmem_shared>>)
        } else {
        }
        %dma_start3A_351 = arith.constant 0 : i32
        %dma_start3A_352 = tpu.memref_slice %arg8[%add3A_137, %dma_start3A_351] : memref<80x128xi32, #tpu.memory_space<vmem>> -> memref<1x128xi32, #tpu.memory_space<vmem>>
        %dma_start3A_353 = tpu.memref_squeeze %dma_start3A_352 : memref<1x128xi32, #tpu.memory_space<vmem>> -> memref<128xi32, #tpu.memory_space<vmem>>
        %dma_start3A_354 = arith.constant 0 : i32
        %dma_start3A_355 = arith.constant 0 : i32
        %dma_start3A_356 = tpu.memref_slice %arg4[%dma_start3A_354, %dma_start3A_355] : memref<10112x16xbf16, #tpu.memory_space<hbm>> -> memref<10112x16xbf16, #tpu.memory_space<hbm>>
        tpu.enqueue_indirect_dma source(%dma_start3A_356 : memref<10112x16xbf16, #tpu.memory_space<hbm>>) target(%arg15 : memref<128x16xbf16, #tpu.memory_space<vmem>>) offsets(%dma_start3A_353 : memref<128xi32, #tpu.memory_space<vmem>>) semaphore(%arg25 : memref<!tpu.dma_semaphore, #tpu.memory_space<semaphore_mem>>)
      } else {
      }
      %mul3A_140 = arith.constant 10 : i32
      %mul3A_141 = arith.muli %add3A_119, %mul3A_140 : i32
      %add3A_142 = arith.constant 1 : i32
      %add3A_143 = arith.addi %mul3A_141, %add3A_142 : i32
      %dma_wait3A_144 = arith.constant 0 : i32
      %dma_wait3A_145 = tpu.memref_slice %arg8[%add3A_143, %dma_wait3A_144] : memref<80x128xi32, #tpu.memory_space<vmem>> -> memref<1x128xi32, #tpu.memory_space<vmem>>
      %dma_wait3A_146 = tpu.memref_squeeze %dma_wait3A_145 : memref<1x128xi32, #tpu.memory_space<vmem>> -> memref<128xi32, #tpu.memory_space<vmem>>
      %dma_wait3A_147 = arith.constant 0 : i32
      %dma_wait3A_148 = arith.constant 0 : i32
      %dma_wait3A_149 = tpu.memref_slice %arg4[%dma_wait3A_147, %dma_wait3A_148] : memref<10112x16xbf16, #tpu.memory_space<hbm>> -> memref<10112x16xbf16, #tpu.memory_space<hbm>>
      tpu.wait_indirect_dma semaphore(%arg21 : memref<!tpu.dma_semaphore, #tpu.memory_space<semaphore_mem>>) src(%dma_wait3A_149 : memref<10112x16xbf16, #tpu.memory_space<hbm>>) dst(%arg11 : memref<128x16xbf16, #tpu.memory_space<vmem>>)
      %dma_start3A_150 = arith.constant 0 : i32
      %dma_start3A_151 = tpu.memref_slice %arg9[%add3A_143, %dma_start3A_150] : memref<80x128xi32, #tpu.memory_space<vmem>> -> memref<1x128xi32, #tpu.memory_space<vmem>>
      %dma_start3A_152 = tpu.memref_squeeze %dma_start3A_151 : memref<1x128xi32, #tpu.memory_space<vmem>> -> memref<128xi32, #tpu.memory_space<vmem>>
      %dma_start3A_153 = arith.constant 0 : i32
      %dma_start3A_154 = arith.constant 0 : i32
      %dma_start3A_155 = tpu.memref_slice %arg7[%dma_start3A_153, %dma_start3A_154] : memref<10112x16xbf16, #tpu.memory_space<vmem_shared>> -> memref<10112x16xbf16, #tpu.memory_space<vmem_shared>>
      tpu.enqueue_indirect_dma source(%arg11 : memref<128x16xbf16, #tpu.memory_space<vmem>>) target(%dma_start3A_155 : memref<10112x16xbf16, #tpu.memory_space<vmem_shared>>) offsets(%dma_start3A_152 : memref<128xi32, #tpu.memory_space<vmem>>) semaphore(%arg31 : memref<!tpu.dma_semaphore, #tpu.memory_space<semaphore_mem>>) {add = true}
      %add3A_156 = arith.constant 5 : i32
      %add3A_157 = arith.addi %add3A_143, %add3A_156 : i32
      %lt3A_158 = arith.constant 80 : i32
      %lt3A_159 = arith.cmpi slt, %add3A_157, %lt3A_158 : i32
      %convert_element_type3A_160 = arith.extui %lt3A_159 : i1 to i32
      %cond3A_161 = arith.constant 0 : i32
      %cond3A_162 = arith.cmpi ne, %convert_element_type3A_160, %cond3A_161 : i32
      scf.if %cond3A_162 {
        %ge3A = arith.constant 10 : i32
        %ge3A_347 = arith.cmpi sge, %add3A_157, %ge3A : i32
        %convert_element_type3A_348 = arith.extui %ge3A_347 : i1 to i32
        %cond3A_349 = arith.constant 0 : i32
        %cond3A_350 = arith.cmpi ne, %convert_element_type3A_348, %cond3A_349 : i32
        scf.if %cond3A_350 {
          %sub3A = arith.constant 10 : i32
          %sub3A_357 = arith.subi %add3A_157, %sub3A : i32
          %dma_wait3A_358 = arith.constant 0 : i32
          %dma_wait3A_359 = tpu.memref_slice %arg9[%sub3A_357, %dma_wait3A_358] : memref<80x128xi32, #tpu.memory_space<vmem>> -> memref<1x128xi32, #tpu.memory_space<vmem>>
          %dma_wait3A_360 = tpu.memref_squeeze %dma_wait3A_359 : memref<1x128xi32, #tpu.memory_space<vmem>> -> memref<128xi32, #tpu.memory_space<vmem>>
          %dma_wait3A_361 = arith.constant 0 : i32
          %dma_wait3A_362 = arith.constant 0 : i32
          %dma_wait3A_363 = tpu.memref_slice %arg7[%dma_wait3A_361, %dma_wait3A_362] : memref<10112x16xbf16, #tpu.memory_space<vmem_shared>> -> memref<10112x16xbf16, #tpu.memory_space<vmem_shared>>
          tpu.wait_indirect_dma semaphore(%arg36 : memref<!tpu.dma_semaphore, #tpu.memory_space<semaphore_mem>>) src(%arg16 : memref<128x16xbf16, #tpu.memory_space<vmem>>) dst(%dma_wait3A_363 : memref<10112x16xbf16, #tpu.memory_space<vmem_shared>>)
        } else {
        }
        %dma_start3A_351 = arith.constant 0 : i32
        %dma_start3A_352 = tpu.memref_slice %arg8[%add3A_157, %dma_start3A_351] : memref<80x128xi32, #tpu.memory_space<vmem>> -> memref<1x128xi32, #tpu.memory_space<vmem>>
        %dma_start3A_353 = tpu.memref_squeeze %dma_start3A_352 : memref<1x128xi32, #tpu.memory_space<vmem>> -> memref<128xi32, #tpu.memory_space<vmem>>
        %dma_start3A_354 = arith.constant 0 : i32
        %dma_start3A_355 = arith.constant 0 : i32
        %dma_start3A_356 = tpu.memref_slice %arg4[%dma_start3A_354, %dma_start3A_355] : memref<10112x16xbf16, #tpu.memory_space<hbm>> -> memref<10112x16xbf16, #tpu.memory_space<hbm>>
        tpu.enqueue_indirect_dma source(%dma_start3A_356 : memref<10112x16xbf16, #tpu.memory_space<hbm>>) target(%arg16 : memref<128x16xbf16, #tpu.memory_space<vmem>>) offsets(%dma_start3A_353 : memref<128xi32, #tpu.memory_space<vmem>>) semaphore(%arg26 : memref<!tpu.dma_semaphore, #tpu.memory_space<semaphore_mem>>)
      } else {
      }
      %mul3A_163 = arith.constant 10 : i32
      %mul3A_164 = arith.muli %add3A_119, %mul3A_163 : i32
      %add3A_165 = arith.constant 2 : i32
      %add3A_166 = arith.addi %mul3A_164, %add3A_165 : i32
      %dma_wait3A_167 = arith.constant 0 : i32
      %dma_wait3A_168 = tpu.memref_slice %arg8[%add3A_166, %dma_wait3A_167] : memref<80x128xi32, #tpu.memory_space<vmem>> -> memref<1x128xi32, #tpu.memory_space<vmem>>
      %dma_wait3A_169 = tpu.memref_squeeze %dma_wait3A_168 : memref<1x128xi32, #tpu.memory_space<vmem>> -> memref<128xi32, #tpu.memory_space<vmem>>
      %dma_wait3A_170 = arith.constant 0 : i32
      %dma_wait3A_171 = arith.constant 0 : i32
      %dma_wait3A_172 = tpu.memref_slice %arg4[%dma_wait3A_170, %dma_wait3A_171] : memref<10112x16xbf16, #tpu.memory_space<hbm>> -> memref<10112x16xbf16, #tpu.memory_space<hbm>>
      tpu.wait_indirect_dma semaphore(%arg22 : memref<!tpu.dma_semaphore, #tpu.memory_space<semaphore_mem>>) src(%dma_wait3A_172 : memref<10112x16xbf16, #tpu.memory_space<hbm>>) dst(%arg12 : memref<128x16xbf16, #tpu.memory_space<vmem>>)
      %dma_start3A_173 = arith.constant 0 : i32
      %dma_start3A_174 = tpu.memref_slice %arg9[%add3A_166, %dma_start3A_173] : memref<80x128xi32, #tpu.memory_space<vmem>> -> memref<1x128xi32, #tpu.memory_space<vmem>>
      %dma_start3A_175 = tpu.memref_squeeze %dma_start3A_174 : memref<1x128xi32, #tpu.memory_space<vmem>> -> memref<128xi32, #tpu.memory_space<vmem>>
      %dma_start3A_176 = arith.constant 0 : i32
      %dma_start3A_177 = arith.constant 0 : i32
      %dma_start3A_178 = tpu.memref_slice %arg7[%dma_start3A_176, %dma_start3A_177] : memref<10112x16xbf16, #tpu.memory_space<vmem_shared>> -> memref<10112x16xbf16, #tpu.memory_space<vmem_shared>>
      tpu.enqueue_indirect_dma source(%arg12 : memref<128x16xbf16, #tpu.memory_space<vmem>>) target(%dma_start3A_178 : memref<10112x16xbf16, #tpu.memory_space<vmem_shared>>) offsets(%dma_start3A_175 : memref<128xi32, #tpu.memory_space<vmem>>) semaphore(%arg32 : memref<!tpu.dma_semaphore, #tpu.memory_space<semaphore_mem>>) {add = true}
      %add3A_179 = arith.constant 5 : i32
      %add3A_180 = arith.addi %add3A_166, %add3A_179 : i32
      %lt3A_181 = arith.constant 80 : i32
      %lt3A_182 = arith.cmpi slt, %add3A_180, %lt3A_181 : i32
      %convert_element_type3A_183 = arith.extui %lt3A_182 : i1 to i32
      %cond3A_184 = arith.constant 0 : i32
      %cond3A_185 = arith.cmpi ne, %convert_element_type3A_183, %cond3A_184 : i32
      scf.if %cond3A_185 {
        %ge3A = arith.constant 10 : i32
        %ge3A_347 = arith.cmpi sge, %add3A_180, %ge3A : i32
        %convert_element_type3A_348 = arith.extui %ge3A_347 : i1 to i32
        %cond3A_349 = arith.constant 0 : i32
        %cond3A_350 = arith.cmpi ne, %convert_element_type3A_348, %cond3A_349 : i32
        scf.if %cond3A_350 {
          %sub3A = arith.constant 10 : i32
          %sub3A_357 = arith.subi %add3A_180, %sub3A : i32
          %dma_wait3A_358 = arith.constant 0 : i32
          %dma_wait3A_359 = tpu.memref_slice %arg9[%sub3A_357, %dma_wait3A_358] : memref<80x128xi32, #tpu.memory_space<vmem>> -> memref<1x128xi32, #tpu.memory_space<vmem>>
          %dma_wait3A_360 = tpu.memref_squeeze %dma_wait3A_359 : memref<1x128xi32, #tpu.memory_space<vmem>> -> memref<128xi32, #tpu.memory_space<vmem>>
          %dma_wait3A_361 = arith.constant 0 : i32
          %dma_wait3A_362 = arith.constant 0 : i32
          %dma_wait3A_363 = tpu.memref_slice %arg7[%dma_wait3A_361, %dma_wait3A_362] : memref<10112x16xbf16, #tpu.memory_space<vmem_shared>> -> memref<10112x16xbf16, #tpu.memory_space<vmem_shared>>
          tpu.wait_indirect_dma semaphore(%arg37 : memref<!tpu.dma_semaphore, #tpu.memory_space<semaphore_mem>>) src(%arg17 : memref<128x16xbf16, #tpu.memory_space<vmem>>) dst(%dma_wait3A_363 : memref<10112x16xbf16, #tpu.memory_space<vmem_shared>>)
        } else {
        }
        %dma_start3A_351 = arith.constant 0 : i32
        %dma_start3A_352 = tpu.memref_slice %arg8[%add3A_180, %dma_start3A_351] : memref<80x128xi32, #tpu.memory_space<vmem>> -> memref<1x128xi32, #tpu.memory_space<vmem>>
        %dma_start3A_353 = tpu.memref_squeeze %dma_start3A_352 : memref<1x128xi32, #tpu.memory_space<vmem>> -> memref<128xi32, #tpu.memory_space<vmem>>
        %dma_start3A_354 = arith.constant 0 : i32
        %dma_start3A_355 = arith.constant 0 : i32
        %dma_start3A_356 = tpu.memref_slice %arg4[%dma_start3A_354, %dma_start3A_355] : memref<10112x16xbf16, #tpu.memory_space<hbm>> -> memref<10112x16xbf16, #tpu.memory_space<hbm>>
        tpu.enqueue_indirect_dma source(%dma_start3A_356 : memref<10112x16xbf16, #tpu.memory_space<hbm>>) target(%arg17 : memref<128x16xbf16, #tpu.memory_space<vmem>>) offsets(%dma_start3A_353 : memref<128xi32, #tpu.memory_space<vmem>>) semaphore(%arg27 : memref<!tpu.dma_semaphore, #tpu.memory_space<semaphore_mem>>)
      } else {
      }
      %mul3A_186 = arith.constant 10 : i32
      %mul3A_187 = arith.muli %add3A_119, %mul3A_186 : i32
      %add3A_188 = arith.constant 3 : i32
      %add3A_189 = arith.addi %mul3A_187, %add3A_188 : i32
      %dma_wait3A_190 = arith.constant 0 : i32
      %dma_wait3A_191 = tpu.memref_slice %arg8[%add3A_189, %dma_wait3A_190] : memref<80x128xi32, #tpu.memory_space<vmem>> -> memref<1x128xi32, #tpu.memory_space<vmem>>
      %dma_wait3A_192 = tpu.memref_squeeze %dma_wait3A_191 : memref<1x128xi32, #tpu.memory_space<vmem>> -> memref<128xi32, #tpu.memory_space<vmem>>
      %dma_wait3A_193 = arith.constant 0 : i32
      %dma_wait3A_194 = arith.constant 0 : i32
      %dma_wait3A_195 = tpu.memref_slice %arg4[%dma_wait3A_193, %dma_wait3A_194] : memref<10112x16xbf16, #tpu.memory_space<hbm>> -> memref<10112x16xbf16, #tpu.memory_space<hbm>>
      tpu.wait_indirect_dma semaphore(%arg23 : memref<!tpu.dma_semaphore, #tpu.memory_space<semaphore_mem>>) src(%dma_wait3A_195 : memref<10112x16xbf16, #tpu.memory_space<hbm>>) dst(%arg13 : memref<128x16xbf16, #tpu.memory_space<vmem>>)
      %dma_start3A_196 = arith.constant 0 : i32
      %dma_start3A_197 = tpu.memref_slice %arg9[%add3A_189, %dma_start3A_196] : memref<80x128xi32, #tpu.memory_space<vmem>> -> memref<1x128xi32, #tpu.memory_space<vmem>>
      %dma_start3A_198 = tpu.memref_squeeze %dma_start3A_197 : memref<1x128xi32, #tpu.memory_space<vmem>> -> memref<128xi32, #tpu.memory_space<vmem>>
      %dma_start3A_199 = arith.constant 0 : i32
      %dma_start3A_200 = arith.constant 0 : i32
      %dma_start3A_201 = tpu.memref_slice %arg7[%dma_start3A_199, %dma_start3A_200] : memref<10112x16xbf16, #tpu.memory_space<vmem_shared>> -> memref<10112x16xbf16, #tpu.memory_space<vmem_shared>>
      tpu.enqueue_indirect_dma source(%arg13 : memref<128x16xbf16, #tpu.memory_space<vmem>>) target(%dma_start3A_201 : memref<10112x16xbf16, #tpu.memory_space<vmem_shared>>) offsets(%dma_start3A_198 : memref<128xi32, #tpu.memory_space<vmem>>) semaphore(%arg33 : memref<!tpu.dma_semaphore, #tpu.memory_space<semaphore_mem>>) {add = true}
      %add3A_202 = arith.constant 5 : i32
      %add3A_203 = arith.addi %add3A_189, %add3A_202 : i32
      %lt3A_204 = arith.constant 80 : i32
      %lt3A_205 = arith.cmpi slt, %add3A_203, %lt3A_204 : i32
      %convert_element_type3A_206 = arith.extui %lt3A_205 : i1 to i32
      %cond3A_207 = arith.constant 0 : i32
      %cond3A_208 = arith.cmpi ne, %convert_element_type3A_206, %cond3A_207 : i32
      scf.if %cond3A_208 {
        %ge3A = arith.constant 10 : i32
        %ge3A_347 = arith.cmpi sge, %add3A_203, %ge3A : i32
        %convert_element_type3A_348 = arith.extui %ge3A_347 : i1 to i32
        %cond3A_349 = arith.constant 0 : i32
        %cond3A_350 = arith.cmpi ne, %convert_element_type3A_348, %cond3A_349 : i32
        scf.if %cond3A_350 {
          %sub3A = arith.constant 10 : i32
          %sub3A_357 = arith.subi %add3A_203, %sub3A : i32
          %dma_wait3A_358 = arith.constant 0 : i32
          %dma_wait3A_359 = tpu.memref_slice %arg9[%sub3A_357, %dma_wait3A_358] : memref<80x128xi32, #tpu.memory_space<vmem>> -> memref<1x128xi32, #tpu.memory_space<vmem>>
          %dma_wait3A_360 = tpu.memref_squeeze %dma_wait3A_359 : memref<1x128xi32, #tpu.memory_space<vmem>> -> memref<128xi32, #tpu.memory_space<vmem>>
          %dma_wait3A_361 = arith.constant 0 : i32
          %dma_wait3A_362 = arith.constant 0 : i32
          %dma_wait3A_363 = tpu.memref_slice %arg7[%dma_wait3A_361, %dma_wait3A_362] : memref<10112x16xbf16, #tpu.memory_space<vmem_shared>> -> memref<10112x16xbf16, #tpu.memory_space<vmem_shared>>
          tpu.wait_indirect_dma semaphore(%arg38 : memref<!tpu.dma_semaphore, #tpu.memory_space<semaphore_mem>>) src(%arg18 : memref<128x16xbf16, #tpu.memory_space<vmem>>) dst(%dma_wait3A_363 : memref<10112x16xbf16, #tpu.memory_space<vmem_shared>>)
        } else {
        }
        %dma_start3A_351 = arith.constant 0 : i32
        %dma_start3A_352 = tpu.memref_slice %arg8[%add3A_203, %dma_start3A_351] : memref<80x128xi32, #tpu.memory_space<vmem>> -> memref<1x128xi32, #tpu.memory_space<vmem>>
        %dma_start3A_353 = tpu.memref_squeeze %dma_start3A_352 : memref<1x128xi32, #tpu.memory_space<vmem>> -> memref<128xi32, #tpu.memory_space<vmem>>
        %dma_start3A_354 = arith.constant 0 : i32
        %dma_start3A_355 = arith.constant 0 : i32
        %dma_start3A_356 = tpu.memref_slice %arg4[%dma_start3A_354, %dma_start3A_355] : memref<10112x16xbf16, #tpu.memory_space<hbm>> -> memref<10112x16xbf16, #tpu.memory_space<hbm>>
        tpu.enqueue_indirect_dma source(%dma_start3A_356 : memref<10112x16xbf16, #tpu.memory_space<hbm>>) target(%arg18 : memref<128x16xbf16, #tpu.memory_space<vmem>>) offsets(%dma_start3A_353 : memref<128xi32, #tpu.memory_space<vmem>>) semaphore(%arg28 : memref<!tpu.dma_semaphore, #tpu.memory_space<semaphore_mem>>)
      } else {
      }
      %mul3A_209 = arith.constant 10 : i32
      %mul3A_210 = arith.muli %add3A_119, %mul3A_209 : i32
      %add3A_211 = arith.constant 4 : i32
      %add3A_212 = arith.addi %mul3A_210, %add3A_211 : i32
      %dma_wait3A_213 = arith.constant 0 : i32
      %dma_wait3A_214 = tpu.memref_slice %arg8[%add3A_212, %dma_wait3A_213] : memref<80x128xi32, #tpu.memory_space<vmem>> -> memref<1x128xi32, #tpu.memory_space<vmem>>
      %dma_wait3A_215 = tpu.memref_squeeze %dma_wait3A_214 : memref<1x128xi32, #tpu.memory_space<vmem>> -> memref<128xi32, #tpu.memory_space<vmem>>
      %dma_wait3A_216 = arith.constant 0 : i32
      %dma_wait3A_217 = arith.constant 0 : i32
      %dma_wait3A_218 = tpu.memref_slice %arg4[%dma_wait3A_216, %dma_wait3A_217] : memref<10112x16xbf16, #tpu.memory_space<hbm>> -> memref<10112x16xbf16, #tpu.memory_space<hbm>>
      tpu.wait_indirect_dma semaphore(%arg24 : memref<!tpu.dma_semaphore, #tpu.memory_space<semaphore_mem>>) src(%dma_wait3A_218 : memref<10112x16xbf16, #tpu.memory_space<hbm>>) dst(%arg14 : memref<128x16xbf16, #tpu.memory_space<vmem>>)
      %dma_start3A_219 = arith.constant 0 : i32
      %dma_start3A_220 = tpu.memref_slice %arg9[%add3A_212, %dma_start3A_219] : memref<80x128xi32, #tpu.memory_space<vmem>> -> memref<1x128xi32, #tpu.memory_space<vmem>>
      %dma_start3A_221 = tpu.memref_squeeze %dma_start3A_220 : memref<1x128xi32, #tpu.memory_space<vmem>> -> memref<128xi32, #tpu.memory_space<vmem>>
      %dma_start3A_222 = arith.constant 0 : i32
      %dma_start3A_223 = arith.constant 0 : i32
      %dma_start3A_224 = tpu.memref_slice %arg7[%dma_start3A_222, %dma_start3A_223] : memref<10112x16xbf16, #tpu.memory_space<vmem_shared>> -> memref<10112x16xbf16, #tpu.memory_space<vmem_shared>>
      tpu.enqueue_indirect_dma source(%arg14 : memref<128x16xbf16, #tpu.memory_space<vmem>>) target(%dma_start3A_224 : memref<10112x16xbf16, #tpu.memory_space<vmem_shared>>) offsets(%dma_start3A_221 : memref<128xi32, #tpu.memory_space<vmem>>) semaphore(%arg34 : memref<!tpu.dma_semaphore, #tpu.memory_space<semaphore_mem>>) {add = true}
      %add3A_225 = arith.constant 5 : i32
      %add3A_226 = arith.addi %add3A_212, %add3A_225 : i32
      %lt3A_227 = arith.constant 80 : i32
      %lt3A_228 = arith.cmpi slt, %add3A_226, %lt3A_227 : i32
      %convert_element_type3A_229 = arith.extui %lt3A_228 : i1 to i32
      %cond3A_230 = arith.constant 0 : i32
      %cond3A_231 = arith.cmpi ne, %convert_element_type3A_229, %cond3A_230 : i32
      scf.if %cond3A_231 {
        %ge3A = arith.constant 10 : i32
        %ge3A_347 = arith.cmpi sge, %add3A_226, %ge3A : i32
        %convert_element_type3A_348 = arith.extui %ge3A_347 : i1 to i32
        %cond3A_349 = arith.constant 0 : i32
        %cond3A_350 = arith.cmpi ne, %convert_element_type3A_348, %cond3A_349 : i32
        scf.if %cond3A_350 {
          %sub3A = arith.constant 10 : i32
          %sub3A_357 = arith.subi %add3A_226, %sub3A : i32
          %dma_wait3A_358 = arith.constant 0 : i32
          %dma_wait3A_359 = tpu.memref_slice %arg9[%sub3A_357, %dma_wait3A_358] : memref<80x128xi32, #tpu.memory_space<vmem>> -> memref<1x128xi32, #tpu.memory_space<vmem>>
          %dma_wait3A_360 = tpu.memref_squeeze %dma_wait3A_359 : memref<1x128xi32, #tpu.memory_space<vmem>> -> memref<128xi32, #tpu.memory_space<vmem>>
          %dma_wait3A_361 = arith.constant 0 : i32
          %dma_wait3A_362 = arith.constant 0 : i32
          %dma_wait3A_363 = tpu.memref_slice %arg7[%dma_wait3A_361, %dma_wait3A_362] : memref<10112x16xbf16, #tpu.memory_space<vmem_shared>> -> memref<10112x16xbf16, #tpu.memory_space<vmem_shared>>
          tpu.wait_indirect_dma semaphore(%arg39 : memref<!tpu.dma_semaphore, #tpu.memory_space<semaphore_mem>>) src(%arg19 : memref<128x16xbf16, #tpu.memory_space<vmem>>) dst(%dma_wait3A_363 : memref<10112x16xbf16, #tpu.memory_space<vmem_shared>>)
        } else {
        }
        %dma_start3A_351 = arith.constant 0 : i32
        %dma_start3A_352 = tpu.memref_slice %arg8[%add3A_226, %dma_start3A_351] : memref<80x128xi32, #tpu.memory_space<vmem>> -> memref<1x128xi32, #tpu.memory_space<vmem>>
        %dma_start3A_353 = tpu.memref_squeeze %dma_start3A_352 : memref<1x128xi32, #tpu.memory_space<vmem>> -> memref<128xi32, #tpu.memory_space<vmem>>
        %dma_start3A_354 = arith.constant 0 : i32
        %dma_start3A_355 = arith.constant 0 : i32
        %dma_start3A_356 = tpu.memref_slice %arg4[%dma_start3A_354, %dma_start3A_355] : memref<10112x16xbf16, #tpu.memory_space<hbm>> -> memref<10112x16xbf16, #tpu.memory_space<hbm>>
        tpu.enqueue_indirect_dma source(%dma_start3A_356 : memref<10112x16xbf16, #tpu.memory_space<hbm>>) target(%arg19 : memref<128x16xbf16, #tpu.memory_space<vmem>>) offsets(%dma_start3A_353 : memref<128xi32, #tpu.memory_space<vmem>>) semaphore(%arg29 : memref<!tpu.dma_semaphore, #tpu.memory_space<semaphore_mem>>)
      } else {
      }
      %mul3A_232 = arith.constant 10 : i32
      %mul3A_233 = arith.muli %add3A_119, %mul3A_232 : i32
      %add3A_234 = arith.constant 5 : i32
      %add3A_235 = arith.addi %mul3A_233, %add3A_234 : i32
      %dma_wait3A_236 = arith.constant 0 : i32
      %dma_wait3A_237 = tpu.memref_slice %arg8[%add3A_235, %dma_wait3A_236] : memref<80x128xi32, #tpu.memory_space<vmem>> -> memref<1x128xi32, #tpu.memory_space<vmem>>
      %dma_wait3A_238 = tpu.memref_squeeze %dma_wait3A_237 : memref<1x128xi32, #tpu.memory_space<vmem>> -> memref<128xi32, #tpu.memory_space<vmem>>
      %dma_wait3A_239 = arith.constant 0 : i32
      %dma_wait3A_240 = arith.constant 0 : i32
      %dma_wait3A_241 = tpu.memref_slice %arg4[%dma_wait3A_239, %dma_wait3A_240] : memref<10112x16xbf16, #tpu.memory_space<hbm>> -> memref<10112x16xbf16, #tpu.memory_space<hbm>>
      tpu.wait_indirect_dma semaphore(%arg25 : memref<!tpu.dma_semaphore, #tpu.memory_space<semaphore_mem>>) src(%dma_wait3A_241 : memref<10112x16xbf16, #tpu.memory_space<hbm>>) dst(%arg15 : memref<128x16xbf16, #tpu.memory_space<vmem>>)
      %dma_start3A_242 = arith.constant 0 : i32
      %dma_start3A_243 = tpu.memref_slice %arg9[%add3A_235, %dma_start3A_242] : memref<80x128xi32, #tpu.memory_space<vmem>> -> memref<1x128xi32, #tpu.memory_space<vmem>>
      %dma_start3A_244 = tpu.memref_squeeze %dma_start3A_243 : memref<1x128xi32, #tpu.memory_space<vmem>> -> memref<128xi32, #tpu.memory_space<vmem>>
      %dma_start3A_245 = arith.constant 0 : i32
      %dma_start3A_246 = arith.constant 0 : i32
      %dma_start3A_247 = tpu.memref_slice %arg7[%dma_start3A_245, %dma_start3A_246] : memref<10112x16xbf16, #tpu.memory_space<vmem_shared>> -> memref<10112x16xbf16, #tpu.memory_space<vmem_shared>>
      tpu.enqueue_indirect_dma source(%arg15 : memref<128x16xbf16, #tpu.memory_space<vmem>>) target(%dma_start3A_247 : memref<10112x16xbf16, #tpu.memory_space<vmem_shared>>) offsets(%dma_start3A_244 : memref<128xi32, #tpu.memory_space<vmem>>) semaphore(%arg35 : memref<!tpu.dma_semaphore, #tpu.memory_space<semaphore_mem>>) {add = true}
      %add3A_248 = arith.constant 5 : i32
      %add3A_249 = arith.addi %add3A_235, %add3A_248 : i32
      %lt3A_250 = arith.constant 80 : i32
      %lt3A_251 = arith.cmpi slt, %add3A_249, %lt3A_250 : i32
      %convert_element_type3A_252 = arith.extui %lt3A_251 : i1 to i32
      %cond3A_253 = arith.constant 0 : i32
      %cond3A_254 = arith.cmpi ne, %convert_element_type3A_252, %cond3A_253 : i32
      scf.if %cond3A_254 {
        %ge3A = arith.constant 10 : i32
        %ge3A_347 = arith.cmpi sge, %add3A_249, %ge3A : i32
        %convert_element_type3A_348 = arith.extui %ge3A_347 : i1 to i32
        %cond3A_349 = arith.constant 0 : i32
        %cond3A_350 = arith.cmpi ne, %convert_element_type3A_348, %cond3A_349 : i32
        scf.if %cond3A_350 {
          %sub3A = arith.constant 10 : i32
          %sub3A_357 = arith.subi %add3A_249, %sub3A : i32
          %dma_wait3A_358 = arith.constant 0 : i32
          %dma_wait3A_359 = tpu.memref_slice %arg9[%sub3A_357, %dma_wait3A_358] : memref<80x128xi32, #tpu.memory_space<vmem>> -> memref<1x128xi32, #tpu.memory_space<vmem>>
          %dma_wait3A_360 = tpu.memref_squeeze %dma_wait3A_359 : memref<1x128xi32, #tpu.memory_space<vmem>> -> memref<128xi32, #tpu.memory_space<vmem>>
          %dma_wait3A_361 = arith.constant 0 : i32
          %dma_wait3A_362 = arith.constant 0 : i32
          %dma_wait3A_363 = tpu.memref_slice %arg7[%dma_wait3A_361, %dma_wait3A_362] : memref<10112x16xbf16, #tpu.memory_space<vmem_shared>> -> memref<10112x16xbf16, #tpu.memory_space<vmem_shared>>
          tpu.wait_indirect_dma semaphore(%arg30 : memref<!tpu.dma_semaphore, #tpu.memory_space<semaphore_mem>>) src(%arg10 : memref<128x16xbf16, #tpu.memory_space<vmem>>) dst(%dma_wait3A_363 : memref<10112x16xbf16, #tpu.memory_space<vmem_shared>>)
        } else {
        }
        %dma_start3A_351 = arith.constant 0 : i32
        %dma_start3A_352 = tpu.memref_slice %arg8[%add3A_249, %dma_start3A_351] : memref<80x128xi32, #tpu.memory_space<vmem>> -> memref<1x128xi32, #tpu.memory_space<vmem>>
        %dma_start3A_353 = tpu.memref_squeeze %dma_start3A_352 : memref<1x128xi32, #tpu.memory_space<vmem>> -> memref<128xi32, #tpu.memory_space<vmem>>
        %dma_start3A_354 = arith.constant 0 : i32
        %dma_start3A_355 = arith.constant 0 : i32
        %dma_start3A_356 = tpu.memref_slice %arg4[%dma_start3A_354, %dma_start3A_355] : memref<10112x16xbf16, #tpu.memory_space<hbm>> -> memref<10112x16xbf16, #tpu.memory_space<hbm>>
        tpu.enqueue_indirect_dma source(%dma_start3A_356 : memref<10112x16xbf16, #tpu.memory_space<hbm>>) target(%arg10 : memref<128x16xbf16, #tpu.memory_space<vmem>>) offsets(%dma_start3A_353 : memref<128xi32, #tpu.memory_space<vmem>>) semaphore(%arg20 : memref<!tpu.dma_semaphore, #tpu.memory_space<semaphore_mem>>)
      } else {
      }
      %mul3A_255 = arith.constant 10 : i32
      %mul3A_256 = arith.muli %add3A_119, %mul3A_255 : i32
      %add3A_257 = arith.constant 6 : i32
      %add3A_258 = arith.addi %mul3A_256, %add3A_257 : i32
      %dma_wait3A_259 = arith.constant 0 : i32
      %dma_wait3A_260 = tpu.memref_slice %arg8[%add3A_258, %dma_wait3A_259] : memref<80x128xi32, #tpu.memory_space<vmem>> -> memref<1x128xi32, #tpu.memory_space<vmem>>
      %dma_wait3A_261 = tpu.memref_squeeze %dma_wait3A_260 : memref<1x128xi32, #tpu.memory_space<vmem>> -> memref<128xi32, #tpu.memory_space<vmem>>
      %dma_wait3A_262 = arith.constant 0 : i32
      %dma_wait3A_263 = arith.constant 0 : i32
      %dma_wait3A_264 = tpu.memref_slice %arg4[%dma_wait3A_262, %dma_wait3A_263] : memref<10112x16xbf16, #tpu.memory_space<hbm>> -> memref<10112x16xbf16, #tpu.memory_space<hbm>>
      tpu.wait_indirect_dma semaphore(%arg26 : memref<!tpu.dma_semaphore, #tpu.memory_space<semaphore_mem>>) src(%dma_wait3A_264 : memref<10112x16xbf16, #tpu.memory_space<hbm>>) dst(%arg16 : memref<128x16xbf16, #tpu.memory_space<vmem>>)
      %dma_start3A_265 = arith.constant 0 : i32
      %dma_start3A_266 = tpu.memref_slice %arg9[%add3A_258, %dma_start3A_265] : memref<80x128xi32, #tpu.memory_space<vmem>> -> memref<1x128xi32, #tpu.memory_space<vmem>>
      %dma_start3A_267 = tpu.memref_squeeze %dma_start3A_266 : memref<1x128xi32, #tpu.memory_space<vmem>> -> memref<128xi32, #tpu.memory_space<vmem>>
      %dma_start3A_268 = arith.constant 0 : i32
      %dma_start3A_269 = arith.constant 0 : i32
      %dma_start3A_270 = tpu.memref_slice %arg7[%dma_start3A_268, %dma_start3A_269] : memref<10112x16xbf16, #tpu.memory_space<vmem_shared>> -> memref<10112x16xbf16, #tpu.memory_space<vmem_shared>>
      tpu.enqueue_indirect_dma source(%arg16 : memref<128x16xbf16, #tpu.memory_space<vmem>>) target(%dma_start3A_270 : memref<10112x16xbf16, #tpu.memory_space<vmem_shared>>) offsets(%dma_start3A_267 : memref<128xi32, #tpu.memory_space<vmem>>) semaphore(%arg36 : memref<!tpu.dma_semaphore, #tpu.memory_space<semaphore_mem>>) {add = true}
      %add3A_271 = arith.constant 5 : i32
      %add3A_272 = arith.addi %add3A_258, %add3A_271 : i32
      %lt3A_273 = arith.constant 80 : i32
      %lt3A_274 = arith.cmpi slt, %add3A_272, %lt3A_273 : i32
      %convert_element_type3A_275 = arith.extui %lt3A_274 : i1 to i32
      %cond3A_276 = arith.constant 0 : i32
      %cond3A_277 = arith.cmpi ne, %convert_element_type3A_275, %cond3A_276 : i32
      scf.if %cond3A_277 {
        %ge3A = arith.constant 10 : i32
        %ge3A_347 = arith.cmpi sge, %add3A_272, %ge3A : i32
        %convert_element_type3A_348 = arith.extui %ge3A_347 : i1 to i32
        %cond3A_349 = arith.constant 0 : i32
        %cond3A_350 = arith.cmpi ne, %convert_element_type3A_348, %cond3A_349 : i32
        scf.if %cond3A_350 {
          %sub3A = arith.constant 10 : i32
          %sub3A_357 = arith.subi %add3A_272, %sub3A : i32
          %dma_wait3A_358 = arith.constant 0 : i32
          %dma_wait3A_359 = tpu.memref_slice %arg9[%sub3A_357, %dma_wait3A_358] : memref<80x128xi32, #tpu.memory_space<vmem>> -> memref<1x128xi32, #tpu.memory_space<vmem>>
          %dma_wait3A_360 = tpu.memref_squeeze %dma_wait3A_359 : memref<1x128xi32, #tpu.memory_space<vmem>> -> memref<128xi32, #tpu.memory_space<vmem>>
          %dma_wait3A_361 = arith.constant 0 : i32
          %dma_wait3A_362 = arith.constant 0 : i32
          %dma_wait3A_363 = tpu.memref_slice %arg7[%dma_wait3A_361, %dma_wait3A_362] : memref<10112x16xbf16, #tpu.memory_space<vmem_shared>> -> memref<10112x16xbf16, #tpu.memory_space<vmem_shared>>
          tpu.wait_indirect_dma semaphore(%arg31 : memref<!tpu.dma_semaphore, #tpu.memory_space<semaphore_mem>>) src(%arg11 : memref<128x16xbf16, #tpu.memory_space<vmem>>) dst(%dma_wait3A_363 : memref<10112x16xbf16, #tpu.memory_space<vmem_shared>>)
        } else {
        }
        %dma_start3A_351 = arith.constant 0 : i32
        %dma_start3A_352 = tpu.memref_slice %arg8[%add3A_272, %dma_start3A_351] : memref<80x128xi32, #tpu.memory_space<vmem>> -> memref<1x128xi32, #tpu.memory_space<vmem>>
        %dma_start3A_353 = tpu.memref_squeeze %dma_start3A_352 : memref<1x128xi32, #tpu.memory_space<vmem>> -> memref<128xi32, #tpu.memory_space<vmem>>
        %dma_start3A_354 = arith.constant 0 : i32
        %dma_start3A_355 = arith.constant 0 : i32
        %dma_start3A_356 = tpu.memref_slice %arg4[%dma_start3A_354, %dma_start3A_355] : memref<10112x16xbf16, #tpu.memory_space<hbm>> -> memref<10112x16xbf16, #tpu.memory_space<hbm>>
        tpu.enqueue_indirect_dma source(%dma_start3A_356 : memref<10112x16xbf16, #tpu.memory_space<hbm>>) target(%arg11 : memref<128x16xbf16, #tpu.memory_space<vmem>>) offsets(%dma_start3A_353 : memref<128xi32, #tpu.memory_space<vmem>>) semaphore(%arg21 : memref<!tpu.dma_semaphore, #tpu.memory_space<semaphore_mem>>)
      } else {
      }
      %mul3A_278 = arith.constant 10 : i32
      %mul3A_279 = arith.muli %add3A_119, %mul3A_278 : i32
      %add3A_280 = arith.constant 7 : i32
      %add3A_281 = arith.addi %mul3A_279, %add3A_280 : i32
      %dma_wait3A_282 = arith.constant 0 : i32
      %dma_wait3A_283 = tpu.memref_slice %arg8[%add3A_281, %dma_wait3A_282] : memref<80x128xi32, #tpu.memory_space<vmem>> -> memref<1x128xi32, #tpu.memory_space<vmem>>
      %dma_wait3A_284 = tpu.memref_squeeze %dma_wait3A_283 : memref<1x128xi32, #tpu.memory_space<vmem>> -> memref<128xi32, #tpu.memory_space<vmem>>
      %dma_wait3A_285 = arith.constant 0 : i32
      %dma_wait3A_286 = arith.constant 0 : i32
      %dma_wait3A_287 = tpu.memref_slice %arg4[%dma_wait3A_285, %dma_wait3A_286] : memref<10112x16xbf16, #tpu.memory_space<hbm>> -> memref<10112x16xbf16, #tpu.memory_space<hbm>>
      tpu.wait_indirect_dma semaphore(%arg27 : memref<!tpu.dma_semaphore, #tpu.memory_space<semaphore_mem>>) src(%dma_wait3A_287 : memref<10112x16xbf16, #tpu.memory_space<hbm>>) dst(%arg17 : memref<128x16xbf16, #tpu.memory_space<vmem>>)
      %dma_start3A_288 = arith.constant 0 : i32
      %dma_start3A_289 = tpu.memref_slice %arg9[%add3A_281, %dma_start3A_288] : memref<80x128xi32, #tpu.memory_space<vmem>> -> memref<1x128xi32, #tpu.memory_space<vmem>>
      %dma_start3A_290 = tpu.memref_squeeze %dma_start3A_289 : memref<1x128xi32, #tpu.memory_space<vmem>> -> memref<128xi32, #tpu.memory_space<vmem>>
      %dma_start3A_291 = arith.constant 0 : i32
      %dma_start3A_292 = arith.constant 0 : i32
      %dma_start3A_293 = tpu.memref_slice %arg7[%dma_start3A_291, %dma_start3A_292] : memref<10112x16xbf16, #tpu.memory_space<vmem_shared>> -> memref<10112x16xbf16, #tpu.memory_space<vmem_shared>>
      tpu.enqueue_indirect_dma source(%arg17 : memref<128x16xbf16, #tpu.memory_space<vmem>>) target(%dma_start3A_293 : memref<10112x16xbf16, #tpu.memory_space<vmem_shared>>) offsets(%dma_start3A_290 : memref<128xi32, #tpu.memory_space<vmem>>) semaphore(%arg37 : memref<!tpu.dma_semaphore, #tpu.memory_space<semaphore_mem>>) {add = true}
      %add3A_294 = arith.constant 5 : i32
      %add3A_295 = arith.addi %add3A_281, %add3A_294 : i32
      %lt3A_296 = arith.constant 80 : i32
      %lt3A_297 = arith.cmpi slt, %add3A_295, %lt3A_296 : i32
      %convert_element_type3A_298 = arith.extui %lt3A_297 : i1 to i32
      %cond3A_299 = arith.constant 0 : i32
      %cond3A_300 = arith.cmpi ne, %convert_element_type3A_298, %cond3A_299 : i32
      scf.if %cond3A_300 {
        %ge3A = arith.constant 10 : i32
        %ge3A_347 = arith.cmpi sge, %add3A_295, %ge3A : i32
        %convert_element_type3A_348 = arith.extui %ge3A_347 : i1 to i32
        %cond3A_349 = arith.constant 0 : i32
        %cond3A_350 = arith.cmpi ne, %convert_element_type3A_348, %cond3A_349 : i32
        scf.if %cond3A_350 {
          %sub3A = arith.constant 10 : i32
          %sub3A_357 = arith.subi %add3A_295, %sub3A : i32
          %dma_wait3A_358 = arith.constant 0 : i32
          %dma_wait3A_359 = tpu.memref_slice %arg9[%sub3A_357, %dma_wait3A_358] : memref<80x128xi32, #tpu.memory_space<vmem>> -> memref<1x128xi32, #tpu.memory_space<vmem>>
          %dma_wait3A_360 = tpu.memref_squeeze %dma_wait3A_359 : memref<1x128xi32, #tpu.memory_space<vmem>> -> memref<128xi32, #tpu.memory_space<vmem>>
          %dma_wait3A_361 = arith.constant 0 : i32
          %dma_wait3A_362 = arith.constant 0 : i32
          %dma_wait3A_363 = tpu.memref_slice %arg7[%dma_wait3A_361, %dma_wait3A_362] : memref<10112x16xbf16, #tpu.memory_space<vmem_shared>> -> memref<10112x16xbf16, #tpu.memory_space<vmem_shared>>
          tpu.wait_indirect_dma semaphore(%arg32 : memref<!tpu.dma_semaphore, #tpu.memory_space<semaphore_mem>>) src(%arg12 : memref<128x16xbf16, #tpu.memory_space<vmem>>) dst(%dma_wait3A_363 : memref<10112x16xbf16, #tpu.memory_space<vmem_shared>>)
        } else {
        }
        %dma_start3A_351 = arith.constant 0 : i32
        %dma_start3A_352 = tpu.memref_slice %arg8[%add3A_295, %dma_start3A_351] : memref<80x128xi32, #tpu.memory_space<vmem>> -> memref<1x128xi32, #tpu.memory_space<vmem>>
        %dma_start3A_353 = tpu.memref_squeeze %dma_start3A_352 : memref<1x128xi32, #tpu.memory_space<vmem>> -> memref<128xi32, #tpu.memory_space<vmem>>
        %dma_start3A_354 = arith.constant 0 : i32
        %dma_start3A_355 = arith.constant 0 : i32
        %dma_start3A_356 = tpu.memref_slice %arg4[%dma_start3A_354, %dma_start3A_355] : memref<10112x16xbf16, #tpu.memory_space<hbm>> -> memref<10112x16xbf16, #tpu.memory_space<hbm>>
        tpu.enqueue_indirect_dma source(%dma_start3A_356 : memref<10112x16xbf16, #tpu.memory_space<hbm>>) target(%arg12 : memref<128x16xbf16, #tpu.memory_space<vmem>>) offsets(%dma_start3A_353 : memref<128xi32, #tpu.memory_space<vmem>>) semaphore(%arg22 : memref<!tpu.dma_semaphore, #tpu.memory_space<semaphore_mem>>)
      } else {
      }
      %mul3A_301 = arith.constant 10 : i32
      %mul3A_302 = arith.muli %add3A_119, %mul3A_301 : i32
      %add3A_303 = arith.constant 8 : i32
      %add3A_304 = arith.addi %mul3A_302, %add3A_303 : i32
      %dma_wait3A_305 = arith.constant 0 : i32
      %dma_wait3A_306 = tpu.memref_slice %arg8[%add3A_304, %dma_wait3A_305] : memref<80x128xi32, #tpu.memory_space<vmem>> -> memref<1x128xi32, #tpu.memory_space<vmem>>
      %dma_wait3A_307 = tpu.memref_squeeze %dma_wait3A_306 : memref<1x128xi32, #tpu.memory_space<vmem>> -> memref<128xi32, #tpu.memory_space<vmem>>
      %dma_wait3A_308 = arith.constant 0 : i32
      %dma_wait3A_309 = arith.constant 0 : i32
      %dma_wait3A_310 = tpu.memref_slice %arg4[%dma_wait3A_308, %dma_wait3A_309] : memref<10112x16xbf16, #tpu.memory_space<hbm>> -> memref<10112x16xbf16, #tpu.memory_space<hbm>>
      tpu.wait_indirect_dma semaphore(%arg28 : memref<!tpu.dma_semaphore, #tpu.memory_space<semaphore_mem>>) src(%dma_wait3A_310 : memref<10112x16xbf16, #tpu.memory_space<hbm>>) dst(%arg18 : memref<128x16xbf16, #tpu.memory_space<vmem>>)
      %dma_start3A_311 = arith.constant 0 : i32
      %dma_start3A_312 = tpu.memref_slice %arg9[%add3A_304, %dma_start3A_311] : memref<80x128xi32, #tpu.memory_space<vmem>> -> memref<1x128xi32, #tpu.memory_space<vmem>>
      %dma_start3A_313 = tpu.memref_squeeze %dma_start3A_312 : memref<1x128xi32, #tpu.memory_space<vmem>> -> memref<128xi32, #tpu.memory_space<vmem>>
      %dma_start3A_314 = arith.constant 0 : i32
      %dma_start3A_315 = arith.constant 0 : i32
      %dma_start3A_316 = tpu.memref_slice %arg7[%dma_start3A_314, %dma_start3A_315] : memref<10112x16xbf16, #tpu.memory_space<vmem_shared>> -> memref<10112x16xbf16, #tpu.memory_space<vmem_shared>>
      tpu.enqueue_indirect_dma source(%arg18 : memref<128x16xbf16, #tpu.memory_space<vmem>>) target(%dma_start3A_316 : memref<10112x16xbf16, #tpu.memory_space<vmem_shared>>) offsets(%dma_start3A_313 : memref<128xi32, #tpu.memory_space<vmem>>) semaphore(%arg38 : memref<!tpu.dma_semaphore, #tpu.memory_space<semaphore_mem>>) {add = true}
      %add3A_317 = arith.constant 5 : i32
      %add3A_318 = arith.addi %add3A_304, %add3A_317 : i32
      %lt3A_319 = arith.constant 80 : i32
      %lt3A_320 = arith.cmpi slt, %add3A_318, %lt3A_319 : i32
      %convert_element_type3A_321 = arith.extui %lt3A_320 : i1 to i32
      %cond3A_322 = arith.constant 0 : i32
      %cond3A_323 = arith.cmpi ne, %convert_element_type3A_321, %cond3A_322 : i32
      scf.if %cond3A_323 {
        %ge3A = arith.constant 10 : i32
        %ge3A_347 = arith.cmpi sge, %add3A_318, %ge3A : i32
        %convert_element_type3A_348 = arith.extui %ge3A_347 : i1 to i32
        %cond3A_349 = arith.constant 0 : i32
        %cond3A_350 = arith.cmpi ne, %convert_element_type3A_348, %cond3A_349 : i32
        scf.if %cond3A_350 {
          %sub3A = arith.constant 10 : i32
          %sub3A_357 = arith.subi %add3A_318, %sub3A : i32
          %dma_wait3A_358 = arith.constant 0 : i32
          %dma_wait3A_359 = tpu.memref_slice %arg9[%sub3A_357, %dma_wait3A_358] : memref<80x128xi32, #tpu.memory_space<vmem>> -> memref<1x128xi32, #tpu.memory_space<vmem>>
          %dma_wait3A_360 = tpu.memref_squeeze %dma_wait3A_359 : memref<1x128xi32, #tpu.memory_space<vmem>> -> memref<128xi32, #tpu.memory_space<vmem>>
          %dma_wait3A_361 = arith.constant 0 : i32
          %dma_wait3A_362 = arith.constant 0 : i32
          %dma_wait3A_363 = tpu.memref_slice %arg7[%dma_wait3A_361, %dma_wait3A_362] : memref<10112x16xbf16, #tpu.memory_space<vmem_shared>> -> memref<10112x16xbf16, #tpu.memory_space<vmem_shared>>
          tpu.wait_indirect_dma semaphore(%arg33 : memref<!tpu.dma_semaphore, #tpu.memory_space<semaphore_mem>>) src(%arg13 : memref<128x16xbf16, #tpu.memory_space<vmem>>) dst(%dma_wait3A_363 : memref<10112x16xbf16, #tpu.memory_space<vmem_shared>>)
        } else {
        }
        %dma_start3A_351 = arith.constant 0 : i32
        %dma_start3A_352 = tpu.memref_slice %arg8[%add3A_318, %dma_start3A_351] : memref<80x128xi32, #tpu.memory_space<vmem>> -> memref<1x128xi32, #tpu.memory_space<vmem>>
        %dma_start3A_353 = tpu.memref_squeeze %dma_start3A_352 : memref<1x128xi32, #tpu.memory_space<vmem>> -> memref<128xi32, #tpu.memory_space<vmem>>
        %dma_start3A_354 = arith.constant 0 : i32
        %dma_start3A_355 = arith.constant 0 : i32
        %dma_start3A_356 = tpu.memref_slice %arg4[%dma_start3A_354, %dma_start3A_355] : memref<10112x16xbf16, #tpu.memory_space<hbm>> -> memref<10112x16xbf16, #tpu.memory_space<hbm>>
        tpu.enqueue_indirect_dma source(%dma_start3A_356 : memref<10112x16xbf16, #tpu.memory_space<hbm>>) target(%arg13 : memref<128x16xbf16, #tpu.memory_space<vmem>>) offsets(%dma_start3A_353 : memref<128xi32, #tpu.memory_space<vmem>>) semaphore(%arg23 : memref<!tpu.dma_semaphore, #tpu.memory_space<semaphore_mem>>)
      } else {
      }
      %mul3A_324 = arith.constant 10 : i32
      %mul3A_325 = arith.muli %add3A_119, %mul3A_324 : i32
      %add3A_326 = arith.constant 9 : i32
      %add3A_327 = arith.addi %mul3A_325, %add3A_326 : i32
      %dma_wait3A_328 = arith.constant 0 : i32
      %dma_wait3A_329 = tpu.memref_slice %arg8[%add3A_327, %dma_wait3A_328] : memref<80x128xi32, #tpu.memory_space<vmem>> -> memref<1x128xi32, #tpu.memory_space<vmem>>
      %dma_wait3A_330 = tpu.memref_squeeze %dma_wait3A_329 : memref<1x128xi32, #tpu.memory_space<vmem>> -> memref<128xi32, #tpu.memory_space<vmem>>
      %dma_wait3A_331 = arith.constant 0 : i32
      %dma_wait3A_332 = arith.constant 0 : i32
      %dma_wait3A_333 = tpu.memref_slice %arg4[%dma_wait3A_331, %dma_wait3A_332] : memref<10112x16xbf16, #tpu.memory_space<hbm>> -> memref<10112x16xbf16, #tpu.memory_space<hbm>>
      tpu.wait_indirect_dma semaphore(%arg29 : memref<!tpu.dma_semaphore, #tpu.memory_space<semaphore_mem>>) src(%dma_wait3A_333 : memref<10112x16xbf16, #tpu.memory_space<hbm>>) dst(%arg19 : memref<128x16xbf16, #tpu.memory_space<vmem>>)
      %dma_start3A_334 = arith.constant 0 : i32
      %dma_start3A_335 = tpu.memref_slice %arg9[%add3A_327, %dma_start3A_334] : memref<80x128xi32, #tpu.memory_space<vmem>> -> memref<1x128xi32, #tpu.memory_space<vmem>>
      %dma_start3A_336 = tpu.memref_squeeze %dma_start3A_335 : memref<1x128xi32, #tpu.memory_space<vmem>> -> memref<128xi32, #tpu.memory_space<vmem>>
      %dma_start3A_337 = arith.constant 0 : i32
      %dma_start3A_338 = arith.constant 0 : i32
      %dma_start3A_339 = tpu.memref_slice %arg7[%dma_start3A_337, %dma_start3A_338] : memref<10112x16xbf16, #tpu.memory_space<vmem_shared>> -> memref<10112x16xbf16, #tpu.memory_space<vmem_shared>>
      tpu.enqueue_indirect_dma source(%arg19 : memref<128x16xbf16, #tpu.memory_space<vmem>>) target(%dma_start3A_339 : memref<10112x16xbf16, #tpu.memory_space<vmem_shared>>) offsets(%dma_start3A_336 : memref<128xi32, #tpu.memory_space<vmem>>) semaphore(%arg39 : memref<!tpu.dma_semaphore, #tpu.memory_space<semaphore_mem>>) {add = true}
      %add3A_340 = arith.constant 5 : i32
      %add3A_341 = arith.addi %add3A_327, %add3A_340 : i32
      %lt3A_342 = arith.constant 80 : i32
      %lt3A_343 = arith.cmpi slt, %add3A_341, %lt3A_342 : i32
      %convert_element_type3A_344 = arith.extui %lt3A_343 : i1 to i32
      %cond3A_345 = arith.constant 0 : i32
      %cond3A_346 = arith.cmpi ne, %convert_element_type3A_344, %cond3A_345 : i32
      scf.if %cond3A_346 {
        %ge3A = arith.constant 10 : i32
        %ge3A_347 = arith.cmpi sge, %add3A_341, %ge3A : i32
        %convert_element_type3A_348 = arith.extui %ge3A_347 : i1 to i32
        %cond3A_349 = arith.constant 0 : i32
        %cond3A_350 = arith.cmpi ne, %convert_element_type3A_348, %cond3A_349 : i32
        scf.if %cond3A_350 {
          %sub3A = arith.constant 10 : i32
          %sub3A_357 = arith.subi %add3A_341, %sub3A : i32
          %dma_wait3A_358 = arith.constant 0 : i32
          %dma_wait3A_359 = tpu.memref_slice %arg9[%sub3A_357, %dma_wait3A_358] : memref<80x128xi32, #tpu.memory_space<vmem>> -> memref<1x128xi32, #tpu.memory_space<vmem>>
          %dma_wait3A_360 = tpu.memref_squeeze %dma_wait3A_359 : memref<1x128xi32, #tpu.memory_space<vmem>> -> memref<128xi32, #tpu.memory_space<vmem>>
          %dma_wait3A_361 = arith.constant 0 : i32
          %dma_wait3A_362 = arith.constant 0 : i32
          %dma_wait3A_363 = tpu.memref_slice %arg7[%dma_wait3A_361, %dma_wait3A_362] : memref<10112x16xbf16, #tpu.memory_space<vmem_shared>> -> memref<10112x16xbf16, #tpu.memory_space<vmem_shared>>
          tpu.wait_indirect_dma semaphore(%arg34 : memref<!tpu.dma_semaphore, #tpu.memory_space<semaphore_mem>>) src(%arg14 : memref<128x16xbf16, #tpu.memory_space<vmem>>) dst(%dma_wait3A_363 : memref<10112x16xbf16, #tpu.memory_space<vmem_shared>>)
        } else {
        }
        %dma_start3A_351 = arith.constant 0 : i32
        %dma_start3A_352 = tpu.memref_slice %arg8[%add3A_341, %dma_start3A_351] : memref<80x128xi32, #tpu.memory_space<vmem>> -> memref<1x128xi32, #tpu.memory_space<vmem>>
        %dma_start3A_353 = tpu.memref_squeeze %dma_start3A_352 : memref<1x128xi32, #tpu.memory_space<vmem>> -> memref<128xi32, #tpu.memory_space<vmem>>
        %dma_start3A_354 = arith.constant 0 : i32
        %dma_start3A_355 = arith.constant 0 : i32
        %dma_start3A_356 = tpu.memref_slice %arg4[%dma_start3A_354, %dma_start3A_355] : memref<10112x16xbf16, #tpu.memory_space<hbm>> -> memref<10112x16xbf16, #tpu.memory_space<hbm>>
        tpu.enqueue_indirect_dma source(%dma_start3A_356 : memref<10112x16xbf16, #tpu.memory_space<hbm>>) target(%arg14 : memref<128x16xbf16, #tpu.memory_space<vmem>>) offsets(%dma_start3A_353 : memref<128xi32, #tpu.memory_space<vmem>>) semaphore(%arg24 : memref<!tpu.dma_semaphore, #tpu.memory_space<semaphore_mem>>)
      } else {
      }
    }
    %scan3A_40 = arith.constant 8 : i32
    %dma_wait3A = arith.constant 70 : i32
    %dma_wait3A_41 = arith.constant 0 : i32
    %dma_wait3A_42 = tpu.memref_slice %arg9[%dma_wait3A, %dma_wait3A_41] : memref<80x128xi32, #tpu.memory_space<vmem>> -> memref<1x128xi32, #tpu.memory_space<vmem>>
    %dma_wait3A_43 = tpu.memref_squeeze %dma_wait3A_42 : memref<1x128xi32, #tpu.memory_space<vmem>> -> memref<128xi32, #tpu.memory_space<vmem>>
    %dma_wait3A_44 = arith.constant 0 : i32
    %dma_wait3A_45 = arith.constant 0 : i32
    %dma_wait3A_46 = tpu.memref_slice %arg7[%dma_wait3A_44, %dma_wait3A_45] : memref<10112x16xbf16, #tpu.memory_space<vmem_shared>> -> memref<10112x16xbf16, #tpu.memory_space<vmem_shared>>
    tpu.wait_indirect_dma semaphore(%arg30 : memref<!tpu.dma_semaphore, #tpu.memory_space<semaphore_mem>>) src(%arg10 : memref<128x16xbf16, #tpu.memory_space<vmem>>) dst(%dma_wait3A_46 : memref<10112x16xbf16, #tpu.memory_space<vmem_shared>>)
    %dma_wait3A_47 = arith.constant 71 : i32
    %dma_wait3A_48 = arith.constant 0 : i32
    %dma_wait3A_49 = tpu.memref_slice %arg9[%dma_wait3A_47, %dma_wait3A_48] : memref<80x128xi32, #tpu.memory_space<vmem>> -> memref<1x128xi32, #tpu.memory_space<vmem>>
    %dma_wait3A_50 = tpu.memref_squeeze %dma_wait3A_49 : memref<1x128xi32, #tpu.memory_space<vmem>> -> memref<128xi32, #tpu.memory_space<vmem>>
    %dma_wait3A_51 = arith.constant 0 : i32
    %dma_wait3A_52 = arith.constant 0 : i32
    %dma_wait3A_53 = tpu.memref_slice %arg7[%dma_wait3A_51, %dma_wait3A_52] : memref<10112x16xbf16, #tpu.memory_space<vmem_shared>> -> memref<10112x16xbf16, #tpu.memory_space<vmem_shared>>
    tpu.wait_indirect_dma semaphore(%arg31 : memref<!tpu.dma_semaphore, #tpu.memory_space<semaphore_mem>>) src(%arg11 : memref<128x16xbf16, #tpu.memory_space<vmem>>) dst(%dma_wait3A_53 : memref<10112x16xbf16, #tpu.memory_space<vmem_shared>>)
    %dma_wait3A_54 = arith.constant 72 : i32
    %dma_wait3A_55 = arith.constant 0 : i32
    %dma_wait3A_56 = tpu.memref_slice %arg9[%dma_wait3A_54, %dma_wait3A_55] : memref<80x128xi32, #tpu.memory_space<vmem>> -> memref<1x128xi32, #tpu.memory_space<vmem>>
    %dma_wait3A_57 = tpu.memref_squeeze %dma_wait3A_56 : memref<1x128xi32, #tpu.memory_space<vmem>> -> memref<128xi32, #tpu.memory_space<vmem>>
    %dma_wait3A_58 = arith.constant 0 : i32
    %dma_wait3A_59 = arith.constant 0 : i32
    %dma_wait3A_60 = tpu.memref_slice %arg7[%dma_wait3A_58, %dma_wait3A_59] : memref<10112x16xbf16, #tpu.memory_space<vmem_shared>> -> memref<10112x16xbf16, #tpu.memory_space<vmem_shared>>
    tpu.wait_indirect_dma semaphore(%arg32 : memref<!tpu.dma_semaphore, #tpu.memory_space<semaphore_mem>>) src(%arg12 : memref<128x16xbf16, #tpu.memory_space<vmem>>) dst(%dma_wait3A_60 : memref<10112x16xbf16, #tpu.memory_space<vmem_shared>>)
    %dma_wait3A_61 = arith.constant 73 : i32
    %dma_wait3A_62 = arith.constant 0 : i32
    %dma_wait3A_63 = tpu.memref_slice %arg9[%dma_wait3A_61, %dma_wait3A_62] : memref<80x128xi32, #tpu.memory_space<vmem>> -> memref<1x128xi32, #tpu.memory_space<vmem>>
    %dma_wait3A_64 = tpu.memref_squeeze %dma_wait3A_63 : memref<1x128xi32, #tpu.memory_space<vmem>> -> memref<128xi32, #tpu.memory_space<vmem>>
    %dma_wait3A_65 = arith.constant 0 : i32
    %dma_wait3A_66 = arith.constant 0 : i32
    %dma_wait3A_67 = tpu.memref_slice %arg7[%dma_wait3A_65, %dma_wait3A_66] : memref<10112x16xbf16, #tpu.memory_space<vmem_shared>> -> memref<10112x16xbf16, #tpu.memory_space<vmem_shared>>
    tpu.wait_indirect_dma semaphore(%arg33 : memref<!tpu.dma_semaphore, #tpu.memory_space<semaphore_mem>>) src(%arg13 : memref<128x16xbf16, #tpu.memory_space<vmem>>) dst(%dma_wait3A_67 : memref<10112x16xbf16, #tpu.memory_space<vmem_shared>>)
    %dma_wait3A_68 = arith.constant 74 : i32
    %dma_wait3A_69 = arith.constant 0 : i32
    %dma_wait3A_70 = tpu.memref_slice %arg9[%dma_wait3A_68, %dma_wait3A_69] : memref<80x128xi32, #tpu.memory_space<vmem>> -> memref<1x128xi32, #tpu.memory_space<vmem>>
    %dma_wait3A_71 = tpu.memref_squeeze %dma_wait3A_70 : memref<1x128xi32, #tpu.memory_space<vmem>> -> memref<128xi32, #tpu.memory_space<vmem>>
    %dma_wait3A_72 = arith.constant 0 : i32
    %dma_wait3A_73 = arith.constant 0 : i32
    %dma_wait3A_74 = tpu.memref_slice %arg7[%dma_wait3A_72, %dma_wait3A_73] : memref<10112x16xbf16, #tpu.memory_space<vmem_shared>> -> memref<10112x16xbf16, #tpu.memory_space<vmem_shared>>
    tpu.wait_indirect_dma semaphore(%arg34 : memref<!tpu.dma_semaphore, #tpu.memory_space<semaphore_mem>>) src(%arg14 : memref<128x16xbf16, #tpu.memory_space<vmem>>) dst(%dma_wait3A_74 : memref<10112x16xbf16, #tpu.memory_space<vmem_shared>>)
    %dma_wait3A_75 = arith.constant 75 : i32
    %dma_wait3A_76 = arith.constant 0 : i32
    %dma_wait3A_77 = tpu.memref_slice %arg9[%dma_wait3A_75, %dma_wait3A_76] : memref<80x128xi32, #tpu.memory_space<vmem>> -> memref<1x128xi32, #tpu.memory_space<vmem>>
    %dma_wait3A_78 = tpu.memref_squeeze %dma_wait3A_77 : memref<1x128xi32, #tpu.memory_space<vmem>> -> memref<128xi32, #tpu.memory_space<vmem>>
    %dma_wait3A_79 = arith.constant 0 : i32
    %dma_wait3A_80 = arith.constant 0 : i32
    %dma_wait3A_81 = tpu.memref_slice %arg7[%dma_wait3A_79, %dma_wait3A_80] : memref<10112x16xbf16, #tpu.memory_space<vmem_shared>> -> memref<10112x16xbf16, #tpu.memory_space<vmem_shared>>
    tpu.wait_indirect_dma semaphore(%arg35 : memref<!tpu.dma_semaphore, #tpu.memory_space<semaphore_mem>>) src(%arg15 : memref<128x16xbf16, #tpu.memory_space<vmem>>) dst(%dma_wait3A_81 : memref<10112x16xbf16, #tpu.memory_space<vmem_shared>>)
    %dma_wait3A_82 = arith.constant 76 : i32
    %dma_wait3A_83 = arith.constant 0 : i32
    %dma_wait3A_84 = tpu.memref_slice %arg9[%dma_wait3A_82, %dma_wait3A_83] : memref<80x128xi32, #tpu.memory_space<vmem>> -> memref<1x128xi32, #tpu.memory_space<vmem>>
    %dma_wait3A_85 = tpu.memref_squeeze %dma_wait3A_84 : memref<1x128xi32, #tpu.memory_space<vmem>> -> memref<128xi32, #tpu.memory_space<vmem>>
    %dma_wait3A_86 = arith.constant 0 : i32
    %dma_wait3A_87 = arith.constant 0 : i32
    %dma_wait3A_88 = tpu.memref_slice %arg7[%dma_wait3A_86, %dma_wait3A_87] : memref<10112x16xbf16, #tpu.memory_space<vmem_shared>> -> memref<10112x16xbf16, #tpu.memory_space<vmem_shared>>
    tpu.wait_indirect_dma semaphore(%arg36 : memref<!tpu.dma_semaphore, #tpu.memory_space<semaphore_mem>>) src(%arg16 : memref<128x16xbf16, #tpu.memory_space<vmem>>) dst(%dma_wait3A_88 : memref<10112x16xbf16, #tpu.memory_space<vmem_shared>>)
    %dma_wait3A_89 = arith.constant 77 : i32
    %dma_wait3A_90 = arith.constant 0 : i32
    %dma_wait3A_91 = tpu.memref_slice %arg9[%dma_wait3A_89, %dma_wait3A_90] : memref<80x128xi32, #tpu.memory_space<vmem>> -> memref<1x128xi32, #tpu.memory_space<vmem>>
    %dma_wait3A_92 = tpu.memref_squeeze %dma_wait3A_91 : memref<1x128xi32, #tpu.memory_space<vmem>> -> memref<128xi32, #tpu.memory_space<vmem>>
    %dma_wait3A_93 = arith.constant 0 : i32
    %dma_wait3A_94 = arith.constant 0 : i32
    %dma_wait3A_95 = tpu.memref_slice %arg7[%dma_wait3A_93, %dma_wait3A_94] : memref<10112x16xbf16, #tpu.memory_space<vmem_shared>> -> memref<10112x16xbf16, #tpu.memory_space<vmem_shared>>
    tpu.wait_indirect_dma semaphore(%arg37 : memref<!tpu.dma_semaphore, #tpu.memory_space<semaphore_mem>>) src(%arg17 : memref<128x16xbf16, #tpu.memory_space<vmem>>) dst(%dma_wait3A_95 : memref<10112x16xbf16, #tpu.memory_space<vmem_shared>>)
    %dma_wait3A_96 = arith.constant 78 : i32
    %dma_wait3A_97 = arith.constant 0 : i32
    %dma_wait3A_98 = tpu.memref_slice %arg9[%dma_wait3A_96, %dma_wait3A_97] : memref<80x128xi32, #tpu.memory_space<vmem>> -> memref<1x128xi32, #tpu.memory_space<vmem>>
    %dma_wait3A_99 = tpu.memref_squeeze %dma_wait3A_98 : memref<1x128xi32, #tpu.memory_space<vmem>> -> memref<128xi32, #tpu.memory_space<vmem>>
    %dma_wait3A_100 = arith.constant 0 : i32
    %dma_wait3A_101 = arith.constant 0 : i32
    %dma_wait3A_102 = tpu.memref_slice %arg7[%dma_wait3A_100, %dma_wait3A_101] : memref<10112x16xbf16, #tpu.memory_space<vmem_shared>> -> memref<10112x16xbf16, #tpu.memory_space<vmem_shared>>
    tpu.wait_indirect_dma semaphore(%arg38 : memref<!tpu.dma_semaphore, #tpu.memory_space<semaphore_mem>>) src(%arg18 : memref<128x16xbf16, #tpu.memory_space<vmem>>) dst(%dma_wait3A_102 : memref<10112x16xbf16, #tpu.memory_space<vmem_shared>>)
    %dma_wait3A_103 = arith.constant 79 : i32
    %dma_wait3A_104 = arith.constant 0 : i32
    %dma_wait3A_105 = tpu.memref_slice %arg9[%dma_wait3A_103, %dma_wait3A_104] : memref<80x128xi32, #tpu.memory_space<vmem>> -> memref<1x128xi32, #tpu.memory_space<vmem>>
    %dma_wait3A_106 = tpu.memref_squeeze %dma_wait3A_105 : memref<1x128xi32, #tpu.memory_space<vmem>> -> memref<128xi32, #tpu.memory_space<vmem>>
    %dma_wait3A_107 = arith.constant 0 : i32
    %dma_wait3A_108 = arith.constant 0 : i32
    %dma_wait3A_109 = tpu.memref_slice %arg7[%dma_wait3A_107, %dma_wait3A_108] : memref<10112x16xbf16, #tpu.memory_space<vmem_shared>> -> memref<10112x16xbf16, #tpu.memory_space<vmem_shared>>
    tpu.wait_indirect_dma semaphore(%arg39 : memref<!tpu.dma_semaphore, #tpu.memory_space<semaphore_mem>>) src(%arg19 : memref<128x16xbf16, #tpu.memory_space<vmem>>) dst(%dma_wait3A_109 : memref<10112x16xbf16, #tpu.memory_space<vmem_shared>>)
    %barrier3A_110 = arith.constant 0 : index
    tpu.barrier barrier_id(%barrier3A_110)
    %mul3A_111 = arith.constant 632 : i32
    %mul3A_112 = arith.muli %arg1, %mul3A_111 : i32
    %mul3A_113 = arith.constant 632 : i32
    %mul3A_114 = arith.muli %arg1, %mul3A_113 : i32
    "tpu.region"() ({
      %run_scoped3A = tpu.sem_alloc : memref<!tpu.dma_semaphore, #tpu.memory_space<semaphore_mem>>
      %dma_start3A_115 = arith.constant 0 : i32
      %dma_start3A_116 = tpu.memref_slice %arg6[%arg0, %mul3A_114, %dma_start3A_115] : memref<2x10112x16xbf16, #tpu.memory_space<hbm>> -> memref<1x632x16xbf16, #tpu.memory_space<hbm>>
      %dma_start3A_117 = tpu.memref_squeeze %dma_start3A_116 : memref<1x632x16xbf16, #tpu.memory_space<hbm>> -> memref<632x16xbf16, #tpu.memory_space<hbm>>
      %dma_start3A_118 = arith.constant 0 : i32
      %dma_start3A_119 = tpu.memref_slice %arg7[%mul3A_112, %dma_start3A_118] : memref<10112x16xbf16, #tpu.memory_space<vmem_shared>> -> memref<632x16xbf16, #tpu.memory_space<vmem_shared>>
      tpu.enqueue_dma source(%dma_start3A_119 : memref<632x16xbf16, #tpu.memory_space<vmem_shared>>) target(%dma_start3A_117 : memref<632x16xbf16, #tpu.memory_space<hbm>>) target_semaphore(%run_scoped3A : memref<!tpu.dma_semaphore, #tpu.memory_space<semaphore_mem>>)
      %dma_wait3A_120 = arith.constant 0 : i32
      %dma_wait3A_121 = tpu.memref_slice %arg6[%arg0, %mul3A_114, %dma_wait3A_120] : memref<2x10112x16xbf16, #tpu.memory_space<hbm>> -> memref<1x632x16xbf16, #tpu.memory_space<hbm>>
      %dma_wait3A_122 = tpu.memref_squeeze %dma_wait3A_121 : memref<1x632x16xbf16, #tpu.memory_space<hbm>> -> memref<632x16xbf16, #tpu.memory_space<hbm>>
      %dma_wait3A_123 = arith.constant 0 : i32
      %dma_wait3A_124 = tpu.memref_slice %arg7[%mul3A_112, %dma_wait3A_123] : memref<10112x16xbf16, #tpu.memory_space<vmem_shared>> -> memref<632x16xbf16, #tpu.memory_space<vmem_shared>>
      tpu.wait_dma2 semaphore(%run_scoped3A : memref<!tpu.dma_semaphore, #tpu.memory_space<semaphore_mem>>) src(%dma_wait3A_124 : memref<632x16xbf16, #tpu.memory_space<vmem_shared>>) dst(%dma_wait3A_122 : memref<632x16xbf16, #tpu.memory_space<hbm>>)
      tpu.yield
    }) : () -> ()
    return
  }
}

module attributes {stable_mosaic.version = 14 : i64} {
  func.func @_tc_a0_body(%arg0: memref<10000x128xf32, #tpu.memory_space<vmem>>, %arg1: memref<128x128xf32, #tpu.memory_space<vmem>>, %arg2: memref<10000x128xf32, #tpu.memory_space<vmem>>) attributes {dimension_semantics = [], scalar_prefetch = 0 : i64, scratch_operands = 0 : i64, tpu.core_type = #tpu.core_type<tc>} {
    %get3A = arith.constant 0 : index
    %get3A_0 = arith.constant 0 : index
    %get3A_1 = vector.load %arg0[%get3A, %get3A_0] : memref<10000x128xf32, #tpu.memory_space<vmem>>, vector<10000x128xf32>
    %get3A_2 = arith.constant 0 : index
    %get3A_3 = arith.constant 0 : index
    %get3A_4 = vector.load %arg1[%get3A_2, %get3A_3] : memref<128x128xf32, #tpu.memory_space<vmem>>, vector<128x128xf32>
    %dot_general3A = arith.constant dense<0.000000e+00> : vector<10000x128xf32>
    %dot_general3A_5 = tpu.matmul %get3A_1, %get3A_4, %dot_general3A {dimension_numbers = #tpu.dot_dimension_numbers<[1], [0], [0], [1], [0, 0, 1, 1], [], []>, transpose_lhs_hint = false} : vector<10000x128xf32>, vector<128x128xf32>, vector<10000x128xf32> -> vector<10000x128xf32>
    %swap3A = arith.constant 0 : index
    %swap3A_6 = arith.constant 0 : index
    %swap3A_7 = vector.load %arg2[%swap3A, %swap3A_6] : memref<10000x128xf32, #tpu.memory_space<vmem>>, vector<10000x128xf32>
    tpu.vector_store %arg2[%swap3A, %swap3A_6], %dot_general3A_5 {strides = array<i32>} : memref<10000x128xf32, #tpu.memory_space<vmem>>, vector<10000x128xf32>,
    return
  }
}

module attributes {stable_mosaic.version = 14 : i64} {
  func.func @_tc_a_body(%arg0: memref<2x10112x16xbf16, #tpu.memory_space<vmem>>, %arg1: memref<10000x128xf32, #tpu.memory_space<vmem>>, %arg2: memref<2x10112x64xbf16, #tpu.memory_space<vmem>>, %arg3: memref<10000x1xf32, #tpu.memory_space<vmem>>) attributes {dimension_semantics = [], scalar_prefetch = 0 : i64, scratch_operands = 0 : i64, tpu.core_type = #tpu.core_type<tc>} {
    %get3A = arith.constant 0 : index
    %get3A_0 = arith.constant 0 : index
    %get3A_1 = arith.constant 0 : index
    %get3A_2 = vector.load %arg0[%get3A, %get3A_0, %get3A_1] : memref<2x10112x16xbf16, #tpu.memory_space<vmem>>, vector<1x10000x1xbf16>
    %get3A_3 = vector.shape_cast %get3A_2 : vector<1x10000x1xbf16> to vector<10000x1xbf16>
    %convert_element_type3A = arith.extf %get3A_3 : vector<10000x1xbf16> to vector<10000x1xf32>
    %get3A_4 = arith.constant 1 : index
    %get3A_5 = arith.constant 0 : index
    %get3A_6 = arith.constant 0 : index
    %get3A_7 = vector.load %arg0[%get3A_4, %get3A_5, %get3A_6] : memref<2x10112x16xbf16, #tpu.memory_space<vmem>>, vector<1x10000x1xbf16>
    %get3A_8 = vector.shape_cast %get3A_7 : vector<1x10000x1xbf16> to vector<10000x1xbf16>
    %convert_element_type3A_9 = arith.extf %get3A_8 : vector<10000x1xbf16> to vector<10000x1xf32>
    %add3A = arith.constant 1.000000e+00 : f32
    %add3A_10 = vector.broadcast %add3A : f32 to vector<10000x1xf32>
    %add3A_11 = arith.addf %add3A_10, %convert_element_type3A : vector<10000x1xf32>
    %add3A_12 = arith.addf %add3A_11, %convert_element_type3A_9 : vector<10000x1xf32>
    %rsqrt3A = math.rsqrt %add3A_12 : vector<10000x1xf32>
    %get3A_13 = arith.constant 0 : index
    %get3A_14 = arith.constant 0 : index
    %get3A_15 = vector.load %arg1[%get3A_13, %get3A_14] : memref<10000x128xf32, #tpu.memory_space<vmem>>, vector<10000x128xf32>
    %mul3A = vector.broadcast %rsqrt3A : vector<10000x1xf32> to vector<10000x128xf32>
    %mul3A_16 = arith.mulf %get3A_15, %mul3A : vector<10000x128xf32>
    %slice3A = vector.extract_strided_slice %mul3A_16 {offsets = [0, 0], sizes = [10000, 64], strides = [1, 1]} : vector<10000x128xf32> to vector<10000x64xf32>
    %convert_element_type3A_17 = arith.truncf %slice3A : vector<10000x64xf32> to vector<10000x64xbf16>
    %swap3A = arith.constant 0 : index
    %swap3A_18 = arith.constant 0 : index
    %swap3A_19 = arith.constant 0 : index
    %swap3A_20 = vector.load %arg2[%swap3A, %swap3A_18, %swap3A_19] : memref<2x10112x64xbf16, #tpu.memory_space<vmem>>, vector<1x10000x64xbf16>
    %swap3A_21 = vector.shape_cast %swap3A_20 : vector<1x10000x64xbf16> to vector<10000x64xbf16>
    %swap3A_22 = vector.shape_cast %convert_element_type3A_17 : vector<10000x64xbf16> to vector<1x10000x64xbf16>
    tpu.vector_store %arg2[%swap3A, %swap3A_18, %swap3A_19], %swap3A_22 {strides = array<i32>} : memref<2x10112x64xbf16, #tpu.memory_space<vmem>>, vector<1x10000x64xbf16>,
    %slice3A_23 = vector.extract_strided_slice %mul3A_16 {offsets = [0, 64], sizes = [10000, 64], strides = [1, 1]} : vector<10000x128xf32> to vector<10000x64xf32>
    %convert_element_type3A_24 = arith.truncf %slice3A_23 : vector<10000x64xf32> to vector<10000x64xbf16>
    %swap3A_25 = arith.constant 1 : index
    %swap3A_26 = arith.constant 0 : index
    %swap3A_27 = arith.constant 0 : index
    %swap3A_28 = vector.load %arg2[%swap3A_25, %swap3A_26, %swap3A_27] : memref<2x10112x64xbf16, #tpu.memory_space<vmem>>, vector<1x10000x64xbf16>
    %swap3A_29 = vector.shape_cast %swap3A_28 : vector<1x10000x64xbf16> to vector<10000x64xbf16>
    %swap3A_30 = vector.shape_cast %convert_element_type3A_24 : vector<10000x64xbf16> to vector<1x10000x64xbf16>
    tpu.vector_store %arg2[%swap3A_25, %swap3A_26, %swap3A_27], %swap3A_30 {strides = array<i32>} : memref<2x10112x64xbf16, #tpu.memory_space<vmem>>, vector<1x10000x64xbf16>,
    %broadcast_in_dim3A = arith.constant 0.000000e+00 : bf16
    %broadcast_in_dim3A_31 = vector.broadcast %broadcast_in_dim3A : bf16 to vector<112x64xbf16>
    %swap3A_32 = arith.constant 0 : index
    %swap3A_33 = arith.constant 10000 : index
    %swap3A_34 = arith.constant 0 : index
    %swap3A_35 = vector.load %arg2[%swap3A_32, %swap3A_33, %swap3A_34] : memref<2x10112x64xbf16, #tpu.memory_space<vmem>>, vector<1x112x64xbf16>
    %swap3A_36 = vector.shape_cast %swap3A_35 : vector<1x112x64xbf16> to vector<112x64xbf16>
    %swap3A_37 = vector.shape_cast %broadcast_in_dim3A_31 : vector<112x64xbf16> to vector<1x112x64xbf16>
    tpu.vector_store %arg2[%swap3A_32, %swap3A_33, %swap3A_34], %swap3A_37 {strides = array<i32>} : memref<2x10112x64xbf16, #tpu.memory_space<vmem>>, vector<1x112x64xbf16>,
    %broadcast_in_dim3A_38 = arith.constant 0.000000e+00 : bf16
    %broadcast_in_dim3A_39 = vector.broadcast %broadcast_in_dim3A_38 : bf16 to vector<112x64xbf16>
    %swap3A_40 = arith.constant 1 : index
    %swap3A_41 = arith.constant 10000 : index
    %swap3A_42 = arith.constant 0 : index
    %swap3A_43 = vector.load %arg2[%swap3A_40, %swap3A_41, %swap3A_42] : memref<2x10112x64xbf16, #tpu.memory_space<vmem>>, vector<1x112x64xbf16>
    %swap3A_44 = vector.shape_cast %swap3A_43 : vector<1x112x64xbf16> to vector<112x64xbf16>
    %swap3A_45 = vector.shape_cast %broadcast_in_dim3A_39 : vector<112x64xbf16> to vector<1x112x64xbf16>
    tpu.vector_store %arg2[%swap3A_40, %swap3A_41, %swap3A_42], %swap3A_45 {strides = array<i32>} : memref<2x10112x64xbf16, #tpu.memory_space<vmem>>, vector<1x112x64xbf16>,
    %swap3A_46 = arith.constant 0 : index
    %swap3A_47 = arith.constant 0 : index
    %swap3A_48 = vector.load %arg3[%swap3A_46, %swap3A_47] : memref<10000x1xf32, #tpu.memory_space<vmem>>, vector<10000x1xf32>
    tpu.vector_store %arg3[%swap3A_46, %swap3A_47], %rsqrt3A {strides = array<i32>} : memref<10000x1xf32, #tpu.memory_space<vmem>>, vector<10000x1xf32>,
    return
  }
}

module attributes {stable_mosaic.version = 14 : i64} {
  func.func @_tc_b_body(%arg0: memref<2x10112x64xbf16, #tpu.memory_space<vmem>>, %arg1: memref<2x10112x64xbf16, #tpu.memory_space<vmem>>, %arg2: memref<10000x1xf32, #tpu.memory_space<vmem>>, %arg3: memref<1x128xf32, #tpu.memory_space<vmem>>, %arg4: memref<128x16xf32, #tpu.memory_space<vmem>>, %arg5: memref<10112x16xbf16, #tpu.memory_space<vmem>>) attributes {dimension_semantics = [], scalar_prefetch = 0 : i64, scratch_operands = 0 : i64, tpu.core_type = #tpu.core_type<tc>} {
    %get3A = arith.constant 0 : index
    %get3A_0 = arith.constant 0 : index
    %get3A_1 = vector.load %arg2[%get3A, %get3A_0] : memref<10000x1xf32, #tpu.memory_space<vmem>>, vector<10000x1xf32>
    %get3A_2 = arith.constant 0 : index
    %get3A_3 = arith.constant 0 : index
    %get3A_4 = arith.constant 0 : index
    %get3A_5 = vector.load %arg0[%get3A_2, %get3A_3, %get3A_4] : memref<2x10112x64xbf16, #tpu.memory_space<vmem>>, vector<1x10000x64xbf16>
    %get3A_6 = vector.shape_cast %get3A_5 : vector<1x10000x64xbf16> to vector<10000x64xbf16>
    %convert_element_type3A = arith.extf %get3A_6 : vector<10000x64xbf16> to vector<10000x64xf32>
    %get3A_7 = arith.constant 0 : index
    %get3A_8 = arith.constant 0 : index
    %get3A_9 = arith.constant 0 : index
    %get3A_10 = vector.load %arg1[%get3A_7, %get3A_8, %get3A_9] : memref<2x10112x64xbf16, #tpu.memory_space<vmem>>, vector<1x10000x64xbf16>
    %get3A_11 = vector.shape_cast %get3A_10 : vector<1x10000x64xbf16> to vector<10000x64xbf16>
    %convert_element_type3A_12 = arith.extf %get3A_11 : vector<10000x64xbf16> to vector<10000x64xf32>
    %add3A = arith.addf %convert_element_type3A, %convert_element_type3A_12 : vector<10000x64xf32>
    %get3A_13 = arith.constant 1 : index
    %get3A_14 = arith.constant 0 : index
    %get3A_15 = arith.constant 0 : index
    %get3A_16 = vector.load %arg0[%get3A_13, %get3A_14, %get3A_15] : memref<2x10112x64xbf16, #tpu.memory_space<vmem>>, vector<1x10000x64xbf16>
    %get3A_17 = vector.shape_cast %get3A_16 : vector<1x10000x64xbf16> to vector<10000x64xbf16>
    %convert_element_type3A_18 = arith.extf %get3A_17 : vector<10000x64xbf16> to vector<10000x64xf32>
    %get3A_19 = arith.constant 1 : index
    %get3A_20 = arith.constant 0 : index
    %get3A_21 = arith.constant 0 : index
    %get3A_22 = vector.load %arg1[%get3A_19, %get3A_20, %get3A_21] : memref<2x10112x64xbf16, #tpu.memory_space<vmem>>, vector<1x10000x64xbf16>
    %get3A_23 = vector.shape_cast %get3A_22 : vector<1x10000x64xbf16> to vector<10000x64xbf16>
    %convert_element_type3A_24 = arith.extf %get3A_23 : vector<10000x64xbf16> to vector<10000x64xf32>
    %add3A_25 = arith.addf %convert_element_type3A_18, %convert_element_type3A_24 : vector<10000x64xf32>
    %concatenate3A = tpu.concatenate %add3A, %add3A_25 in 1 : vector<10000x64xf32>, vector<10000x64xf32> -> vector<10000x128xf32>
    %mul3A = vector.broadcast %get3A_1 : vector<10000x1xf32> to vector<10000x128xf32>
    %mul3A_26 = arith.mulf %mul3A, %concatenate3A : vector<10000x128xf32>
    %get3A_27 = arith.constant 0 : index
    %get3A_28 = arith.constant 0 : index
    %get3A_29 = vector.load %arg3[%get3A_27, %get3A_28] : memref<1x128xf32, #tpu.memory_space<vmem>>, vector<1x128xf32>
    %add3A_30 = vector.broadcast %get3A_29 : vector<1x128xf32> to vector<10000x128xf32>
    %add3A_31 = arith.addf %mul3A_26, %add3A_30 : vector<10000x128xf32>
    %ge3A = arith.constant 0.000000e+00 : f32
    %ge3A_32 = vector.broadcast %ge3A : f32 to vector<10000x128xf32>
    %ge3A_33 = arith.cmpf oge, %add3A_31, %ge3A_32 : vector<10000x128xf32>
    %mul3A_34 = arith.constant 0.00999999977 : f32
    %mul3A_35 = vector.broadcast %mul3A_34 : f32 to vector<10000x128xf32>
    %mul3A_36 = arith.mulf %mul3A_35, %add3A_31 : vector<10000x128xf32>
    %select_n3A = arith.select %ge3A_33, %add3A_31, %mul3A_36 : vector<10000x128xi1>, vector<10000x128xf32>
    %get3A_37 = arith.constant 0 : index
    %get3A_38 = arith.constant 0 : index
    %get3A_39 = vector.load %arg4[%get3A_37, %get3A_38] : memref<128x16xf32, #tpu.memory_space<vmem>>, vector<128x16xf32>
    %dot_general3A = arith.constant dense<0.000000e+00> : vector<10000x16xf32>
    %dot_general3A_40 = tpu.matmul %select_n3A, %get3A_39, %dot_general3A {dimension_numbers = #tpu.dot_dimension_numbers<[1], [0], [0], [1], [0, 0, 1, 1], [], []>, transpose_lhs_hint = false} : vector<10000x128xf32>, vector<128x16xf32>, vector<10000x16xf32> -> vector<10000x16xf32>
    %mul3A_41 = vector.broadcast %get3A_1 : vector<10000x1xf32> to vector<10000x16xf32>
    %mul3A_42 = arith.mulf %dot_general3A_40, %mul3A_41 : vector<10000x16xf32>
    %convert_element_type3A_43 = arith.truncf %mul3A_42 : vector<10000x16xf32> to vector<10000x16xbf16>
    %swap3A = arith.constant 0 : index
    %swap3A_44 = arith.constant 0 : index
    %swap3A_45 = vector.load %arg5[%swap3A, %swap3A_44] : memref<10112x16xbf16, #tpu.memory_space<vmem>>, vector<10000x16xbf16>
    tpu.vector_store %arg5[%swap3A, %swap3A_44], %convert_element_type3A_43 {strides = array<i32>} : memref<10112x16xbf16, #tpu.memory_space<vmem>>, vector<10000x16xbf16>,
    %broadcast_in_dim3A = arith.constant 0.000000e+00 : bf16
    %broadcast_in_dim3A_46 = vector.broadcast %broadcast_in_dim3A : bf16 to vector<112x16xbf16>
    %swap3A_47 = arith.constant 10000 : index
    %swap3A_48 = arith.constant 0 : index
    %swap3A_49 = vector.load %arg5[%swap3A_47, %swap3A_48] : memref<10112x16xbf16, #tpu.memory_space<vmem>>, vector<112x16xbf16>
    tpu.vector_store %arg5[%swap3A_47, %swap3A_48], %broadcast_in_dim3A_46 {strides = array<i32>} : memref<10112x16xbf16, #tpu.memory_space<vmem>>, vector<112x16xbf16>,
    return
  }
}

module attributes {stable_mosaic.version = 14 : i64} {
  func.func @_tc_c_body(%arg0: memref<2x10112x16xbf16, #tpu.memory_space<vmem>>, %arg1: memref<10112x16xbf16, #tpu.memory_space<vmem>>, %arg2: memref<10000x1xf32, #tpu.memory_space<vmem>>, %arg3: memref<1x16xf32, #tpu.memory_space<vmem>>, %arg4: memref<10000x1xi32, #tpu.memory_space<vmem>>, %arg5: memref<64x4xf32, #tpu.memory_space<vmem>>) attributes {dimension_semantics = [], scalar_prefetch = 0 : i64, scratch_operands = 0 : i64, tpu.core_type = #tpu.core_type<tc>} {
    %get3A = arith.constant 0 : index
    %get3A_0 = arith.constant 0 : index
    %get3A_1 = vector.load %arg2[%get3A, %get3A_0] : memref<10000x1xf32, #tpu.memory_space<vmem>>, vector<10000x1xf32>
    %get3A_2 = arith.constant 0 : index
    %get3A_3 = arith.constant 0 : index
    %get3A_4 = arith.constant 0 : index
    %get3A_5 = vector.load %arg0[%get3A_2, %get3A_3, %get3A_4] : memref<2x10112x16xbf16, #tpu.memory_space<vmem>>, vector<1x10000x16xbf16>
    %get3A_6 = vector.shape_cast %get3A_5 : vector<1x10000x16xbf16> to vector<10000x16xbf16>
    %convert_element_type3A = arith.extf %get3A_6 : vector<10000x16xbf16> to vector<10000x16xf32>
    %get3A_7 = arith.constant 1 : index
    %get3A_8 = arith.constant 0 : index
    %get3A_9 = arith.constant 0 : index
    %get3A_10 = vector.load %arg0[%get3A_7, %get3A_8, %get3A_9] : memref<2x10112x16xbf16, #tpu.memory_space<vmem>>, vector<1x10000x16xbf16>
    %get3A_11 = vector.shape_cast %get3A_10 : vector<1x10000x16xbf16> to vector<10000x16xbf16>
    %convert_element_type3A_12 = arith.extf %get3A_11 : vector<10000x16xbf16> to vector<10000x16xf32>
    %add3A = arith.addf %convert_element_type3A, %convert_element_type3A_12 : vector<10000x16xf32>
    %get3A_13 = arith.constant 0 : index
    %get3A_14 = arith.constant 0 : index
    %get3A_15 = vector.load %arg1[%get3A_13, %get3A_14] : memref<10112x16xbf16, #tpu.memory_space<vmem>>, vector<10000x16xbf16>
    %convert_element_type3A_16 = arith.extf %get3A_15 : vector<10000x16xbf16> to vector<10000x16xf32>
    %add3A_17 = arith.addf %add3A, %convert_element_type3A_16 : vector<10000x16xf32>
    %mul3A = vector.broadcast %get3A_1 : vector<10000x1xf32> to vector<10000x16xf32>
    %mul3A_18 = arith.mulf %mul3A, %add3A_17 : vector<10000x16xf32>
    %get3A_19 = arith.constant 0 : index
    %get3A_20 = arith.constant 0 : index
    %get3A_21 = vector.load %arg3[%get3A_19, %get3A_20] : memref<1x16xf32, #tpu.memory_space<vmem>>, vector<1x16xf32>
    %add3A_22 = vector.broadcast %get3A_21 : vector<1x16xf32> to vector<10000x16xf32>
    %add3A_23 = arith.addf %mul3A_18, %add3A_22 : vector<10000x16xf32>
    %iota3A = tpu.iota {dimensions = array<i32: 1>} : vector<10000x16xi32>
    %eq3A = arith.constant 4 : i32
    %eq3A_24 = vector.broadcast %eq3A : i32 to vector<10000x16xi32>
    %eq3A_25 = arith.cmpi eq, %iota3A, %eq3A_24 : vector<10000x16xi32>
    %jit3A = arith.constant 1.000000e+00 : f32
    %broadcast_in_dim3A = vector.broadcast %jit3A : f32 to vector<10000x16xf32>
    %select_n3A = arith.select %eq3A_25, %broadcast_in_dim3A, %add3A_23 : vector<10000x16xi1>, vector<10000x16xf32>
    %get3A_26 = arith.constant 0 : index
    %get3A_27 = arith.constant 0 : index
    %get3A_28 = vector.load %arg4[%get3A_26, %get3A_27] : memref<10000x1xi32, #tpu.memory_space<vmem>>, vector<10000x1xi32>
    %iota3A_29 = tpu.iota {dimensions = array<i32: 1>} : vector<10000x64xi32>
    %eq3A_30 = vector.broadcast %get3A_28 : vector<10000x1xi32> to vector<10000x64xi32>
    %eq3A_31 = arith.cmpi eq, %eq3A_30, %iota3A_29 : vector<10000x64xi32>
    %convert_element_type3A_32 = arith.extui %eq3A_31 : vector<10000x64xi1> to vector<10000x64xi32>
    %convert_element_type3A_33 = arith.sitofp %convert_element_type3A_32 : vector<10000x64xi32> to vector<10000x64xf32>
    %dot_general3A = arith.constant dense<0.000000e+00> : vector<64x16xf32>
    %dot_general3A_34 = tpu.matmul %convert_element_type3A_33, %select_n3A, %dot_general3A {dimension_numbers = #tpu.dot_dimension_numbers<[0], [0], [1], [1], [0, 1, 1, 1], [], []>, transpose_lhs_hint = false} : vector<10000x64xf32>, vector<10000x16xf32>, vector<64x16xf32> -> vector<64x16xf32>
    %slice3A = vector.extract_strided_slice %dot_general3A_34 {offsets = [0, 4], sizes = [64, 1], strides = [1, 1]} : vector<64x16xf32> to vector<64x1xf32>
    %max3A = arith.constant 1.000000e+00 : f32
    %max3A_35 = vector.broadcast %max3A : f32 to vector<64x1xf32>
    %max3A_36 = arith.maximumf %slice3A, %max3A_35 : vector<64x1xf32>
    %slice3A_37 = vector.extract_strided_slice %dot_general3A_34 {offsets = [0, 0], sizes = [64, 4], strides = [1, 1]} : vector<64x16xf32> to vector<64x4xf32>
    %div3A = vector.broadcast %max3A_36 : vector<64x1xf32> to vector<64x4xf32>
    %div3A_38 = arith.divf %slice3A_37, %div3A : vector<64x4xf32>
    %reduce_max3A = arith.constant dense<0xFF800000> : vector<64xf32>
    %reduce_max3A_39 = vector.multi_reduction <maximumf>, %div3A_38, %reduce_max3A [1] : vector<64x4xf32> to vector<64xf32>
    %broadcast_in_dim3A_40 = vector.shape_cast %reduce_max3A_39 : vector<64xf32> to vector<64x1xf32>
    %sub3A = vector.broadcast %broadcast_in_dim3A_40 : vector<64x1xf32> to vector<64x4xf32>
    %sub3A_41 = arith.subf %div3A_38, %sub3A : vector<64x4xf32>
    %exp3A = math.exp %sub3A_41 : vector<64x4xf32>
    %reduce_sum3A = arith.constant dense<0.000000e+00> : vector<64xf32>
    %reduce_sum3A_42 = vector.multi_reduction <add>, %exp3A, %reduce_sum3A [1] : vector<64x4xf32> to vector<64xf32>
    %broadcast_in_dim3A_43 = vector.shape_cast %reduce_sum3A_42 : vector<64xf32> to vector<64x1xf32>
    %div3A_44 = vector.broadcast %broadcast_in_dim3A_43 : vector<64x1xf32> to vector<64x4xf32>
    %div3A_45 = arith.divf %exp3A, %div3A_44 : vector<64x4xf32>
    %swap3A = arith.constant 0 : index
    %swap3A_46 = arith.constant 0 : index
    %swap3A_47 = vector.load %arg5[%swap3A, %swap3A_46] : memref<64x4xf32, #tpu.memory_space<vmem>>, vector<64x4xf32>
    tpu.vector_store %arg5[%swap3A, %swap3A_46], %div3A_45 {strides = array<i32>} : memref<64x4xf32, #tpu.memory_space<vmem>>, vector<64x4xf32>,
    return
  }
}

</mosaic_0001>

<sc_bundles>
// kernel: kernel.12.cloned.1.call-start
scs
__scs_entry_jumppad:
0x0: {  	(pc) =	sbr.rel $0x88, $3  }
0x1: {  	(tag) =	ssettag $0x0;
	lr =	simm.s32 $0x1  }
0x2: {  	[smem:$0x3F9A] =	sst lr;
	_ =	strace $0xD0000000  }
0x3: {  	_ = 	snop  }
0x4: {  	_ = 	snop  }
0x5: {  	_ = 	snop  }
0x6: {  	_ = 	snop  }
0x7: {  	_ = 	snop  }
__scs_overlays_trampoline_lowered:
0x8: {  	[smem:$0x3FA9] =	sst s0  }
0x9: {  	[smem:$0x3FAA] =	sst s1  }
0xa: {  	[smem:$0x3FAB] =	sst s2  }
0xb: {  	[smem:$0x3FAC] =	sst s3  }
0xc: {  	[smem:$0x3FAD] =	sst s4  }
0xd: {  	[smem:$0x3FAE] =	sst s5  }
0xe: {  	[smem:$0x3FAF] =	sst s6  }
0xf: {  	[smem:$0x3FB0] =	sst s7  }
0x10: {  	[smem:$0x3FB1] =	sst s8  }
0x11: {  	[smem:$0x3FB2] =	sst s9;
	s0 =	simm.s32 @!p0 $0x0  }
0x12: {  	s1 =	sld [smem:$0x3F98];
	s0 =	simm.s32 @p0 $0x1  }
0x13: {  	[smem:$0x3FB3] =	sst s0;
	s0 =	simm.s32 @!p1 $0x0  }
0x14: {  	s2 =	sld [smem:$0x3F97];
	s0 =	simm.s32 @p1 $0x1  }
0x15: {  	[smem:$0x3FB4] =	sst s0;
	s0 =	simm.s32 @!p2 $0x0  }
0x16: {  	s3 =	sld [smem:$0x3FDB];
	s0 =	simm.s32 @p2 $0x1  }
0x17: {  	s4 =	simm.s32 $0x1BF5;
	[smem:$0x3FB6] =	sst s0  }
0x18: {  	s0 =	sld [smem:$0x3F99];
	_ =	swait.ge [sflag:s4], $0x0  }
0x19: {  	s7 =	sld [smem:$0x3F9A]  }
0x1a: {  	s8 =	sadd.s32 $0xFFFFE003, lr  }
0x1b: {  	s9 =	sadd.s32 $0xFFFFFEF7, lr;
	s5 =	simm.s32 $0xFFFFFFFF;
	p2 =	slt.u32 s8, $0xFFFFF086  }
0x1c: {  	p1 =	slt.u32 s9, $0xF7A;
	s5 =	simm.s32 @!p2 $0x0  }
0x1d: {  	s5 =	simm.s32 @p1 $0x1;
	p0 =	seq.s32 s7, s2  }
0x1e: {  	s7 =	smul.u32 @!p0 $0xF7A, s2;
	p2 =	seq.s32 @!p0 s5, $0x0  }
0x1f: {  	s9 =	smul.u32 $0xF7A, s1;
	s8 =	simm.s32 @!p0 $0x1BF5;
	p2 =	por !p2, p0  }
0x20: {  	[sflag:s8] =	ssyncset.s32 @!p0 $0xFFFFF086;
	s6 =	sadd.s32 @!p0 s3, s7;
	s7 =	simm.s32 @!p0 $0x108  }
0x21: {  	s3 =	sadd.s32 s3, s9;
	s6 =	sadd.s32 @!p0 $0x88, s6;
	s7 =	simm.s32 @p2 $0x1082  }
0x22: {  	[simem:s7], [sflag:s8] =	dma.local @!p0 [hbm:s6], $0xF7A  }
0x23: {  	s9 =	sor.u32 $0xD0000000, s2;
	s6 =	simm.s32 $0x108;
	_ =	swait.ge @!p0 [sflag:s8], $0x0  }
0x24: {  	s3 =	sadd.s32 $0x88, s3;
	s6 =	simm.s32 @!p1 $0x1082;
	[sflag:s4] =	ssyncset.s32 $0xFFFFF086  }
0x25: {  	[simem:s6], [sflag:s4] =	dma.local [hbm:s3], $0xF7A  }
0x26: {  	[smem:$0x3F9A] =	sst s1;
	(tag) =	ssettag s2;
	_ =	strace s9  }
0x27: {  	s1 =	sld [smem:$0x3FAA]  }
0x28: {  	s2 =	sld [smem:$0x3FAB]  }
0x29: {  	s4 =	sld [smem:$0x3FAD]  }
0x2a: {  	p0 =	seq.s32 s5, $0x0;
	s5 =	sld [smem:$0x3FAE]  }
0x2b: {  	s6 =	sld [smem:$0x3FAF]  }
0x2c: {  	s7 =	sld [smem:$0x3FB0]  }
0x2d: {  	s3 =	simm.s32 $0x108;
	s8 =	sld [smem:$0x3FB1]  }
0x2e: {  	s3 =	simm.s32 @!p0 $0x1082;
	s9 =	sld [smem:$0x3FB2]  }
0x2f: {  	lr =	sadd.s32 s0, s3;
	s0 =	sld [smem:$0x3FA9]  }
0x30: {  	s3 =	sld [smem:$0x3FAC]  }
0x31: {  	[smem:$0x3FB5] =	sst s10  }
0x32: {  	s10 =	sld [smem:$0x3FB3];
	_ =	sdelay $0x3  }
0x33: {  	p0 =	seq.s32 s10, $0x1;
	s10 =	sld [smem:$0x3FB5];
	_ =	sdelay $0x3  }
0x34: {  	[smem:$0x3FB5] =	sst s10  }
0x35: {  	s10 =	sld [smem:$0x3FB4];
	_ =	sdelay $0x3  }
0x36: {  	p1 =	seq.s32 s10, $0x1;
	s10 =	sld [smem:$0x3FB5];
	_ =	sdelay $0x3  }
0x37: {  	[smem:$0x3FB5] =	sst s10  }
0x38: {  	s10 =	sld [smem:$0x3FB6]  }
0x39: {  	_ = 	snop;
	(pc) =	sbr.ind lr, $3  }
0x3a: {  	_ = 	snop  }
0x3b: {  	_ = 	snop  }
0x3c: {  	p2 =	seq.s32 s10, $0x1;
	s10 =	sld [smem:$0x3FB5]  }
0x3d: {  	_ =	shalt  }
0x3e: {  	_ =	shalt  }
0x3f: {  	_ =	shalt  }
0x40: {  	_ =	shalt  }
0x41: {  	_ =	shalt  }
0x42: {  	_ =	shalt  }
0x43: {  	_ =	shalt  }
0x44: {  	_ =	shalt  }
0x45: {  	_ =	shalt  }
0x46: {  	_ =	shalt  }
0x47: {  	_ =	shalt  }
0x48: {  	_ =	shalt  }
0x49: {  	_ =	shalt  }
0x4a: {  	_ =	shalt  }
0x4b: {  	_ =	shalt  }
0x4c: {  	_ =	shalt  }
0x4d: {  	_ =	shalt  }
0x4e: {  	_ =	shalt  }
0x4f: {  	_ =	shalt  }
0x50: {  	_ =	shalt  }
0x51: {  	_ =	shalt  }
0x52: {  	_ =	shalt  }
0x53: {  	_ =	shalt  }
0x54: {  	_ =	shalt  }
0x55: {  	_ =	shalt  }
0x56: {  	_ =	shalt  }
0x57: {  	_ =	shalt  }
0x58: {  	_ =	shalt  }
0x59: {  	_ =	shalt  }
0x5a: {  	_ =	shalt  }
0x5b: {  	_ =	shalt  }
0x5c: {  	_ =	shalt  }
0x5d: {  	_ =	shalt  }
0x5e: {  	_ =	shalt  }
0x5f: {  	_ =	shalt  }
0x60: {  	_ =	shalt  }
0x61: {  	_ =	shalt  }
0x62: {  	_ =	shalt  }
0x63: {  	_ =	shalt  }
0x64: {  	_ =	shalt  }
0x65: {  	_ =	shalt  }
0x66: {  	_ =	shalt  }
0x67: {  	_ =	shalt  }
0x68: {  	_ =	shalt  }
0x69: {  	_ =	shalt  }
0x6a: {  	_ =	shalt  }
0x6b: {  	_ =	shalt  }
0x6c: {  	_ =	shalt  }
0x6d: {  	_ =	shalt  }
0x6e: {  	_ =	shalt  }
0x6f: {  	_ =	shalt  }
0x70: {  	_ =	shalt  }
0x71: {  	_ =	shalt  }
0x72: {  	_ =	shalt  }
0x73: {  	_ =	shalt  }
0x74: {  	_ =	shalt  }
0x75: {  	_ =	shalt  }
0x76: {  	_ =	shalt  }
0x77: {  	_ =	shalt  }
0x78: {  	_ =	shalt  }
0x79: {  	_ =	shalt  }
0x7a: {  	_ =	shalt  }
0x7b: {  	_ =	shalt  }
0x7c: {  	_ =	shalt  }
0x7d: {  	_ =	shalt  }
0x7e: {  	_ =	shalt  }
0x7f: {  	_ =	shalt  }
0x80: {  	_ =	shalt  }
0x81: {  	_ =	shalt  }
0x82: {  	_ =	shalt  }
0x83: {  	_ =	shalt  }
0x84: {  	_ =	shalt  }
0x85: {  	_ =	shalt  }
0x86: {  	_ =	shalt  }
0x87: {  	_ =	shalt  }
.Lfunc_end0:
.L_simem_size_0:
called_computation.1_lowered:
.L_overlay_start_0:
0x88: {  	s2 =	sld [smem:$0x3FD9]  }
0x89: {  	s3 =	sld [smem:$0x3FFE];
	_ =	sdelay $0x1  }
0x8a: {  	s1 =	srdreg.scid  }
0x8b: {  	s0 =	sand.u32 $0x1, s1  }
0x8c: {  	s16 =	sshll.u32 s0, $0xA;
	s2 =	sadd.s32 s3, s2  }
0x8d: {  	s2 =	sadd.s32 s2, s16  }
0x8e: {  	[smem:$0x3FC1] =	sst s2  }
0x8f: {  	_ = 	snop  }
0x90: {  	(tm) =	ssettm $0x1  }
0x91: {  	s17 =	sld [smem:$0x3FFB];
	_ =	sdelay $0x3  }
0x92: {  	_ =	strace s17  }
0x93: {  	s2 =	sld [smem:$0x3FFC];
	_ =	sdelay $0x3  }
0x94: {  	_ =	strace s2  }
0x95: {  	s2 =	sld [smem:$0x3FFD];
	_ =	sdelay $0x3  }
0x96: {  	_ =	strace s2  }
0x97: {  	_ =	strace $0x8FFFFFFF  }
0x98: {  	s18 =	sld [smem:$0x3FDB];
	_ =	sdelay $0x1  }
0x99: {  	s19 =	simm.s32 $_scs_section_size  }
0x9a: {  	s4 =	simm.s32 $_size__tile_overlayer_lowered;
	s5 =	simm.s32 $_tile_overlayer_lowered  }
0x9b: {  	s22 =	simm.s32 $0x1BFF;
	s21 =	sshll.u32 s5, $0x1;
	s2 =	sadd.s32 s19, s18  }
0x9c: {  	s6 =	simm.s32 $0x0;
	s20 =	sshll.u32 s4, $0x1;
	s4 =	sadd.s32 s21, s2  }
0x9d: {  	[timem:s6], [sflag:s22] =	dma.local [hbm:s4], s20  }
0x9e: {  	_ =	swait.ge [sflag:s22], s20  }
0x9f: {  	s3 =	ssub.s32 $0x0, s20;
	[sflag:s22] =	ssyncset.done $0x0  }
0xa0: {  	[sflag:s22] =	ssyncadd.s32 s3;
	_ =	sdelay $0x1  }
0xa1: {  	s23 =	simm.s32 $0x1B8B  }
0xa2: {  	_ =	swait.ge [sflag:s23], $0x1  }
0xa3: {  	[sflag:s23] =	ssyncset.done $0x0  }
0xa4: {  	s25 =	simm.s32 $0x1B8E;
	s24 =	sld [smem:$0x3FFE];
	[sflag:s23] =	ssyncadd.s32 $0xFFFFFFFF  }
0xa5: {  	s26 =	simm.s32 $execute0_lowered;
	[smem:$0x3FD2] =	sst s25  }
0xa6: {  	s4 =	sshll.u32 s26, $0x1;
	_ =	strace $0x80000049;
	[dreg:$0x1] =	wrdreg $0xFFFFFFFF  }
0xa7: {  	s28 =	simm.s32 $_size_execute0_lowered;
	s2 =	sadd.s32 s2, s4;
	[dreg:$0x0] =	wrdreg $0x0  }
0xa8: {  	s4 =	sshll.u32 s28, $0x1;
	[dreg:$0x2] =	wrdreg s2  }
0xa9: {  	[dreg:$0x3] =	wrdreg s4  }
0xaa: {  	[dreg:$0x4] =	wrdreg $0xC0  }
0xab: {  	_ =	task [dreg:s6], $0x5FFFF  }
0xac: {  	[dreg:$0x1] =	wrdreg $0xFFFFFFFF  }
0xad: {  	[dreg:$0x0] =	wrdreg $0x60  }
0xae: {  	[dreg:$0x2] =	wrdreg s24  }
0xaf: {  	[dreg:$0x3] =	wrdreg $0x0  }
0xb0: {  	[dreg:$0x4] =	wrdreg $0x9  }
0xb1: {  	_ =	task.clear_ibuf [dreg:s6], $0x5FFFF;
	_ =	strace $0x90000049  }
0xb2: {  	s29 =	simm.s32 $0x9;
	_ =	strace $0x8000004B  }
0xb3: {  	_ =	swait.ge [sflag:s29], $0x1  }
0xb4: {  	[sflag:s29] =	ssyncadd.s32 $0xFFFFFFFF  }
0xb5: {  	_ =	strace $0x9000004B  }
0xb6: {  	_ =	sfence  }
0xb7: {  	s30 =	sld [smem:$0x0];
	_ =	sdelay $0x2  }
0xb8: {  	s31 =	sshll.u32 s1, $0xD;
	s1 =	sshrl.u32 s1, $0x2  }
0xb9: {  	s3 =	sand.u32 $0x4000, s31;
	s1 =	sadd.s32 s1, s30  }
0xba: {  	s0 =	sor.u32 s3, s0;
	s1 =	sshll.u32 s1, $0x11  }
0xbb: {  	s0 =	sor.u32 s1, s0  }
0xbc: {  	s0 =	sadd.s32 $0x8F2B, s0  }
0xbd: {  	[sflag:s0] =	ssyncadd.remote.s32 $0x1  }
0xbe: {  	_ =	sfence.sel $0xFFFF  }
0xbf: {  	[dreg:$0x0] =	wrdreg $0xFFFFFFFF;
	(pc) =	sbr.abs _section_cstart, $3  }
0xc0: {  	[dreg:$0x1] =	wrdreg $0xFFFFFFFF  }
0xc1: {  	_ =	task.clear_ibuf [dreg:s6], $0x2FFFF;
	_ =	strace $0x9FFFFFFF  }
0xc2: {  	(tm) =	ssettm $0x7FFFFFFF  }
0xc3: {  	_ =	shalt  }
tec
execute0_lowered:
.L_overlay_start_1:
0x0: {  	(tag) =	ssettag $0x1  }
0x1: {  	s0 =	rddreg [dreg:$0x0];
	s7 =	stileid.u32  }
0x2: {  	s1 =	srdreg.scid;
	s2 =	rddreg [dreg:$0x1];
	s5 =	simm.s32 $0x0  }
0x3: {  	s12 =	simm.s32 $0xB;
	s13 =	simm.s32 $0x4F00;
	s14 =	simm.s32 $0x9F00  }
0x4: {  	s15 =	simm.s32 $0x80;
	s16 =	simm.s32 $0xEF00;
	s18 =	simm.s32 $0xFF00  }
0x5: {  	s20 =	simm.s32 $0x10F00;
	s28 =	simm.s32 $0x12F00;
	s29 =	simm.s32 $0x3  }
0x6: {  	s31 =	simm.s32 $0x6;
	s19 =	simm.s32 $0x7;
	s30 =	simm.s32 $0x8  }
0x7: {  	s17 =	simm.s32 $0x9;
	s3 =	smul.u32 $0xA00, s7;
	s1 =	sand.u32 $0x1, s1  }
0x8: {  	[smem:$0x7FF] =	sst s5;
	s21 =	smul.u32 $0x9E00, s7;
	s23 =	sadd.s32 $0x1A800, s0  }
0x9: {  	s25 =	sshll.u32 s7, $0x6;
	s4 =	smul.u32 $0x9E000, s1;
	_ =	strace $0x8000004A  }
0xa: {  	s1 =	ssub.s32 $0x2, s1;
	[dreg:$0x3] =	wrdreg s23;
	s23 =	simm.s32 $0x11F00  }
0xb: {  	s3 =	sadd.s32 s3, s0;
	s24 =	sshrl.u32 s1, $0x1;
	s5 =	sshrl.u32 s21, $0x1  }
0xc: {  	s6 =	sshrl.u32 s4, $0x4;
	s4 =	sadd.s32 s21, s4;
	s1 =	ssub.s32 s1, s24  }
0xd: {  	s11 =	sadd.s32 s5, s2;
	s5 =	sor.u32 $0x1C0B, s25;
	s26 =	sadd.s32 $0x10800, s3  }
0xe: {  	s3 =	sadd.s32 $0x1800, s3;
	s21 =	simm.s32 $0x1;
	s24 =	simm.s32 $0x2  }
.Ltmp0:
0xf: {  	s25 =	simm.s32 $0x5;
	[dreg:$0x4] =	wrdreg s26;
	(pc) =	sbr.rel .LBB2_1-.Ltmp0, $4  }
0x10: {  	s8 =	sadd.s32 s6, s0;
	s22 =	sshrl.u32 s4, $0x4;
	[dreg:$0x5] =	wrdreg s3  }
0x11: {  	s10 =	smax.u32 s1, $0x1;
	s11 =	sshrl.u32 s11, $0x3;
	s0 =	sadd.s32 s22, s0  }
0x12: {  	s26 =	simm.s32 $0x0;
	s8 =	sadd.s32 $0x1B200, s8;
	s0 =	sadd.s32 $0x2EE00, s0  }
0x13: {  	s22 =	simm.s32 $0xA;
	[dreg:$0x6] =	wrdreg s0;
	s0 =	simm.s32 $0x4  }
.LBB2_4:
0x14: {  	_ =	swait.ge [sflag:s31], $0x1000  }
0x15: {  	[sflag:s31] =	ssyncset.done $0x0  }
0x16: {  	[sflag:s31] =	ssyncadd.s32 $0xFFFFF000  }
0x17: {  	_ =	swait.ge [sflag:s19], $0x1000  }
0x18: {  	[sflag:s19] =	ssyncset.done $0x0  }
0x19: {  	[sflag:s19] =	ssyncadd.s32 $0xFFFFF000  }
0x1a: {  	_ =	swait.ge [sflag:s30], $0x1000  }
0x1b: {  	[sflag:s30] =	ssyncset.done $0x0  }
0x1c: {  	[sflag:s30] =	ssyncadd.s32 $0xFFFFF000  }
0x1d: {  	_ =	swait.ge [sflag:s17], $0x1000  }
0x1e: {  	[sflag:s17] =	ssyncset.done $0x0  }
0x1f: {  	[sflag:s17] =	ssyncadd.s32 $0xFFFFF000  }
0x20: {  	_ =	swait.ge [sflag:s22], $0x1000  }
0x21: {  	[sflag:s22] =	ssyncset.done $0x0  }
0x22: {  	s26 =	sadd.s32 $0x1, s26;
	[sflag:s22] =	ssyncadd.s32 $0xFFFFF000  }
0x23: {  	p0 =	sne.s32 s26, s10;
	[bflag:$0x0] =	sbarrier.arrive $0xFFFF  }
.Ltmp1:
0x24: {  	s1 =	rddreg [dreg:$0x6];
	(pc) =	sbr.rel @!p0 .LBB2_5-.Ltmp1, $4  }
0x25: {  	[hbm:s1], [sflag:s5] =	dma.local [spmem:s11], $0x9E0  }
0x26: {  	_ =	swait.ge [sflag:s12], $0x9E0  }
0x27: {  	[sflag:s12] =	ssyncset.done $0x0  }
0x28: {  	[sflag:s12] =	ssyncadd.s32 $0xFFFFF620  }
.LBB2_1:
0x29: {  	s1 =	rddreg [dreg:$0x3]  }
0x2a: {  	[spmem:s11], [sflag:s5] =	dma.local [hbm:s1], $0x9E0  }
0x2b: {  	_ =	swait.ge [sflag:s12], $0x9E0  }
0x2c: {  	[sflag:s12] =	ssyncset.done $0x0  }
0x2d: {  	s6 =	simm.s32 $0x0;
	s3 =	rddreg [dreg:$0x4];
	[sflag:s12] =	ssyncadd.s32 $0xFFFFF620  }
0x2e: {  	[tilespmem:s13], [sflag:$0xB] =	stream.linear.gather [hbm4b:s3+s6], $0x5000, $0x38;
	[tilespmem:$0x13F00] =	vst v63  }
0x2f: {  	_ =	swait.ge [sflag:s12], $0x5000  }
0x30: {  	[sflag:s12] =	ssyncset.done $0x0  }
0x31: {  	s7 =	rddreg [dreg:$0x5];
	[sflag:s12] =	ssyncadd.s32 $0xFFFFB000  }
0x32: {  	[tilespmem:s14], [sflag:$0xB] =	stream.linear.gather [hbm4b:s7+s6], $0x5000, $0x38;
	[tilespmem:$0x13F00] =	vst v63  }
0x33: {  	_ =	swait.ge [sflag:s12], $0x5000  }
0x34: {  	[sflag:s12] =	ssyncset.done $0x0  }
0x35: {  	[sflag:s12] =	ssyncadd.s32 $0xFFFFB000  }
0x36: {  	[bflag:$0x0] =	sbarrier.arrive $0xFFFF  }
0x37: {  	[tilespmem:s16], [sflag:$0x1] =	stream.indirect.gather [hbm4b:s8+s15], $0x20, s13, s15, $0xb8;
	[tilespmem:$0x13F00] =	vst v63  }
0x38: {  	s9 =	simm.s32 $0x4F80  }
0x39: {  	[tilespmem:s18], [sflag:$0x2] =	stream.indirect.gather [hbm4b:s8+s15], $0x20, s9, s15, $0xb8;
	[tilespmem:$0x13F00] =	vst v63  }
0x3a: {  	s3 =	simm.s32 $0x5000  }
0x3b: {  	[tilespmem:s20], [sflag:$0x3] =	stream.indirect.gather [hbm4b:s8+s15], $0x20, s3, s15, $0xb8;
	[tilespmem:$0x13F00] =	vst v63  }
0x3c: {  	_ =	swait.ge [sflag:s21], $0x1000  }
0x3d: {  	[sflag:s21] =	ssyncset.done $0x0  }
0x3e: {  	[sflag:s21] =	ssyncadd.s32 $0xFFFFF000  }
0x3f: {  	[spmem:s2] =	stream.indirect.scatter.add.bf16 [tilespmem:s16], [sflag:$0x6], $0x20, s14, s15, $0xb8;
	[tilespmem:$0x13F00] =	vst v63  }
0x40: {  	s4 =	simm.s32 $0x5080  }
0x41: {  	[tilespmem:s23], [sflag:$0x4] =	stream.indirect.gather [hbm4b:s8+s15], $0x20, s4, s15, $0xb8;
	[tilespmem:$0x13F00] =	vst v63  }
0x42: {  	_ =	swait.ge [sflag:s24], $0x1000  }
0x43: {  	[sflag:s24] =	ssyncset.done $0x0  }
0x44: {  	s6 =	simm.s32 $0x9F80;
	[sflag:s24] =	ssyncadd.s32 $0xFFFFF000  }
0x45: {  	[spmem:s2] =	stream.indirect.scatter.add.bf16 [tilespmem:s18], [sflag:$0x7], $0x20, s6, s15, $0xb8;
	[tilespmem:$0x13F00] =	vst v63  }
0x46: {  	s7 =	simm.s32 $0x5100  }
0x47: {  	[tilespmem:s28], [sflag:$0x5] =	stream.indirect.gather [hbm4b:s8+s15], $0x20, s7, s15, $0xb8;
	[tilespmem:$0x13F00] =	vst v63  }
0x48: {  	_ =	swait.ge [sflag:s29], $0x1000  }
0x49: {  	[sflag:s29] =	ssyncset.done $0x0  }
0x4a: {  	s9 =	simm.s32 $0xA000;
	[sflag:s29] =	ssyncadd.s32 $0xFFFFF000  }
0x4b: {  	[spmem:s2] =	stream.indirect.scatter.add.bf16 [tilespmem:s20], [sflag:$0x8], $0x20, s9, s15, $0xb8;
	[tilespmem:$0x13F00] =	vst v63  }
0x4c: {  	_ =	swait.ge [sflag:s31], $0x1000  }
0x4d: {  	[sflag:s31] =	ssyncset.done $0x0  }
0x4e: {  	s3 =	simm.s32 $0x5180;
	[sflag:s31] =	ssyncadd.s32 $0xFFFFF000  }
0x4f: {  	[tilespmem:s16], [sflag:$0x1] =	stream.indirect.gather [hbm4b:s8+s15], $0x20, s3, s15, $0xb8;
	[tilespmem:$0x13F00] =	vst v63  }
0x50: {  	_ =	swait.ge [sflag:s0], $0x1000  }
0x51: {  	[sflag:s0] =	ssyncset.done $0x0  }
0x52: {  	s4 =	simm.s32 $0xA080;
	[sflag:s0] =	ssyncadd.s32 $0xFFFFF000  }
0x53: {  	[spmem:s2] =	stream.indirect.scatter.add.bf16 [tilespmem:s23], [sflag:$0x9], $0x20, s4, s15, $0xb8;
	[tilespmem:$0x13F00] =	vst v63  }
0x54: {  	_ =	swait.ge [sflag:s19], $0x1000  }
0x55: {  	[sflag:s19] =	ssyncset.done $0x0  }
0x56: {  	s6 =	simm.s32 $0x5200;
	[sflag:s19] =	ssyncadd.s32 $0xFFFFF000  }
0x57: {  	[tilespmem:s18], [sflag:$0x2] =	stream.indirect.gather [hbm4b:s8+s15], $0x20, s6, s15, $0xb8;
	[tilespmem:$0x13F00] =	vst v63  }
0x58: {  	_ =	swait.ge [sflag:s25], $0x1000  }
0x59: {  	[sflag:s25] =	ssyncset.done $0x0  }
0x5a: {  	s7 =	simm.s32 $0xA100;
	[sflag:s25] =	ssyncadd.s32 $0xFFFFF000  }
0x5b: {  	[spmem:s2] =	stream.indirect.scatter.add.bf16 [tilespmem:s28], [sflag:$0xA], $0x20, s7, s15, $0xb8;
	[tilespmem:$0x13F00] =	vst v63  }
0x5c: {  	_ =	swait.ge [sflag:s30], $0x1000  }
0x5d: {  	[sflag:s30] =	ssyncset.done $0x0  }
0x5e: {  	s1 =	simm.s32 $0x0;
	s9 =	simm.s32 $0x5280;
	[sflag:s30] =	ssyncadd.s32 $0xFFFFF000  }
0x5f: {  	[tilespmem:s20], [sflag:$0x3] =	stream.indirect.gather [hbm4b:s8+s15], $0x20, s9, s15, $0xb8;
	[tilespmem:$0x13F00] =	vst v63  }
.LBB2_2:
0x60: {  	_ =	swait.ge [sflag:s21], $0x1000  }
0x61: {  	s3 =	sshra.s32 s1, $0x2;
	[sflag:s21] =	ssyncset.done $0x0  }
0x62: {  	s4 =	sadd.s32 $0xA180, s3;
	[sflag:s21] =	ssyncadd.s32 $0xFFFFF000  }
0x63: {  	[spmem:s2] =	stream.indirect.scatter.add.bf16 [tilespmem:s16], [sflag:$0x6], $0x20, s4, s15, $0xb8;
	[tilespmem:$0x13F00] =	vst v63  }
0x64: {  	_ =	swait.ge [sflag:s17], $0x1000  }
0x65: {  	[sflag:s17] =	ssyncset.done $0x0  }
0x66: {  	s7 =	sadd.s32 $0x5300, s3;
	[sflag:s17] =	ssyncadd.s32 $0xFFFFF000  }
0x67: {  	[tilespmem:s23], [sflag:$0x4] =	stream.indirect.gather [hbm4b:s8+s15], $0x20, s7, s15, $0xb8;
	[tilespmem:$0x13F00] =	vst v63  }
0x68: {  	_ =	swait.ge [sflag:s24], $0x1000  }
0x69: {  	[sflag:s24] =	ssyncset.done $0x0  }
0x6a: {  	s9 =	sadd.s32 $0xA200, s3;
	[sflag:s24] =	ssyncadd.s32 $0xFFFFF000  }
0x6b: {  	[spmem:s2] =	stream.indirect.scatter.add.bf16 [tilespmem:s18], [sflag:$0x7], $0x20, s9, s15, $0xb8;
	[tilespmem:$0x13F00] =	vst v63  }
0x6c: {  	_ =	swait.ge [sflag:s22], $0x1000  }
0x6d: {  	[sflag:s22] =	ssyncset.done $0x0  }
0x6e: {  	s6 =	sadd.s32 $0x5380, s3;
	[sflag:s22] =	ssyncadd.s32 $0xFFFFF000  }
0x6f: {  	[tilespmem:s28], [sflag:$0x5] =	stream.indirect.gather [hbm4b:s8+s15], $0x20, s6, s15, $0xb8;
	[tilespmem:$0x13F00] =	vst v63  }
0x70: {  	_ =	swait.ge [sflag:s29], $0x1000  }
0x71: {  	p0 =	seq.s32 s1, $0x12C00;
	[sflag:s29] =	ssyncset.done $0x0  }
0x72: {  	s4 =	simm.s32 @p0 $0x4;
	s7 =	sadd.s32 $0xA280, s3;
	[sflag:s29] =	ssyncadd.s32 $0xFFFFF000  }
0x73: {  	[spmem:s2] =	stream.indirect.scatter.add.bf16 [tilespmem:s20], [sflag:$0x8], $0x20, s7, s15, $0xb8;
	[tilespmem:$0x13F00] =	vst v63  }
0x74: {  	_ =	swait.ge @p0 [sflag:s4], $0x1000  }
0x75: {  	[sflag:s4] =	ssyncset.done @p0 $0x0  }
0x76: {  	[sflag:s4] =	ssyncadd.s32 @p0 $0xFFFFF000;
	s4 =	sshra.s32 @p0 s1, $0x2  }
0x77: {  	s6 =	simm.s32 @p0 $0x80;
	s7 =	simm.s32 @p0 $0x11F00;
	s4 =	sadd.s32 @p0 $0xA300, s4  }
0x78: {  	[spmem:s2] =	stream.indirect.scatter.add.bf16 @p0 [tilespmem:s7], [sflag:$0x9], $0x20, s4, s6, $0xb8;
	[tilespmem:$0x13F00] =	vst v63  }
0x79: {  	s4 =	simm.s32 @!p0 $0x6  }
0x7a: {  	_ =	swait.ge @!p0 [sflag:s4], $0x1000  }
0x7b: {  	[sflag:s4] =	ssyncset.done @!p0 $0x0  }
0x7c: {  	[sflag:s4] =	ssyncadd.s32 @!p0 $0xFFFFF000;
	s4 =	sshra.s32 @!p0 s1, $0x2  }
0x7d: {  	s9 =	simm.s32 @!p0 $0xEF00;
	s7 =	simm.s32 @!p0 $0x80;
	s6 =	sadd.s32 @!p0 $0x5400, s4  }
0x7e: {  	[tilespmem:s9], [sflag:$0x1] =	stream.indirect.gather @!p0 [hbm4b:s8+s7], $0x20, s6, s7, $0xb8;
	[tilespmem:$0x13F00] =	vst v63  }
0x7f: {  	s6 =	simm.s32 @!p0 $0x4  }
0x80: {  	_ =	swait.ge @!p0 [sflag:s6], $0x1000  }
0x81: {  	[sflag:s6] =	ssyncset.done @!p0 $0x0  }
0x82: {  	s9 =	simm.s32 @!p0 $0x11F00;
	[sflag:s6] =	ssyncadd.s32 @!p0 $0xFFFFF000;
	s6 =	sadd.s32 @!p0 $0xA300, s4  }
0x83: {  	[spmem:s2] =	stream.indirect.scatter.add.bf16 @!p0 [tilespmem:s9], [sflag:$0x9], $0x20, s6, s7, $0xb8;
	[tilespmem:$0x13F00] =	vst v63  }
0x84: {  	s6 =	simm.s32 @!p0 $0x7  }
0x85: {  	_ =	swait.ge @!p0 [sflag:s6], $0x1000  }
0x86: {  	[sflag:s6] =	ssyncset.done @!p0 $0x0  }
0x87: {  	s4 =	sadd.s32 @!p0 $0x5480, s4;
	[sflag:s6] =	ssyncadd.s32 @!p0 $0xFFFFF000;
	s6 =	simm.s32 @!p0 $0xFF00  }
0x88: {  	[tilespmem:s6], [sflag:$0x2] =	stream.indirect.gather @!p0 [hbm4b:s8+s7], $0x20, s4, s7, $0xb8;
	[tilespmem:$0x13F00] =	vst v63  }
.Ltmp2:
0x89: {  	_ = 	snop;
	(pc) =	sbr.rel @p0 .LBB2_4-.Ltmp2, $4  }
0x8a: {  	_ =	swait.ge [sflag:s25], $0x1000  }
0x8b: {  	[sflag:s25] =	ssyncset.done $0x0  }
0x8c: {  	s9 =	sadd.s32 $0xA380, s3;
	[sflag:s25] =	ssyncadd.s32 $0xFFFFF000  }
0x8d: {  	[spmem:s2] =	stream.indirect.scatter.add.bf16 [tilespmem:s28], [sflag:$0xA], $0x20, s9, s15, $0xb8;
	[tilespmem:$0x13F00] =	vst v63  }
.Ltmp3:
0x8e: {  	(pc) =	sbr.rel .LBB2_2-.Ltmp3, $4  }
0x8f: {  	_ =	swait.ge [sflag:s30], $0x1000  }
0x90: {  	[sflag:s30] =	ssyncset.done $0x0  }
0x91: {  	s3 =	sadd.s32 $0x5500, s3;
	s1 =	sadd.s32 $0xA00, s1;
	[sflag:s30] =	ssyncadd.s32 $0xFFFFF000  }
0x92: {  	[tilespmem:s20], [sflag:$0x3] =	stream.indirect.gather [hbm4b:s8+s15], $0x20, s3, s15, $0xb8;
	[tilespmem:$0x13F00] =	vst v63  }
.LBB2_5:
0x93: {  	_ =	sfence.sel $0x180000  }
0x94: {  	[bflag:$0x0] =	sbarrier.arrive $0xFFFF  }
0x95: {  	_ =	strace $0x9000004A  }
0x96: {  	s0 =	stileid.u32;
	[bflag:$0x2] =	sbarrier.arrive $0xFFFF  }
0x97: {  	p0 =	sne.s32 s0, $0x0;
	s0 =	rddreg [dreg:$0x2]  }
0x98: {  	s0 =	sadd.s32 @!p0 $0x100000, s0  }
0x99: {  	[sflag:s0] =	ssyncadd.tile.s32 @!p0 $0x1;
	_ =	shalt  }
.Lfunc_end2:
_tile_overlayer_lowered:
.L_overlay_start_2:
0x9a: {  	(tag) =	ssettag $0x2  }
0x9b: {  	s0 =	rddreg [dreg:$0x0];
	s2 =	stileid.u32  }
0x9c: {  	s1 =	rddreg [dreg:$0x1];
	p0 =	sne.s32 s2, $0x0  }
0x9d: {  	s3 =	rddreg [dreg:$0x2];
	[bflag:$0x3] =	sbarrier.arrive $0xFFFF;
	s2 =	simm.s32 @!p0 $0x1C0B  }
0x9e: {  	[timem:s3], [sflag:s2] =	dma.local @!p0 [hbm:s0], s1  }
0x9f: {  	s0 =	simm.s32 @!p0 $0xB  }
0xa0: {  	_ =	swait.ge @!p0 [sflag:s0], s1  }
0xa1: {  	s1 =	ssub.s32 @!p0 $0x0, s1;
	[sflag:s0] =	ssyncset.done @!p0 $0x0  }
0xa2: {  	[sflag:s0] =	ssyncadd.s32 @!p0 s1  }
0xa3: {  	[bflag:$0x3] =	sbarrier.arrive $0xFFFF  }
0xa4: {  	_ =	shalt  }

// kernel: kernel.15.cloned.1.call-start
scs
__scs_entry_jumppad:
0x0: {  	(pc) =	sbr.rel $0x88, $3  }
0x1: {  	(tag) =	ssettag $0x0;
	lr =	simm.s32 $0x1  }
0x2: {  	[smem:$0x3F9A] =	sst lr;
	_ =	strace $0xD0000000  }
0x3: {  	_ = 	snop  }
0x4: {  	_ = 	snop  }
0x5: {  	_ = 	snop  }
0x6: {  	_ = 	snop  }
0x7: {  	_ = 	snop  }
__scs_overlays_trampoline_lowered:
0x8: {  	[smem:$0x3FA9] =	sst s0  }
0x9: {  	[smem:$0x3FAA] =	sst s1  }
0xa: {  	[smem:$0x3FAB] =	sst s2  }
0xb: {  	[smem:$0x3FAC] =	sst s3  }
0xc: {  	[smem:$0x3FAD] =	sst s4  }
0xd: {  	[smem:$0x3FAE] =	sst s5  }
0xe: {  	[smem:$0x3FAF] =	sst s6  }
0xf: {  	[smem:$0x3FB0] =	sst s7  }
0x10: {  	[smem:$0x3FB1] =	sst s8  }
0x11: {  	[smem:$0x3FB2] =	sst s9;
	s0 =	simm.s32 @!p0 $0x0  }
0x12: {  	s1 =	sld [smem:$0x3F98];
	s0 =	simm.s32 @p0 $0x1  }
0x13: {  	[smem:$0x3FB3] =	sst s0;
	s0 =	simm.s32 @!p1 $0x0  }
0x14: {  	s2 =	sld [smem:$0x3F97];
	s0 =	simm.s32 @p1 $0x1  }
0x15: {  	[smem:$0x3FB4] =	sst s0;
	s0 =	simm.s32 @!p2 $0x0  }
0x16: {  	s3 =	sld [smem:$0x3FDB];
	s0 =	simm.s32 @p2 $0x1  }
0x17: {  	s4 =	simm.s32 $0x1BF5;
	[smem:$0x3FB6] =	sst s0  }
0x18: {  	s0 =	sld [smem:$0x3F99];
	_ =	swait.ge [sflag:s4], $0x0  }
0x19: {  	s7 =	sld [smem:$0x3F9A]  }
0x1a: {  	s8 =	sadd.s32 $0xFFFFE003, lr  }
0x1b: {  	s9 =	sadd.s32 $0xFFFFFEF7, lr;
	s5 =	simm.s32 $0xFFFFFFFF;
	p2 =	slt.u32 s8, $0xFFFFF086  }
0x1c: {  	p1 =	slt.u32 s9, $0xF7A;
	s5 =	simm.s32 @!p2 $0x0  }
0x1d: {  	s5 =	simm.s32 @p1 $0x1;
	p0 =	seq.s32 s7, s2  }
0x1e: {  	s7 =	smul.u32 @!p0 $0xF7A, s2;
	p2 =	seq.s32 @!p0 s5, $0x0  }
0x1f: {  	s9 =	smul.u32 $0xF7A, s1;
	s8 =	simm.s32 @!p0 $0x1BF5;
	p2 =	por !p2, p0  }
0x20: {  	[sflag:s8] =	ssyncset.s32 @!p0 $0xFFFFF086;
	s6 =	sadd.s32 @!p0 s3, s7;
	s7 =	simm.s32 @!p0 $0x108  }
0x21: {  	s3 =	sadd.s32 s3, s9;
	s6 =	sadd.s32 @!p0 $0x88, s6;
	s7 =	simm.s32 @p2 $0x1082  }
0x22: {  	[simem:s7], [sflag:s8] =	dma.local @!p0 [hbm:s6], $0xF7A  }
0x23: {  	s9 =	sor.u32 $0xD0000000, s2;
	s6 =	simm.s32 $0x108;
	_ =	swait.ge @!p0 [sflag:s8], $0x0  }
0x24: {  	s3 =	sadd.s32 $0x88, s3;
	s6 =	simm.s32 @!p1 $0x1082;
	[sflag:s4] =	ssyncset.s32 $0xFFFFF086  }
0x25: {  	[simem:s6], [sflag:s4] =	dma.local [hbm:s3], $0xF7A  }
0x26: {  	[smem:$0x3F9A] =	sst s1;
	(tag) =	ssettag s2;
	_ =	strace s9  }
0x27: {  	s1 =	sld [smem:$0x3FAA]  }
0x28: {  	s2 =	sld [smem:$0x3FAB]  }
0x29: {  	s4 =	sld [smem:$0x3FAD]  }
0x2a: {  	p0 =	seq.s32 s5, $0x0;
	s5 =	sld [smem:$0x3FAE]  }
0x2b: {  	s6 =	sld [smem:$0x3FAF]  }
0x2c: {  	s7 =	sld [smem:$0x3FB0]  }
0x2d: {  	s3 =	simm.s32 $0x108;
	s8 =	sld [smem:$0x3FB1]  }
0x2e: {  	s3 =	simm.s32 @!p0 $0x1082;
	s9 =	sld [smem:$0x3FB2]  }
0x2f: {  	lr =	sadd.s32 s0, s3;
	s0 =	sld [smem:$0x3FA9]  }
0x30: {  	s3 =	sld [smem:$0x3FAC]  }
0x31: {  	[smem:$0x3FB5] =	sst s10  }
0x32: {  	s10 =	sld [smem:$0x3FB3];
	_ =	sdelay $0x3  }
0x33: {  	p0 =	seq.s32 s10, $0x1;
	s10 =	sld [smem:$0x3FB5];
	_ =	sdelay $0x3  }
0x34: {  	[smem:$0x3FB5] =	sst s10  }
0x35: {  	s10 =	sld [smem:$0x3FB4];
	_ =	sdelay $0x3  }
0x36: {  	p1 =	seq.s32 s10, $0x1;
	s10 =	sld [smem:$0x3FB5];
	_ =	sdelay $0x3  }
0x37: {  	[smem:$0x3FB5] =	sst s10  }
0x38: {  	s10 =	sld [smem:$0x3FB6]  }
0x39: {  	_ = 	snop;
	(pc) =	sbr.ind lr, $3  }
0x3a: {  	_ = 	snop  }
0x3b: {  	_ = 	snop  }
0x3c: {  	p2 =	seq.s32 s10, $0x1;
	s10 =	sld [smem:$0x3FB5]  }
0x3d: {  	_ =	shalt  }
0x3e: {  	_ =	shalt  }
0x3f: {  	_ =	shalt  }
0x40: {  	_ =	shalt  }
0x41: {  	_ =	shalt  }
0x42: {  	_ =	shalt  }
0x43: {  	_ =	shalt  }
0x44: {  	_ =	shalt  }
0x45: {  	_ =	shalt  }
0x46: {  	_ =	shalt  }
0x47: {  	_ =	shalt  }
0x48: {  	_ =	shalt  }
0x49: {  	_ =	shalt  }
0x4a: {  	_ =	shalt  }
0x4b: {  	_ =	shalt  }
0x4c: {  	_ =	shalt  }
0x4d: {  	_ =	shalt  }
0x4e: {  	_ =	shalt  }
0x4f: {  	_ =	shalt  }
0x50: {  	_ =	shalt  }
0x51: {  	_ =	shalt  }
0x52: {  	_ =	shalt  }
0x53: {  	_ =	shalt  }
0x54: {  	_ =	shalt  }
0x55: {  	_ =	shalt  }
0x56: {  	_ =	shalt  }
0x57: {  	_ =	shalt  }
0x58: {  	_ =	shalt  }
0x59: {  	_ =	shalt  }
0x5a: {  	_ =	shalt  }
0x5b: {  	_ =	shalt  }
0x5c: {  	_ =	shalt  }
0x5d: {  	_ =	shalt  }
0x5e: {  	_ =	shalt  }
0x5f: {  	_ =	shalt  }
0x60: {  	_ =	shalt  }
0x61: {  	_ =	shalt  }
0x62: {  	_ =	shalt  }
0x63: {  	_ =	shalt  }
0x64: {  	_ =	shalt  }
0x65: {  	_ =	shalt  }
0x66: {  	_ =	shalt  }
0x67: {  	_ =	shalt  }
0x68: {  	_ =	shalt  }
0x69: {  	_ =	shalt  }
0x6a: {  	_ =	shalt  }
0x6b: {  	_ =	shalt  }
0x6c: {  	_ =	shalt  }
0x6d: {  	_ =	shalt  }
0x6e: {  	_ =	shalt  }
0x6f: {  	_ =	shalt  }
0x70: {  	_ =	shalt  }
0x71: {  	_ =	shalt  }
0x72: {  	_ =	shalt  }
0x73: {  	_ =	shalt  }
0x74: {  	_ =	shalt  }
0x75: {  	_ =	shalt  }
0x76: {  	_ =	shalt  }
0x77: {  	_ =	shalt  }
0x78: {  	_ =	shalt  }
0x79: {  	_ =	shalt  }
0x7a: {  	_ =	shalt  }
0x7b: {  	_ =	shalt  }
0x7c: {  	_ =	shalt  }
0x7d: {  	_ =	shalt  }
0x7e: {  	_ =	shalt  }
0x7f: {  	_ =	shalt  }
0x80: {  	_ =	shalt  }
0x81: {  	_ =	shalt  }
0x82: {  	_ =	shalt  }
0x83: {  	_ =	shalt  }
0x84: {  	_ =	shalt  }
0x85: {  	_ =	shalt  }
0x86: {  	_ =	shalt  }
0x87: {  	_ =	shalt  }
.Lfunc_end0:
.L_simem_size_0:
called_computation.2_lowered:
.L_overlay_start_0:
0x88: {  	s2 =	sld [smem:$0x3FD9]  }
0x89: {  	s3 =	sld [smem:$0x3FFE];
	_ =	sdelay $0x1  }
0x8a: {  	s1 =	srdreg.scid  }
0x8b: {  	s0 =	sand.u32 $0x1, s1  }
0x8c: {  	s16 =	sshll.u32 s0, $0xA;
	s2 =	sadd.s32 s3, s2  }
0x8d: {  	s2 =	sadd.s32 s2, s16  }
0x8e: {  	[smem:$0x3FC1] =	sst s2  }
0x8f: {  	_ = 	snop  }
0x90: {  	(tm) =	ssettm $0x1  }
0x91: {  	s17 =	sld [smem:$0x3FFB];
	_ =	sdelay $0x3  }
0x92: {  	_ =	strace s17  }
0x93: {  	s2 =	sld [smem:$0x3FFC];
	_ =	sdelay $0x3  }
0x94: {  	_ =	strace s2  }
0x95: {  	s2 =	sld [smem:$0x3FFD];
	_ =	sdelay $0x3  }
0x96: {  	_ =	strace s2  }
0x97: {  	_ =	strace $0x8FFFFFFF  }
0x98: {  	s18 =	sld [smem:$0x3FDB];
	_ =	sdelay $0x1  }
0x99: {  	s19 =	simm.s32 $_scs_section_size  }
0x9a: {  	s4 =	simm.s32 $_size__tile_overlayer_lowered;
	s5 =	simm.s32 $_tile_overlayer_lowered  }
0x9b: {  	s22 =	simm.s32 $0x1BFF;
	s21 =	sshll.u32 s5, $0x1;
	s2 =	sadd.s32 s19, s18  }
0x9c: {  	s6 =	simm.s32 $0x0;
	s20 =	sshll.u32 s4, $0x1;
	s4 =	sadd.s32 s21, s2  }
0x9d: {  	[timem:s6], [sflag:s22] =	dma.local [hbm:s4], s20  }
0x9e: {  	_ =	swait.ge [sflag:s22], s20  }
0x9f: {  	s3 =	ssub.s32 $0x0, s20;
	[sflag:s22] =	ssyncset.done $0x0  }
0xa0: {  	[sflag:s22] =	ssyncadd.s32 s3;
	_ =	sdelay $0x1  }
0xa1: {  	s23 =	simm.s32 $0x1B8B  }
0xa2: {  	_ =	swait.ge [sflag:s23], $0x1  }
0xa3: {  	[sflag:s23] =	ssyncset.done $0x0  }
0xa4: {  	s25 =	simm.s32 $0x1B8E;
	s24 =	sld [smem:$0x3FFE];
	[sflag:s23] =	ssyncadd.s32 $0xFFFFFFFF  }
0xa5: {  	s26 =	simm.s32 $execute0_lowered;
	[smem:$0x3FD2] =	sst s25  }
0xa6: {  	s4 =	sshll.u32 s26, $0x1;
	_ =	strace $0x8000004C;
	[dreg:$0x1] =	wrdreg $0xFFFFFFFF  }
0xa7: {  	s28 =	simm.s32 $_size_execute0_lowered;
	s2 =	sadd.s32 s2, s4;
	[dreg:$0x0] =	wrdreg $0x0  }
0xa8: {  	s4 =	sshll.u32 s28, $0x1;
	[dreg:$0x2] =	wrdreg s2  }
0xa9: {  	[dreg:$0x3] =	wrdreg s4  }
0xaa: {  	[dreg:$0x4] =	wrdreg $0xC0  }
0xab: {  	_ =	task [dreg:s6], $0x5FFFF  }
0xac: {  	[dreg:$0x1] =	wrdreg $0xFFFFFFFF  }
0xad: {  	[dreg:$0x0] =	wrdreg $0x60  }
0xae: {  	[dreg:$0x2] =	wrdreg s24  }
0xaf: {  	[dreg:$0x3] =	wrdreg $0x0  }
0xb0: {  	[dreg:$0x4] =	wrdreg $0x9  }
0xb1: {  	_ =	task.clear_ibuf [dreg:s6], $0x5FFFF;
	_ =	strace $0x9000004C  }
0xb2: {  	s29 =	simm.s32 $0x9;
	_ =	strace $0x8000004E  }
0xb3: {  	_ =	swait.ge [sflag:s29], $0x1  }
0xb4: {  	[sflag:s29] =	ssyncadd.s32 $0xFFFFFFFF  }
0xb5: {  	_ =	strace $0x9000004E  }
0xb6: {  	_ =	sfence  }
0xb7: {  	s30 =	sld [smem:$0x0];
	_ =	sdelay $0x2  }
0xb8: {  	s31 =	sshll.u32 s1, $0xD;
	s1 =	sshrl.u32 s1, $0x2  }
0xb9: {  	s3 =	sand.u32 $0x4000, s31;
	s1 =	sadd.s32 s1, s30  }
0xba: {  	s0 =	sor.u32 s3, s0;
	s1 =	sshll.u32 s1, $0x11  }
0xbb: {  	s0 =	sor.u32 s1, s0  }
0xbc: {  	s0 =	sadd.s32 $0x8F2B, s0  }
0xbd: {  	[sflag:s0] =	ssyncadd.remote.s32 $0x1  }
0xbe: {  	_ =	sfence.sel $0xFFFF  }
0xbf: {  	[dreg:$0x0] =	wrdreg $0xFFFFFFFF;
	(pc) =	sbr.abs _section_cstart, $3  }
0xc0: {  	[dreg:$0x1] =	wrdreg $0xFFFFFFFF  }
0xc1: {  	_ =	task.clear_ibuf [dreg:s6], $0x2FFFF;
	_ =	strace $0x9FFFFFFF  }
0xc2: {  	(tm) =	ssettm $0x7FFFFFFF  }
0xc3: {  	_ =	shalt  }
tec
execute0_lowered:
.L_overlay_start_1:
0x0: {  	(tag) =	ssettag $0x1  }
0x1: {  	s0 =	rddreg [dreg:$0x0]  }
0x2: {  	s2 =	rddreg [dreg:$0x1]  }
0x3: {  	s1 =	srdreg.scid;
	s7 =	stileid.u32  }
0x4: {  	s6 =	simm.s32 $0x0;
	s15 =	simm.s32 $0x80;
	s16 =	simm.s32 $0x63C0  }
0x5: {  	s18 =	simm.s32 $0x67C0;
	s20 =	simm.s32 $0x6BC0;
	s22 =	simm.s32 $0x6FC0  }
0x6: {  	s28 =	simm.s32 $0x2;
	s29 =	simm.s32 $0x7BC0;
	s30 =	simm.s32 $0x3  }
0x7: {  	s31 =	simm.s32 $0x7FC0;
	s14 =	simm.s32 $0x5;
	s17 =	simm.s32 $0x87C0  }
0x8: {  	s19 =	simm.s32 $0x6;
	s21 =	simm.s32 $0x8;
	s13 =	simm.s32 $0xF  }
0x9: {  	s1 =	sand.u32 $0x1, s1;
	s3 =	sshll.u32 s7, $0x1;
	s5 =	smul.u32 $0x2780, s7  }
0xa: {  	[smem:$0x7FF] =	sst s6;
	s8 =	sadd.s32 $0x1200, s0;
	s7 =	sshll.u32 s7, $0x6  }
0xb: {  	s3 =	sor.u32 s1, s3;
	s4 =	smul.u32 $0x27800, s1;
	_ =	strace $0x8000004D  }
0xc: {  	[dreg:$0x3] =	wrdreg s8;
	s1 =	ssub.s32 $0x2, s1;
	s8 =	simm.s32 $0x0  }
0xd: {  	s3 =	smul.u32 $0x500, s3;
	s24 =	sshrl.u32 s1, $0x1;
	s23 =	sadd.s32 s5, s4  }
0xe: {  	s4 =	sadd.s32 $0xB800, s0;
	s5 =	sshrl.u32 s5, $0x1;
	s1 =	ssub.s32 s1, s24  }
0xf: {  	s24 =	simm.s32 $0x73C0;
	s3 =	sadd.s32 s3, s0;
	s6 =	sshrl.u32 s23, $0x4  }
0x10: {  	s5 =	sadd.s32 s5, s2;
	s26 =	smax.u32 s1, $0x1;
	s1 =	simm.s32 $0x83C0  }
0x11: {  	s23 =	simm.s32 $0xA;
	s25 =	sadd.s32 $0x10800, s3;
	[dreg:$0x8] =	wrdreg s26  }
.Ltmp0:
0x12: {  	s3 =	sadd.s32 $0x1800, s3;
	[dreg:$0x5] =	wrdreg s25;
	(pc) =	sbr.rel .LBB2_1-.Ltmp0, $4  }
0x13: {  	s0 =	sadd.s32 s6, s0;
	s6 =	sor.u32 $0x1C15, s7;
	[dreg:$0x6] =	wrdreg s3  }
0x14: {  	s5 =	sshrl.u32 s5, $0x3;
	s7 =	simm.s32 $0x15;
	[dreg:$0x4] =	wrdreg s6  }
0x15: {  	s26 =	simm.s32 $0x77C0;
	s0 =	sadd.s32 $0x1A800, s0;
	[dreg:$0x9] =	wrdreg s5  }
0x16: {  	s25 =	simm.s32 $0x1;
	[dreg:$0x7] =	wrdreg s0;
	s0 =	simm.s32 $0x4  }
.LBB2_4:
0x17: {  	s3 =	simm.s32 $0xB  }
0x18: {  	_ =	swait.ge [sflag:s3], $0x400  }
0x19: {  	[sflag:s3] =	ssyncset.done $0x0  }
0x1a: {  	s10 =	simm.s32 $0xC;
	[sflag:s3] =	ssyncadd.s32 $0xFFFFFC00  }
0x1b: {  	_ =	swait.ge [sflag:s10], $0x400  }
0x1c: {  	[sflag:s10] =	ssyncset.done $0x0  }
0x1d: {  	s11 =	simm.s32 $0xD;
	[sflag:s10] =	ssyncadd.s32 $0xFFFFFC00  }
0x1e: {  	_ =	swait.ge [sflag:s11], $0x400  }
0x1f: {  	[sflag:s11] =	ssyncset.done $0x0  }
0x20: {  	s12 =	simm.s32 $0xE;
	[sflag:s11] =	ssyncadd.s32 $0xFFFFFC00  }
0x21: {  	_ =	swait.ge [sflag:s12], $0x400  }
0x22: {  	[sflag:s12] =	ssyncset.done $0x0  }
0x23: {  	[sflag:s12] =	ssyncadd.s32 $0xFFFFFC00  }
0x24: {  	_ =	swait.ge [sflag:s13], $0x400  }
0x25: {  	[sflag:s13] =	ssyncset.done $0x0  }
0x26: {  	s5 =	simm.s32 $0x10;
	[sflag:s13] =	ssyncadd.s32 $0xFFFFFC00  }
0x27: {  	_ =	swait.ge [sflag:s5], $0x400  }
0x28: {  	[sflag:s5] =	ssyncset.done $0x0  }
0x29: {  	s6 =	simm.s32 $0x11;
	[sflag:s5] =	ssyncadd.s32 $0xFFFFFC00  }
0x2a: {  	_ =	swait.ge [sflag:s6], $0x400  }
0x2b: {  	[sflag:s6] =	ssyncset.done $0x0  }
0x2c: {  	s7 =	simm.s32 $0x12;
	[sflag:s6] =	ssyncadd.s32 $0xFFFFFC00  }
0x2d: {  	_ =	swait.ge [sflag:s7], $0x400  }
0x2e: {  	[sflag:s7] =	ssyncset.done $0x0  }
0x2f: {  	s9 =	simm.s32 $0x13;
	[sflag:s7] =	ssyncadd.s32 $0xFFFFFC00  }
0x30: {  	_ =	swait.ge [sflag:s9], $0x400  }
0x31: {  	[sflag:s9] =	ssyncset.done $0x0  }
0x32: {  	s10 =	simm.s32 $0x14;
	[sflag:s9] =	ssyncadd.s32 $0xFFFFFC00  }
0x33: {  	_ =	swait.ge [sflag:s10], $0x400  }
0x34: {  	[sflag:s10] =	ssyncset.done $0x0  }
0x35: {  	[sflag:s10] =	ssyncadd.s32 $0xFFFFFC00  }
0x36: {  	[bflag:$0x0] =	sbarrier.arrive $0xFFFF  }
0x37: {  	s6 =	rddreg [dreg:$0x4]  }
0x38: {  	s11 =	rddreg [dreg:$0x7]  }
0x39: {  	s7 =	simm.s32 $0x15;
	s5 =	rddreg [dreg:$0x9]  }
0x3a: {  	[hbm:s11], [sflag:s6] =	dma.local [spmem:s5], $0x278  }
0x3b: {  	_ =	swait.ge [sflag:s7], $0x278  }
0x3c: {  	s8 =	sadd.s32 $0x1, s8;
	s12 =	rddreg [dreg:$0x8]  }
0x3d: {  	p0 =	sne.s32 s8, s12  }
.Ltmp1:
0x3e: {  	_ = 	snop;
	(pc) =	sbr.rel @!p0 .LBB2_5-.Ltmp1, $3  }
0x3f: {  	_ =	sdelay $0x1  }
0x40: {  	[sflag:s7] =	ssyncset.done $0x0  }
0x41: {  	[sflag:s7] =	ssyncadd.s32 $0xFFFFFD88  }
.LBB2_1:
0x42: {  	s3 =	rddreg [dreg:$0x3]  }
0x43: {  	[spmem:s5], [sflag:s6] =	dma.local [hbm:s3], $0x278  }
0x44: {  	_ =	swait.ge [sflag:s7], $0x278  }
0x45: {  	s11 =	simm.s32 $0x13C0;
	[sflag:s7] =	ssyncset.done $0x0  }
0x46: {  	s6 =	simm.s32 $0x0;
	s10 =	rddreg [dreg:$0x5];
	[sflag:s7] =	ssyncadd.s32 $0xFFFFFD88  }
0x47: {  	[tilespmem:s11], [sflag:$0x15] =	stream.linear.gather [hbm4b:s10+s6], $0x2800, $0x38;
	[tilespmem:$0x8BC0] =	vst v63  }
0x48: {  	_ =	swait.ge [sflag:s7], $0x2800  }
0x49: {  	[sflag:s7] =	ssyncset.done $0x0  }
0x4a: {  	s9 =	simm.s32 $0x3BC0;
	s12 =	rddreg [dreg:$0x6];
	[sflag:s7] =	ssyncadd.s32 $0xFFFFD800  }
0x4b: {  	[tilespmem:s9], [sflag:$0x15] =	stream.linear.gather [hbm4b:s12+s6], $0x2800, $0x38;
	[tilespmem:$0x8BC0] =	vst v63  }
0x4c: {  	_ =	swait.ge [sflag:s7], $0x2800  }
0x4d: {  	[sflag:s7] =	ssyncset.done $0x0  }
0x4e: {  	[sflag:s7] =	ssyncadd.s32 $0xFFFFD800  }
0x4f: {  	[bflag:$0x0] =	sbarrier.arrive $0xFFFF  }
0x50: {  	[tilespmem:s16], [sflag:$0x1] =	stream.indirect.gather [hbm4b:s4+s15], $0x8, s11, s15, $0xb8;
	[tilespmem:$0x8BC0] =	vst v63  }
0x51: {  	s9 =	simm.s32 $0x1440  }
0x52: {  	[tilespmem:s18], [sflag:$0x2] =	stream.indirect.gather [hbm4b:s4+s15], $0x8, s9, s15, $0xb8;
	[tilespmem:$0x8BC0] =	vst v63  }
0x53: {  	s10 =	simm.s32 $0x14C0  }
0x54: {  	[tilespmem:s20], [sflag:$0x3] =	stream.indirect.gather [hbm4b:s4+s15], $0x8, s10, s15, $0xb8;
	[tilespmem:$0x8BC0] =	vst v63  }
0x55: {  	s11 =	simm.s32 $0x1540  }
0x56: {  	[tilespmem:s22], [sflag:$0x4] =	stream.indirect.gather [hbm4b:s4+s15], $0x8, s11, s15, $0xb8;
	[tilespmem:$0x8BC0] =	vst v63  }
0x57: {  	s12 =	simm.s32 $0x15C0;
	s9 =	simm.s32 $0x0  }
0x58: {  	[tilespmem:s24], [sflag:$0x5] =	stream.indirect.gather [hbm4b:s4+s15], $0x8, s12, s15, $0xb8;
	[tilespmem:$0x8BC0] =	vst v63  }
.LBB2_2:
0x59: {  	_ =	swait.ge [sflag:s25], $0x400  }
0x5a: {  	s10 =	sshra.s32 s9, $0x2;
	[sflag:s25] =	ssyncset.done $0x0  }
0x5b: {  	p0 =	seq.s32 s9, $0x0;
	s3 =	sadd.s32 $0x3BC0, s10;
	[sflag:s25] =	ssyncadd.s32 $0xFFFFFC00  }
0x5c: {  	[spmem:s2] =	stream.indirect.scatter.add.bf16 [tilespmem:s16], [sflag:$0xB], $0x8, s3, s15, $0xb8;
	[tilespmem:$0x8BC0] =	vst v63  }
0x5d: {  	s3 =	simm.s32 @!p0 $0x10  }
0x5e: {  	_ =	swait.ge @!p0 [sflag:s3], $0x400  }
0x5f: {  	[sflag:s3] =	ssyncset.done @!p0 $0x0  }
0x60: {  	s12 =	sadd.s32 $0x1640, s10;
	[sflag:s3] =	ssyncadd.s32 @!p0 $0xFFFFFC00  }
0x61: {  	[tilespmem:s26], [sflag:$0x6] =	stream.indirect.gather [hbm4b:s4+s15], $0x8, s12, s15, $0xb8;
	[tilespmem:$0x8BC0] =	vst v63  }
0x62: {  	_ =	swait.ge [sflag:s28], $0x400  }
0x63: {  	[sflag:s28] =	ssyncset.done $0x0  }
0x64: {  	s5 =	sadd.s32 $0x3C40, s10;
	s3 =	simm.s32 @!p0 $0x11;
	[sflag:s28] =	ssyncadd.s32 $0xFFFFFC00  }
0x65: {  	[spmem:s2] =	stream.indirect.scatter.add.bf16 [tilespmem:s18], [sflag:$0xC], $0x8, s5, s15, $0xb8;
	[tilespmem:$0x8BC0] =	vst v63  }
0x66: {  	_ =	swait.ge @!p0 [sflag:s3], $0x400  }
0x67: {  	[sflag:s3] =	ssyncset.done @!p0 $0x0  }
0x68: {  	s6 =	sadd.s32 $0x16C0, s10;
	[sflag:s3] =	ssyncadd.s32 @!p0 $0xFFFFFC00  }
0x69: {  	[tilespmem:s29], [sflag:$0x7] =	stream.indirect.gather [hbm4b:s4+s15], $0x8, s6, s15, $0xb8;
	[tilespmem:$0x8BC0] =	vst v63  }
0x6a: {  	_ =	swait.ge [sflag:s30], $0x400  }
0x6b: {  	[sflag:s30] =	ssyncset.done $0x0  }
0x6c: {  	s7 =	sadd.s32 $0x3CC0, s10;
	s3 =	simm.s32 @!p0 $0x12;
	[sflag:s30] =	ssyncadd.s32 $0xFFFFFC00  }
0x6d: {  	[spmem:s2] =	stream.indirect.scatter.add.bf16 [tilespmem:s20], [sflag:$0xD], $0x8, s7, s15, $0xb8;
	[tilespmem:$0x8BC0] =	vst v63  }
0x6e: {  	_ =	swait.ge @!p0 [sflag:s3], $0x400  }
0x6f: {  	[sflag:s3] =	ssyncset.done @!p0 $0x0  }
0x70: {  	s11 =	sadd.s32 $0x1740, s10;
	[sflag:s3] =	ssyncadd.s32 @!p0 $0xFFFFFC00  }
0x71: {  	[tilespmem:s31], [sflag:$0x8] =	stream.indirect.gather [hbm4b:s4+s15], $0x8, s11, s15, $0xb8;
	[tilespmem:$0x8BC0] =	vst v63  }
0x72: {  	_ =	swait.ge [sflag:s0], $0x400  }
0x73: {  	[sflag:s0] =	ssyncset.done $0x0  }
0x74: {  	s12 =	sadd.s32 $0x3D40, s10;
	s3 =	simm.s32 @!p0 $0x13;
	[sflag:s0] =	ssyncadd.s32 $0xFFFFFC00  }
0x75: {  	[spmem:s2] =	stream.indirect.scatter.add.bf16 [tilespmem:s22], [sflag:$0xE], $0x8, s12, s15, $0xb8;
	[tilespmem:$0x8BC0] =	vst v63  }
0x76: {  	_ =	swait.ge @!p0 [sflag:s3], $0x400  }
0x77: {  	[sflag:s3] =	ssyncset.done @!p0 $0x0  }
0x78: {  	s5 =	sadd.s32 $0x17C0, s10;
	[sflag:s3] =	ssyncadd.s32 @!p0 $0xFFFFFC00  }
0x79: {  	[tilespmem:s1], [sflag:$0x9] =	stream.indirect.gather [hbm4b:s4+s15], $0x8, s5, s15, $0xb8;
	[tilespmem:$0x8BC0] =	vst v63  }
0x7a: {  	_ =	swait.ge [sflag:s14], $0x400  }
0x7b: {  	[sflag:s14] =	ssyncset.done $0x0  }
0x7c: {  	s6 =	sadd.s32 $0x3DC0, s10;
	s3 =	simm.s32 @!p0 $0x14;
	[sflag:s14] =	ssyncadd.s32 $0xFFFFFC00  }
0x7d: {  	[spmem:s2] =	stream.indirect.scatter.add.bf16 [tilespmem:s24], [sflag:$0xF], $0x8, s6, s15, $0xb8;
	[tilespmem:$0x8BC0] =	vst v63  }
0x7e: {  	_ =	swait.ge @!p0 [sflag:s3], $0x400  }
0x7f: {  	[sflag:s3] =	ssyncset.done @!p0 $0x0  }
0x80: {  	s7 =	sadd.s32 $0x1840, s10;
	[sflag:s3] =	ssyncadd.s32 @!p0 $0xFFFFFC00  }
0x81: {  	[tilespmem:s17], [sflag:$0xA] =	stream.indirect.gather [hbm4b:s4+s15], $0x8, s7, s15, $0xb8;
	[tilespmem:$0x8BC0] =	vst v63  }
0x82: {  	_ =	swait.ge [sflag:s19], $0x400  }
0x83: {  	p0 =	seq.s32 s9, $0x8C00;
	[sflag:s19] =	ssyncset.done $0x0  }
0x84: {  	s11 =	sadd.s32 $0x3E40, s10;
	s3 =	simm.s32 @p0 $0x7;
	[sflag:s19] =	ssyncadd.s32 $0xFFFFFC00  }
0x85: {  	[spmem:s2] =	stream.indirect.scatter.add.bf16 [tilespmem:s26], [sflag:$0x10], $0x8, s11, s15, $0xb8;
	[tilespmem:$0x8BC0] =	vst v63  }
0x86: {  	_ =	swait.ge @p0 [sflag:s3], $0x400  }
0x87: {  	[sflag:s3] =	ssyncset.done @p0 $0x0  }
0x88: {  	[sflag:s3] =	ssyncadd.s32 @p0 $0xFFFFFC00;
	s3 =	sshra.s32 @p0 s9, $0x2  }
0x89: {  	s7 =	simm.s32 @p0 $0x80;
	s6 =	simm.s32 @p0 $0x7BC0;
	s5 =	sadd.s32 @p0 $0x3EC0, s3  }
0x8a: {  	[spmem:s2] =	stream.indirect.scatter.add.bf16 @p0 [tilespmem:s6], [sflag:$0x11], $0x8, s5, s7, $0xb8;
	[tilespmem:$0x8BC0] =	vst v63  }
0x8b: {  	s5 =	simm.s32 @!p0 $0xB  }
0x8c: {  	_ =	swait.ge @!p0 [sflag:s5], $0x400  }
0x8d: {  	[sflag:s5] =	ssyncset.done @!p0 $0x0  }
0x8e: {  	[sflag:s5] =	ssyncadd.s32 @!p0 $0xFFFFFC00;
	s5 =	sshra.s32 @!p0 s9, $0x2  }
0x8f: {  	s12 =	simm.s32 @!p0 $0x63C0;
	s11 =	simm.s32 @!p0 $0x80;
	s6 =	sadd.s32 @!p0 $0x18C0, s5  }
0x90: {  	[tilespmem:s12], [sflag:$0x1] =	stream.indirect.gather @!p0 [hbm4b:s4+s11], $0x8, s6, s11, $0xb8;
	[tilespmem:$0x8BC0] =	vst v63  }
0x91: {  	s6 =	simm.s32 @!p0 $0x7  }
0x92: {  	_ =	swait.ge @!p0 [sflag:s6], $0x400  }
0x93: {  	[sflag:s6] =	ssyncset.done @!p0 $0x0  }
0x94: {  	s12 =	simm.s32 @!p0 $0x7BC0;
	[sflag:s6] =	ssyncadd.s32 @!p0 $0xFFFFFC00;
	s6 =	sadd.s32 @!p0 $0x3EC0, s5  }
0x95: {  	[spmem:s2] =	stream.indirect.scatter.add.bf16 @!p0 [tilespmem:s12], [sflag:$0x11], $0x8, s6, s11, $0xb8;
	[tilespmem:$0x8BC0] =	vst v63  }
0x96: {  	s6 =	simm.s32 @!p0 $0xC  }
0x97: {  	_ =	swait.ge @!p0 [sflag:s6], $0x400  }
0x98: {  	[sflag:s6] =	ssyncset.done @!p0 $0x0  }
0x99: {  	s12 =	simm.s32 @!p0 $0x67C0;
	[sflag:s6] =	ssyncadd.s32 @!p0 $0xFFFFFC00;
	s6 =	sadd.s32 @!p0 $0x1940, s5  }
0x9a: {  	[tilespmem:s12], [sflag:$0x2] =	stream.indirect.gather @!p0 [hbm4b:s4+s11], $0x8, s6, s11, $0xb8;
	[tilespmem:$0x8BC0] =	vst v63  }
0x9b: {  	_ =	swait.ge [sflag:s21], $0x400  }
0x9c: {  	[sflag:s21] =	ssyncset.done $0x0  }
0x9d: {  	s12 =	sadd.s32 $0x3F40, s10;
	s6 =	simm.s32 @p0 $0x9;
	[sflag:s21] =	ssyncadd.s32 $0xFFFFFC00  }
0x9e: {  	[spmem:s2] =	stream.indirect.scatter.add.bf16 [tilespmem:s31], [sflag:$0x12], $0x8, s12, s15, $0xb8;
	[tilespmem:$0x8BC0] =	vst v63  }
0x9f: {  	_ =	swait.ge @p0 [sflag:s6], $0x400  }
0xa0: {  	[sflag:s6] =	ssyncset.done @p0 $0x0  }
0xa1: {  	s3 =	sadd.s32 @p0 $0x3FC0, s3;
	[sflag:s6] =	ssyncadd.s32 @p0 $0xFFFFFC00;
	s6 =	simm.s32 @p0 $0x83C0  }
0xa2: {  	[spmem:s2] =	stream.indirect.scatter.add.bf16 @p0 [tilespmem:s6], [sflag:$0x13], $0x8, s3, s7, $0xb8;
	[tilespmem:$0x8BC0] =	vst v63  }
0xa3: {  	s3 =	simm.s32 @!p0 $0xD  }
0xa4: {  	_ =	swait.ge @!p0 [sflag:s3], $0x400  }
0xa5: {  	[sflag:s3] =	ssyncset.done @!p0 $0x0  }
0xa6: {  	s6 =	simm.s32 @!p0 $0x6BC0;
	[sflag:s3] =	ssyncadd.s32 @!p0 $0xFFFFFC00;
	s3 =	sadd.s32 @!p0 $0x19C0, s5  }
0xa7: {  	[tilespmem:s6], [sflag:$0x3] =	stream.indirect.gather @!p0 [hbm4b:s4+s11], $0x8, s3, s11, $0xb8;
	[tilespmem:$0x8BC0] =	vst v63  }
0xa8: {  	s3 =	simm.s32 @!p0 $0x9  }
0xa9: {  	_ =	swait.ge @!p0 [sflag:s3], $0x400  }
0xaa: {  	[sflag:s3] =	ssyncset.done @!p0 $0x0  }
0xab: {  	s6 =	simm.s32 @!p0 $0x83C0;
	[sflag:s3] =	ssyncadd.s32 @!p0 $0xFFFFFC00;
	s3 =	sadd.s32 @!p0 $0x3FC0, s5  }
0xac: {  	[spmem:s2] =	stream.indirect.scatter.add.bf16 @!p0 [tilespmem:s6], [sflag:$0x13], $0x8, s3, s11, $0xb8;
	[tilespmem:$0x8BC0] =	vst v63  }
0xad: {  	s3 =	simm.s32 @!p0 $0xE  }
0xae: {  	_ =	swait.ge @!p0 [sflag:s3], $0x400  }
0xaf: {  	[sflag:s3] =	ssyncset.done @!p0 $0x0  }
0xb0: {  	[sflag:s3] =	ssyncadd.s32 @!p0 $0xFFFFFC00;
	s3 =	sadd.s32 @!p0 $0x1A40, s5;
	s5 =	simm.s32 @!p0 $0x6FC0  }
0xb1: {  	[tilespmem:s5], [sflag:$0x4] =	stream.indirect.gather @!p0 [hbm4b:s4+s11], $0x8, s3, s11, $0xb8;
	[tilespmem:$0x8BC0] =	vst v63  }
.Ltmp2:
0xb2: {  	_ = 	snop;
	(pc) =	sbr.rel @p0 .LBB2_4-.Ltmp2, $4  }
0xb3: {  	_ =	swait.ge [sflag:s23], $0x400  }
0xb4: {  	[sflag:s23] =	ssyncset.done $0x0  }
0xb5: {  	s12 =	sadd.s32 $0x4040, s10;
	[sflag:s23] =	ssyncadd.s32 $0xFFFFFC00  }
0xb6: {  	[spmem:s2] =	stream.indirect.scatter.add.bf16 [tilespmem:s17], [sflag:$0x14], $0x8, s12, s15, $0xb8;
	[tilespmem:$0x8BC0] =	vst v63  }
.Ltmp3:
0xb7: {  	(pc) =	sbr.rel .LBB2_2-.Ltmp3, $4  }
0xb8: {  	_ =	swait.ge [sflag:s13], $0x400  }
0xb9: {  	[sflag:s13] =	ssyncset.done $0x0  }
0xba: {  	s3 =	sadd.s32 $0x1AC0, s10;
	s9 =	sadd.s32 $0x1400, s9;
	[sflag:s13] =	ssyncadd.s32 $0xFFFFFC00  }
0xbb: {  	[tilespmem:s24], [sflag:$0x5] =	stream.indirect.gather [hbm4b:s4+s15], $0x8, s3, s15, $0xb8;
	[tilespmem:$0x8BC0] =	vst v63  }
.LBB2_5:
0xbc: {  	_ =	sfence.sel $0x180000  }
0xbd: {  	[bflag:$0x0] =	sbarrier.arrive $0xFFFF  }
0xbe: {  	_ =	strace $0x9000004D  }
0xbf: {  	s0 =	stileid.u32;
	[bflag:$0x2] =	sbarrier.arrive $0xFFFF  }
0xc0: {  	p0 =	sne.s32 s0, $0x0;
	s0 =	rddreg [dreg:$0x2]  }
0xc1: {  	s0 =	sadd.s32 @!p0 $0x100000, s0  }
0xc2: {  	[sflag:s0] =	ssyncadd.tile.s32 @!p0 $0x1;
	_ =	shalt  }
.Lfunc_end2:
_tile_overlayer_lowered:
.L_overlay_start_2:
0xc3: {  	(tag) =	ssettag $0x2  }
0xc4: {  	s0 =	rddreg [dreg:$0x0];
	s2 =	stileid.u32  }
0xc5: {  	s1 =	rddreg [dreg:$0x1];
	p0 =	sne.s32 s2, $0x0  }
0xc6: {  	s3 =	rddreg [dreg:$0x2];
	[bflag:$0x3] =	sbarrier.arrive $0xFFFF;
	s2 =	simm.s32 @!p0 $0x1C15  }
0xc7: {  	[timem:s3], [sflag:s2] =	dma.local @!p0 [hbm:s0], s1  }
0xc8: {  	s0 =	simm.s32 @!p0 $0x15  }
0xc9: {  	_ =	swait.ge @!p0 [sflag:s0], s1  }
0xca: {  	s1 =	ssub.s32 @!p0 $0x0, s1;
	[sflag:s0] =	ssyncset.done @!p0 $0x0  }
0xcb: {  	[sflag:s0] =	ssyncadd.s32 @!p0 s1  }
0xcc: {  	[bflag:$0x3] =	sbarrier.arrive $0xFFFF  }
0xcd: {  	_ =	shalt  }

// kernel: kernel.9.cloned.1.call-start
scs
__scs_entry_jumppad:
0x0: {  	(pc) =	sbr.rel $0x88, $3  }
0x1: {  	(tag) =	ssettag $0x0;
	lr =	simm.s32 $0x1  }
0x2: {  	[smem:$0x3F9A] =	sst lr;
	_ =	strace $0xD0000000  }
0x3: {  	_ = 	snop  }
0x4: {  	_ = 	snop  }
0x5: {  	_ = 	snop  }
0x6: {  	_ = 	snop  }
0x7: {  	_ = 	snop  }
__scs_overlays_trampoline_lowered:
0x8: {  	[smem:$0x3FA9] =	sst s0  }
0x9: {  	[smem:$0x3FAA] =	sst s1  }
0xa: {  	[smem:$0x3FAB] =	sst s2  }
0xb: {  	[smem:$0x3FAC] =	sst s3  }
0xc: {  	[smem:$0x3FAD] =	sst s4  }
0xd: {  	[smem:$0x3FAE] =	sst s5  }
0xe: {  	[smem:$0x3FAF] =	sst s6  }
0xf: {  	[smem:$0x3FB0] =	sst s7  }
0x10: {  	[smem:$0x3FB1] =	sst s8  }
0x11: {  	[smem:$0x3FB2] =	sst s9;
	s0 =	simm.s32 @!p0 $0x0  }
0x12: {  	s1 =	sld [smem:$0x3F98];
	s0 =	simm.s32 @p0 $0x1  }
0x13: {  	[smem:$0x3FB3] =	sst s0;
	s0 =	simm.s32 @!p1 $0x0  }
0x14: {  	s2 =	sld [smem:$0x3F97];
	s0 =	simm.s32 @p1 $0x1  }
0x15: {  	[smem:$0x3FB4] =	sst s0;
	s0 =	simm.s32 @!p2 $0x0  }
0x16: {  	s3 =	sld [smem:$0x3FDB];
	s0 =	simm.s32 @p2 $0x1  }
0x17: {  	s4 =	simm.s32 $0x1BF5;
	[smem:$0x3FB6] =	sst s0  }
0x18: {  	s0 =	sld [smem:$0x3F99];
	_ =	swait.ge [sflag:s4], $0x0  }
0x19: {  	s7 =	sld [smem:$0x3F9A]  }
0x1a: {  	s8 =	sadd.s32 $0xFFFFE003, lr  }
0x1b: {  	s9 =	sadd.s32 $0xFFFFFEF7, lr;
	s5 =	simm.s32 $0xFFFFFFFF;
	p2 =	slt.u32 s8, $0xFFFFF086  }
0x1c: {  	p1 =	slt.u32 s9, $0xF7A;
	s5 =	simm.s32 @!p2 $0x0  }
0x1d: {  	s5 =	simm.s32 @p1 $0x1;
	p0 =	seq.s32 s7, s2  }
0x1e: {  	s7 =	smul.u32 @!p0 $0xF7A, s2;
	p2 =	seq.s32 @!p0 s5, $0x0  }
0x1f: {  	s9 =	smul.u32 $0xF7A, s1;
	s8 =	simm.s32 @!p0 $0x1BF5;
	p2 =	por !p2, p0  }
0x20: {  	[sflag:s8] =	ssyncset.s32 @!p0 $0xFFFFF086;
	s6 =	sadd.s32 @!p0 s3, s7;
	s7 =	simm.s32 @!p0 $0x108  }
0x21: {  	s3 =	sadd.s32 s3, s9;
	s6 =	sadd.s32 @!p0 $0x88, s6;
	s7 =	simm.s32 @p2 $0x1082  }
0x22: {  	[simem:s7], [sflag:s8] =	dma.local @!p0 [hbm:s6], $0xF7A  }
0x23: {  	s9 =	sor.u32 $0xD0000000, s2;
	s6 =	simm.s32 $0x108;
	_ =	swait.ge @!p0 [sflag:s8], $0x0  }
0x24: {  	s3 =	sadd.s32 $0x88, s3;
	s6 =	simm.s32 @!p1 $0x1082;
	[sflag:s4] =	ssyncset.s32 $0xFFFFF086  }
0x25: {  	[simem:s6], [sflag:s4] =	dma.local [hbm:s3], $0xF7A  }
0x26: {  	[smem:$0x3F9A] =	sst s1;
	(tag) =	ssettag s2;
	_ =	strace s9  }
0x27: {  	s1 =	sld [smem:$0x3FAA]  }
0x28: {  	s2 =	sld [smem:$0x3FAB]  }
0x29: {  	s4 =	sld [smem:$0x3FAD]  }
0x2a: {  	p0 =	seq.s32 s5, $0x0;
	s5 =	sld [smem:$0x3FAE]  }
0x2b: {  	s6 =	sld [smem:$0x3FAF]  }
0x2c: {  	s7 =	sld [smem:$0x3FB0]  }
0x2d: {  	s3 =	simm.s32 $0x108;
	s8 =	sld [smem:$0x3FB1]  }
0x2e: {  	s3 =	simm.s32 @!p0 $0x1082;
	s9 =	sld [smem:$0x3FB2]  }
0x2f: {  	lr =	sadd.s32 s0, s3;
	s0 =	sld [smem:$0x3FA9]  }
0x30: {  	s3 =	sld [smem:$0x3FAC]  }
0x31: {  	[smem:$0x3FB5] =	sst s10  }
0x32: {  	s10 =	sld [smem:$0x3FB3];
	_ =	sdelay $0x3  }
0x33: {  	p0 =	seq.s32 s10, $0x1;
	s10 =	sld [smem:$0x3FB5];
	_ =	sdelay $0x3  }
0x34: {  	[smem:$0x3FB5] =	sst s10  }
0x35: {  	s10 =	sld [smem:$0x3FB4];
	_ =	sdelay $0x3  }
0x36: {  	p1 =	seq.s32 s10, $0x1;
	s10 =	sld [smem:$0x3FB5];
	_ =	sdelay $0x3  }
0x37: {  	[smem:$0x3FB5] =	sst s10  }
0x38: {  	s10 =	sld [smem:$0x3FB6]  }
0x39: {  	_ = 	snop;
	(pc) =	sbr.ind lr, $3  }
0x3a: {  	_ = 	snop  }
0x3b: {  	_ = 	snop  }
0x3c: {  	p2 =	seq.s32 s10, $0x1;
	s10 =	sld [smem:$0x3FB5]  }
0x3d: {  	_ =	shalt  }
0x3e: {  	_ =	shalt  }
0x3f: {  	_ =	shalt  }
0x40: {  	_ =	shalt  }
0x41: {  	_ =	shalt  }
0x42: {  	_ =	shalt  }
0x43: {  	_ =	shalt  }
0x44: {  	_ =	shalt  }
0x45: {  	_ =	shalt  }
0x46: {  	_ =	shalt  }
0x47: {  	_ =	shalt  }
0x48: {  	_ =	shalt  }
0x49: {  	_ =	shalt  }
0x4a: {  	_ =	shalt  }
0x4b: {  	_ =	shalt  }
0x4c: {  	_ =	shalt  }
0x4d: {  	_ =	shalt  }
0x4e: {  	_ =	shalt  }
0x4f: {  	_ =	shalt  }
0x50: {  	_ =	shalt  }
0x51: {  	_ =	shalt  }
0x52: {  	_ =	shalt  }
0x53: {  	_ =	shalt  }
0x54: {  	_ =	shalt  }
0x55: {  	_ =	shalt  }
0x56: {  	_ =	shalt  }
0x57: {  	_ =	shalt  }
0x58: {  	_ =	shalt  }
0x59: {  	_ =	shalt  }
0x5a: {  	_ =	shalt  }
0x5b: {  	_ =	shalt  }
0x5c: {  	_ =	shalt  }
0x5d: {  	_ =	shalt  }
0x5e: {  	_ =	shalt  }
0x5f: {  	_ =	shalt  }
0x60: {  	_ =	shalt  }
0x61: {  	_ =	shalt  }
0x62: {  	_ =	shalt  }
0x63: {  	_ =	shalt  }
0x64: {  	_ =	shalt  }
0x65: {  	_ =	shalt  }
0x66: {  	_ =	shalt  }
0x67: {  	_ =	shalt  }
0x68: {  	_ =	shalt  }
0x69: {  	_ =	shalt  }
0x6a: {  	_ =	shalt  }
0x6b: {  	_ =	shalt  }
0x6c: {  	_ =	shalt  }
0x6d: {  	_ =	shalt  }
0x6e: {  	_ =	shalt  }
0x6f: {  	_ =	shalt  }
0x70: {  	_ =	shalt  }
0x71: {  	_ =	shalt  }
0x72: {  	_ =	shalt  }
0x73: {  	_ =	shalt  }
0x74: {  	_ =	shalt  }
0x75: {  	_ =	shalt  }
0x76: {  	_ =	shalt  }
0x77: {  	_ =	shalt  }
0x78: {  	_ =	shalt  }
0x79: {  	_ =	shalt  }
0x7a: {  	_ =	shalt  }
0x7b: {  	_ =	shalt  }
0x7c: {  	_ =	shalt  }
0x7d: {  	_ =	shalt  }
0x7e: {  	_ =	shalt  }
0x7f: {  	_ =	shalt  }
0x80: {  	_ =	shalt  }
0x81: {  	_ =	shalt  }
0x82: {  	_ =	shalt  }
0x83: {  	_ =	shalt  }
0x84: {  	_ =	shalt  }
0x85: {  	_ =	shalt  }
0x86: {  	_ =	shalt  }
0x87: {  	_ =	shalt  }
.Lfunc_end0:
.L_simem_size_0:
called_computation_lowered:
.L_overlay_start_0:
0x88: {  	s2 =	sld [smem:$0x3FD9]  }
0x89: {  	s3 =	sld [smem:$0x3FFE];
	_ =	sdelay $0x1  }
0x8a: {  	s1 =	srdreg.scid  }
0x8b: {  	s0 =	sand.u32 $0x1, s1  }
0x8c: {  	s16 =	sshll.u32 s0, $0xA;
	s2 =	sadd.s32 s3, s2  }
0x8d: {  	s2 =	sadd.s32 s2, s16  }
0x8e: {  	[smem:$0x3FC1] =	sst s2  }
0x8f: {  	_ = 	snop  }
0x90: {  	(tm) =	ssettm $0x1  }
0x91: {  	s17 =	sld [smem:$0x3FFB];
	_ =	sdelay $0x3  }
0x92: {  	_ =	strace s17  }
0x93: {  	s2 =	sld [smem:$0x3FFC];
	_ =	sdelay $0x3  }
0x94: {  	_ =	strace s2  }
0x95: {  	s2 =	sld [smem:$0x3FFD];
	_ =	sdelay $0x3  }
0x96: {  	_ =	strace s2  }
0x97: {  	_ =	strace $0x8FFFFFFF  }
0x98: {  	s18 =	sld [smem:$0x3FDB];
	_ =	sdelay $0x1  }
0x99: {  	s19 =	simm.s32 $_scs_section_size  }
0x9a: {  	s4 =	simm.s32 $_size__tile_overlayer_lowered;
	s5 =	simm.s32 $_tile_overlayer_lowered  }
0x9b: {  	s22 =	simm.s32 $0x1BFF;
	s21 =	sshll.u32 s5, $0x1;
	s2 =	sadd.s32 s19, s18  }
0x9c: {  	s6 =	simm.s32 $0x0;
	s20 =	sshll.u32 s4, $0x1;
	s4 =	sadd.s32 s21, s2  }
0x9d: {  	[timem:s6], [sflag:s22] =	dma.local [hbm:s4], s20  }
0x9e: {  	_ =	swait.ge [sflag:s22], s20  }
0x9f: {  	s3 =	ssub.s32 $0x0, s20;
	[sflag:s22] =	ssyncset.done $0x0  }
0xa0: {  	[sflag:s22] =	ssyncadd.s32 s3;
	_ =	sdelay $0x1  }
0xa1: {  	s23 =	simm.s32 $0x1B8B  }
0xa2: {  	_ =	swait.ge [sflag:s23], $0x1  }
0xa3: {  	[sflag:s23] =	ssyncset.done $0x0  }
0xa4: {  	s25 =	simm.s32 $0x1B8E;
	s24 =	sld [smem:$0x3FFE];
	[sflag:s23] =	ssyncadd.s32 $0xFFFFFFFF  }
0xa5: {  	s26 =	simm.s32 $execute0_lowered;
	[smem:$0x3FD2] =	sst s25  }
0xa6: {  	s4 =	sshll.u32 s26, $0x1;
	_ =	strace $0x80000046;
	[dreg:$0x1] =	wrdreg $0xFFFFFFFF  }
0xa7: {  	s28 =	simm.s32 $_size_execute0_lowered;
	s2 =	sadd.s32 s2, s4;
	[dreg:$0x0] =	wrdreg $0x0  }
0xa8: {  	s4 =	sshll.u32 s28, $0x1;
	[dreg:$0x2] =	wrdreg s2  }
0xa9: {  	[dreg:$0x3] =	wrdreg s4  }
0xaa: {  	[dreg:$0x4] =	wrdreg $0xC0  }
0xab: {  	_ =	task [dreg:s6], $0x5FFFF  }
0xac: {  	[dreg:$0x1] =	wrdreg $0xFFFFFFFF  }
0xad: {  	[dreg:$0x0] =	wrdreg $0x60  }
0xae: {  	[dreg:$0x2] =	wrdreg s24  }
0xaf: {  	[dreg:$0x3] =	wrdreg $0x0  }
0xb0: {  	[dreg:$0x4] =	wrdreg $0x9  }
0xb1: {  	_ =	task.clear_ibuf [dreg:s6], $0x5FFFF;
	_ =	strace $0x90000046  }
0xb2: {  	s29 =	simm.s32 $0x9;
	_ =	strace $0x80000048  }
0xb3: {  	_ =	swait.ge [sflag:s29], $0x1  }
0xb4: {  	[sflag:s29] =	ssyncadd.s32 $0xFFFFFFFF  }
0xb5: {  	_ =	strace $0x90000048  }
0xb6: {  	_ =	sfence  }
0xb7: {  	s30 =	sld [smem:$0x0];
	_ =	sdelay $0x2  }
0xb8: {  	s31 =	sshll.u32 s1, $0xD;
	s1 =	sshrl.u32 s1, $0x2  }
0xb9: {  	s3 =	sand.u32 $0x4000, s31;
	s1 =	sadd.s32 s1, s30  }
0xba: {  	s0 =	sor.u32 s3, s0;
	s1 =	sshll.u32 s1, $0x11  }
0xbb: {  	s0 =	sor.u32 s1, s0  }
0xbc: {  	s0 =	sadd.s32 $0x8F2B, s0  }
0xbd: {  	[sflag:s0] =	ssyncadd.remote.s32 $0x1  }
0xbe: {  	_ =	sfence.sel $0xFFFF  }
0xbf: {  	[dreg:$0x0] =	wrdreg $0xFFFFFFFF;
	(pc) =	sbr.abs _section_cstart, $3  }
0xc0: {  	[dreg:$0x1] =	wrdreg $0xFFFFFFFF  }
0xc1: {  	_ =	task.clear_ibuf [dreg:s6], $0x2FFFF;
	_ =	strace $0x9FFFFFFF  }
0xc2: {  	(tm) =	ssettm $0x7FFFFFFF  }
0xc3: {  	_ =	shalt  }
tec
execute0_lowered:
.L_overlay_start_1:
0x0: {  	(tag) =	ssettag $0x1  }
0x1: {  	s1 =	srdreg.scid;
	s6 =	rddreg [dreg:$0x0]  }
0x2: {  	s0 =	stileid.u32;
	s2 =	rddreg [dreg:$0x1]  }
0x3: {  	s3 =	simm.s32 $0x0;
	s12 =	simm.s32 $0x3BC0;
	s13 =	simm.s32 $0x13C0  }
0x4: {  	s14 =	simm.s32 $0x80;
	s15 =	simm.s32 $0x1;
	s16 =	simm.s32 $0x0  }
0x5: {  	s5 =	sand.u32 $0x1, s1;
	s28 =	sshll.u32 s0, $0x1;
	s7 =	smul.u32 $0x2780, s0  }
0x6: {  	[smem:$0x7FF] =	sst s3;
	s31 =	sshll.u32 s0, $0x6;
	s1 =	sor.u32 s5, s28  }
0x7: {  	s8 =	smul.u32 $0x27800, s5;
	s10 =	ssub.s32 $0x2, s5;
	s5 =	sadd.s32 $0x1200, s6  }
0x8: {  	s4 =	smul.u32 $0x500, s1;
	s1 =	rddreg [dreg:$0x2];
	_ =	strace $0x80000047  }
0x9: {  	s29 =	sshrl.u32 s10, $0x1;
	s30 =	sshrl.u32 s7, $0x1;
	s8 =	sadd.s32 s7, s8  }
0xa: {  	s10 =	ssub.s32 s10, s29;
	s11 =	sadd.s32 s30, s2;
	s8 =	sshrl.u32 s8, $0x4  }
0xb: {  	s9 =	sadd.s32 s4, s6;
	s4 =	sadd.s32 $0x1600, s6;
	s8 =	sadd.s32 s8, s6  }
0xc: {  	s6 =	sor.u32 $0x1C02, s31;
	s7 =	sadd.s32 $0x1800, s9;
	s9 =	smax.u32 s10, $0x1  }
0xd: {  	s10 =	sshrl.u32 s11, $0x3;
	s11 =	simm.s32 $0x2;
	s8 =	sadd.s32 $0xB800, s8  }
.LBB2_1:
0xe: {  	[spmem:s10], [sflag:s6] =	dma.local [hbm:s5], $0x278  }
0xf: {  	_ =	swait.ge [sflag:s11], $0x278  }
0x10: {  	[sflag:s11] =	ssyncset.done $0x0  }
0x11: {  	[sflag:s11] =	ssyncadd.s32 $0xFFFFFD88  }
0x12: {  	[tilespmem:s12], [sflag:$0x2] =	stream.linear.gather [hbm4b:s4+s3], $0x400, $0x38;
	[tilespmem:$0x3FC0] =	vst v63  }
0x13: {  	_ =	swait.ge [sflag:s11], $0x400  }
0x14: {  	[sflag:s11] =	ssyncset.done $0x0  }
0x15: {  	[sflag:s11] =	ssyncadd.s32 $0xFFFFFC00  }
0x16: {  	[tilespmem:s13], [sflag:$0x2] =	stream.linear.gather [hbm4b:s7+s3], $0x2800, $0x38;
	[tilespmem:$0x3FC0] =	vst v63  }
0x17: {  	_ =	swait.ge [sflag:s11], $0x2800  }
0x18: {  	[sflag:s11] =	ssyncset.done $0x0  }
0x19: {  	[sflag:s11] =	ssyncadd.s32 $0xFFFFD800  }
0x1a: {  	s17 =	simm.s32 $0x0;
	[bflag:$0x0] =	sbarrier.arrive $0xFFFF  }
.LBB2_2:
0x1b: {  	p0 =	sne.s32 s17, $0x9E00  }
.Ltmp0:
0x1c: {  	_ = 	snop;
	(pc) =	sbr.rel @p0 .LBB2_2-.Ltmp0, $4  }
0x1d: {  	_ = 	snop  }
0x1e: {  	s18 =	sshra.s32 s17, $0x2  }
0x1f: {  	s17 =	sadd.s32 $0x200, s17;
	s18 =	sadd.s32 $0x13C0, s18  }
0x20: {  	[spmem:s2] =	stream.indirect.scatter.add.bf16 [tilespmem:s12], [sflag:$0x1], $0x8, s18, s14, $0xb8;
	[tilespmem:$0x3FC0] =	vst v63  }
0x21: {  	_ =	swait.ge [sflag:s15], $0x400  }
0x22: {  	s17 =	simm.s32 $0x4F;
	[sflag:s15] =	ssyncset.done $0x0  }
.LBB2_4:
0x23: {  	p0 =	sne.s32 s17, $0x1;
	s17 =	sadd.s32 $0xFFFFFFFF, s17;
	[sflag:s15] =	ssyncadd.s32 $0xFFFFFC00  }
.Ltmp1:
0x24: {  	(pc) =	sbr.rel @p0 .LBB2_4-.Ltmp1, $3  }
0x25: {  	_ =	sdelay $0x1  }
0x26: {  	_ =	swait.ge [sflag:s15], $0x400  }
0x27: {  	[sflag:s15] =	ssyncset.done $0x0  }
0x28: {  	s16 =	sadd.s32 $0x1, s16  }
0x29: {  	[sflag:s15] =	ssyncadd.s32 $0xFFFFFC00;
	p0 =	sne.s32 s16, s9  }
.Ltmp2:
0x2a: {  	[bflag:$0x0] =	sbarrier.arrive $0xFFFF;
	(pc) =	sbr.rel @p0 .LBB2_1-.Ltmp2, $4  }
0x2b: {  	[hbm:s8], [sflag:s6] =	dma.local [spmem:s10], $0x278  }
0x2c: {  	_ =	swait.ge [sflag:s11], $0x278  }
0x2d: {  	[sflag:s11] =	ssyncset.done $0x0  }
0x2e: {  	[sflag:s11] =	ssyncadd.s32 $0xFFFFFD88  }
0x2f: {  	_ =	sfence.sel $0x180000  }
0x30: {  	[bflag:$0x0] =	sbarrier.arrive $0xFFFF  }
0x31: {  	p0 =	sne.s32 s0, $0x0;
	_ =	strace $0x90000047  }
0x32: {  	s0 =	sadd.s32 @!p0 $0x100000, s1;
	[bflag:$0x2] =	sbarrier.arrive $0xFFFF  }
0x33: {  	[sflag:s0] =	ssyncadd.tile.s32 @!p0 $0x1;
	_ =	shalt  }
.Lfunc_end2:
_tile_overlayer_lowered:
.L_overlay_start_2:
0x34: {  	(tag) =	ssettag $0x2  }
0x35: {  	s0 =	rddreg [dreg:$0x0];
	s2 =	stileid.u32  }
0x36: {  	s1 =	rddreg [dreg:$0x1];
	p0 =	sne.s32 s2, $0x0  }
0x37: {  	s3 =	rddreg [dreg:$0x2];
	[bflag:$0x3] =	sbarrier.arrive $0xFFFF;
	s2 =	simm.s32 @!p0 $0x1C02  }
0x38: {  	[timem:s3], [sflag:s2] =	dma.local @!p0 [hbm:s0], s1  }
0x39: {  	s0 =	simm.s32 @!p0 $0x2  }
0x3a: {  	_ =	swait.ge @!p0 [sflag:s0], s1  }
0x3b: {  	s1 =	ssub.s32 @!p0 $0x0, s1;
	[sflag:s0] =	ssyncset.done @!p0 $0x0  }
0x3c: {  	[sflag:s0] =	ssyncadd.s32 @!p0 s1  }
0x3d: {  	[bflag:$0x3] =	sbarrier.arrive $0xFFFF  }
0x3e: {  	_ =	shalt  }

</sc_bundles>
